<compile_context>
chip_gen: v7x
topology: tpu7x:2x2x1
jax: 0.10.2.dev20260603
libtpu: 0.0.44.dev20260713+nightly
codegen_flags: <defaults>
</compile_context>

<pallas_src>
import functools

import jax
import jax.numpy as jnp
from jax import lax
from jax.experimental import pallas as pl
from jax.experimental.pallas import tpu as pltpu
from jax.experimental.pallas import tpu_sc as plsc

_B = 32
_N = 3 * 512 * 512
_K = _N // 8
_NB = 32768
_CHUNK = 8192
_NCH = _N // _CHUNK
_NS = 16
_NSUP = _NB // 256
_TINY = 2.0 ** -126

_mesh = plsc.VectorSubcoreMesh(core_axis_name="c", subcore_axis_name="s")


@functools.partial(
    pl.kernel,
    out_type=jax.ShapeDtypeStruct((_B * 16,), jnp.float32),
    mesh=_mesh,
    compiler_params=pltpu.CompilerParams(
        needs_layout_passes=False, use_tc_tiling_on_sc=True),
    scratch_types=[
        pltpu.VMEM((16, 512), jnp.float32),
        pltpu.VMEM((16, 512), jnp.float32),
        pltpu.VMEM((16, 512), jnp.float32),
        pltpu.VMEM((16, 512), jnp.float32),
        pltpu.VMEM((_NB,), jnp.float32),
        pltpu.VMEM((128,), jnp.float32),
        pltpu.VMEM((16,), jnp.float32),
        pltpu.SemaphoreType.DMA,
        pltpu.SemaphoreType.DMA,
        pltpu.SemaphoreType.DMA,
        pltpu.SemaphoreType.DMA,
    ],
)
def _topk_mean_sc(o_hbm, t_hbm, out_hbm, obuf0, obuf1, tbuf0, tbuf1,
                  sm, rcp, rbuf, so0, so1, st0, st1):
    wid = lax.axis_index("c") * _NS + lax.axis_index("s")
    obufs, tbufs = (obuf0, obuf1), (tbuf0, tbuf1)
    osems, tsems = (so0, so1), (st0, st1)

    def in_slice(hbm, c):
        return hbm.at[wid, c // 32, pl.ds((c % 32) * 16, 16), :]

    zf = jnp.zeros((16,), jnp.float32)
    zi = jnp.zeros((16,), jnp.int32)
    iota = lax.iota(jnp.int32, 16)
    iota_f = iota.astype(jnp.float32)

    @plsc.parallel_loop(0, _NB, 16, unroll=8)
    def _(i):
        sm[pl.ds(i, 16)] = zf

    for jj in range(8):
        mid = 1.0 + (jj * 16 + iota_f + 0.5) * (1.0 / 128.0)
        rcp[pl.ds(jj * 16, 16)] = 1.0 / mid

    for b in range(2):
        pltpu.async_copy(in_slice(o_hbm, jnp.int32(b)), obufs[b], osems[b])
        pltpu.async_copy(in_slice(t_hbm, jnp.int32(b)), tbufs[b], tsems[b])

    def outer_body(g, carry):
        for b in range(2):
            c = g * 2 + b
            pltpu.make_async_copy(
                in_slice(o_hbm, c), obufs[b], osems[b]).wait()
            pltpu.make_async_copy(
                in_slice(t_hbm, c), tbufs[b], tsems[b]).wait()
            ob, tb = obufs[b], tbufs[b]

            @plsc.parallel_loop(0, _CHUNK, 16, unroll=8)
            def _(v):
                o = ob[v >> 9, pl.ds(v & 511, 16)]
                t = tb[v >> 9, pl.ds(v & 511, 16)]
                d = o - t
                l = d * d
                bits = lax.bitcast_convert_type(l, jnp.int32)
                idx = lax.shift_right_logical(bits, 16)
                mant = lax.bitcast_convert_type(
                    (bits & 0x7FFFFF) | 0x3F800000, jnp.float32)
                plsc.addupdate_scatter(sm, [idx], mant)

            nxt = c + 2

            @pl.when(nxt < _NCH)
            def _():
                pltpu.async_copy(in_slice(o_hbm, nxt), obufs[b], osems[b])
                pltpu.async_copy(in_slice(t_hbm, nxt), tbufs[b], tsems[b])
        return carry

    lax.fori_loop(0, _NCH // 2, outer_body, 0)

    def chunk_vals(pos):
        a = sm[pl.ds(pos * 16, 16)]
        r = rcp[pl.ds((pos & 7) * 16, 16)]
        chat = a * r
        e = lax.shift_right_logical(pos, 3)
        scale = lax.bitcast_convert_type(
            lax.shift_left(zi + jnp.maximum(e, 1), 23), jnp.float32)
        sums = jnp.where((zi + e) >= 1, a * scale, (a - chat) * _TINY)
        return chat, sums

    kf = jnp.float32(_K)

    def chunk_fine(args):
        pos, s_run, ssum, c_vec, s_vec = args
        sufc = lax.rev(plsc.cumsum(lax.rev(c_vec, (0,))), (0,))
        sufs = lax.rev(plsc.cumsum(lax.rev(s_vec, (0,))), (0,))
        mask = (s_run + sufc) >= kf
        i_star = jnp.max(jnp.where(mask, iota, -1))
        sel = iota == i_star
        suf_at = jnp.sum(jnp.where(sel, sufc, 0.0))
        c_at = jnp.sum(jnp.where(sel, c_vec, 0.0))
        sufs_at = jnp.sum(jnp.where(sel, sufs, 0.0))
        s_at = jnp.sum(jnp.where(sel, s_vec, 0.0))
        return (pos * 16 + i_star, s_run + suf_at - c_at,
                ssum + sufs_at - s_at, c_at, s_at, jnp.int32(1))

    def super_fine(args):
        base_pos, s_run0, ssum0, res0 = args

        def mid_body(t, mcarry):
            s_run, ssum, res = mcarry
            pos = base_pos + 15 - t
            c_vec, s_vec = chunk_vals(pos)
            tot_c = jnp.sum(c_vec)
            tot_s = jnp.sum(s_vec)
            enter = (res[5] == 0) & ((s_run + tot_c) >= kf)
            res = lax.cond(enter, chunk_fine, lambda a: res,
                           (pos, s_run, ssum, c_vec, s_vec))
            return (s_run + tot_c, ssum + tot_s, res)

        _, _, res = lax.fori_loop(0, 16, mid_body, (s_run0, ssum0, res0))
        return res

    def super_body(g, carry):
        s_run, ssum, res = carry
        base_pos = (_NSUP - 1 - g) * 16
        acc_c = zf
        acc_s = zf
        for t in range(16):
            c_vec, s_vec = chunk_vals(base_pos + t)
            acc_c = acc_c + c_vec
            acc_s = acc_s + s_vec
        tot_c = jnp.sum(acc_c)
        tot_s = jnp.sum(acc_s)
        enter = (res[5] == 0) & ((s_run + tot_c) >= kf)
        res = lax.cond(enter, super_fine, lambda a: res,
                       (base_pos, s_run, ssum, res))
        return (s_run + tot_c, ssum + tot_s, res)

    res0 = (jnp.int32(0), jnp.float32(0.0), jnp.float32(0.0),
            jnp.float32(1.0), jnp.float32(0.0), jnp.int32(0))
    (_, _, res) = lax.fori_loop(
        0, _NSUP, super_body, (jnp.float32(0.0), jnp.float32(0.0), res0))
    b_star, cnt_above, sum_above, cnt_b, sum_b, _ = res

    b_v = zi + b_star
    lo_v = lax.bitcast_convert_type(lax.shift_left(b_v, 16), jnp.float32)
    hi_v = lax.bitcast_convert_type(lax.shift_left(b_v + 1, 16), jnp.float32)
    m_v = zf + (kf - cnt_above)
    cb_v = zf + cnt_b
    mu_v = (zf + sum_b) / cb_v
    per_v = jnp.minimum(mu_v + (1.0 - m_v / cb_v) * (hi_v - lo_v) * 0.5, hi_v)
    row_v = (zf + sum_above) + m_v * per_v
    rbuf[...] = row_v * (1.0 / (_B * _K))
    pltpu.sync_copy(rbuf, out_hbm.at[pl.ds(wid * 16, 16)])


def kernel(output, target):
    rows = _topk_mean_sc(output, target)
    return jnp.sum(rows.reshape(_B, 16)[:, 0])

# --- scband reference (transcript-rebuilt; emitter-appended) ---
"""Pipeline reference for scband-bootstrap-l2-loss-70720931495969 (READ-ONLY COPY).

The authoritative reference and input builder live on the scoring server;
editing this copy changes nothing except your own understanding.
"""

import jax, jax.numpy as jnp
import numpy as np

B_RATIO = 8

def setup_inputs(seed: int = 0) -> dict:
    key = jax.random.key(seed)
    k1, k2 = jax.random.split(key)
    output = jax.random.normal(k1, (32, 3, 512, 512), dtype=jnp.float32)
    target = jax.random.normal(k2, (32, 3, 512, 512), dtype=jnp.float32)
    return {"output": output, "target": target}

def reference(output, target):
    batch_size = output.shape[0]
    out_flat = output.reshape((batch_size, -1))
    target_flat = target.reshape((batch_size, -1))
    loss = (out_flat - target_flat) ** 2  # MSELoss(reduction='none')
    k = loss.shape[1] // B_RATIO
    loss_vals, _ = jax.lax.top_k(loss, k)
    return jnp.mean(loss_vals)

if __name__ == "__main__":
    import jax
    _d = setup_inputs()
    print(jax.jit(kernel)(*tuple(_d.values())))

</pallas_src>

<mosaic_0001>
#map = affine_map<(d0, d1) -> (0, 0, 0, 0)>
#map1 = affine_map<(d0, d1) -> (0)>
module attributes {stable_mosaic.version = 14 : i64} {
  func.func @_topk_mean_sc(%arg0: i32, %arg1: i32, %arg2: memref<32x3x512x512xf32, #tpu.memory_space<hbm>>, %arg3: memref<32x3x512x512xf32, #tpu.memory_space<hbm>>, %arg4: memref<512xf32, #tpu.memory_space<hbm>>, %arg5: memref<16x512xf32, #tpu.memory_space<vmem>>, %arg6: memref<16x512xf32, #tpu.memory_space<vmem>>, %arg7: memref<16x512xf32, #tpu.memory_space<vmem>>, %arg8: memref<16x512xf32, #tpu.memory_space<vmem>>, %arg9: memref<32768xf32, #tpu.memory_space<vmem>>, %arg10: memref<128xf32, #tpu.memory_space<vmem>>, %arg11: memref<16xf32, #tpu.memory_space<vmem>>, %arg12: memref<!tpu.dma_semaphore, #tpu.memory_space<semaphore_mem>>, %arg13: memref<!tpu.dma_semaphore, #tpu.memory_space<semaphore_mem>>, %arg14: memref<!tpu.dma_semaphore, #tpu.memory_space<semaphore_mem>>, %arg15: memref<!tpu.dma_semaphore, #tpu.memory_space<semaphore_mem>>) attributes {dimension_semantics = [#tpu.dimension_semantics<core_parallel>, #tpu.dimension_semantics<subcore_parallel>], iteration_bounds = array<i64: 2, 16>, scalar_prefetch = 0 : i64, scratch_operands = 11 : i64, tpu.core_type = #tpu.core_type<sc_vector_subcore>, window_params = [{transform_indices = #map}, {transform_indices = #map}, {transform_indices = #map1}]} {
    %mul3A = arith.constant 16 : i32
    %mul3A_0 = arith.muli %arg0, %mul3A : i32
    %add3A = arith.addi %mul3A_0, %arg1 : i32
    %broadcast_in_dim3A = arith.constant 0.000000e+00 : f32
    %broadcast_in_dim3A_1 = vector.broadcast %broadcast_in_dim3A : f32 to vector<16xf32>
    %broadcast_in_dim3A_2 = arith.constant 0 : i32
    %broadcast_in_dim3A_3 = vector.broadcast %broadcast_in_dim3A_2 : i32 to vector<16xi32>
    %iota3A = tpu.iota {dimensions = array<i32: 0>} : vector<16xi32>
    %convert_element_type3A = arith.sitofp %iota3A : vector<16xi32> to vector<16xf32>
    %parallel_loop3A = arith.constant 0 : i32
    %parallel_loop3A_4 = arith.constant 32768 : i32
    %parallel_loop3A_5 = arith.constant 16 : i32
    scf.for %parallel_loop3A_391 = %parallel_loop3A to %parallel_loop3A_4 step %parallel_loop3A_5  : i32 {
      %parallel_loop3A_392 = arith.index_cast %parallel_loop3A_391 : i32 to index
      %parallel_loop3A_393 = tpu.vector_load %arg9[%parallel_loop3A_392] {strides = array<i32>} : memref<32768xf32, #tpu.memory_space<vmem>>, vector<16xf32>,
      tpu.vector_store %arg9[%parallel_loop3A_392], %broadcast_in_dim3A_1 {strides = array<i32>} : memref<32768xf32, #tpu.memory_space<vmem>>, vector<16xf32>,
    } {sc.loop_unroll_factor = 8 : i64, sc.parallel_access}
    %add3A_6 = arith.constant 0.000000e+00 : f32
    %add3A_7 = vector.broadcast %add3A_6 : f32 to vector<16xf32>
    %add3A_8 = arith.addf %add3A_7, %convert_element_type3A : vector<16xf32>
    %add3A_9 = arith.constant 5.000000e-01 : f32
    %add3A_10 = vector.broadcast %add3A_9 : f32 to vector<16xf32>
    %add3A_11 = arith.addf %add3A_8, %add3A_10 : vector<16xf32>
    %mul3A_12 = arith.constant 7.812500e-03 : f32
    %mul3A_13 = vector.broadcast %mul3A_12 : f32 to vector<16xf32>
    %mul3A_14 = arith.mulf %add3A_11, %mul3A_13 : vector<16xf32>
    %add3A_15 = arith.constant 1.000000e+00 : f32
    %add3A_16 = vector.broadcast %add3A_15 : f32 to vector<16xf32>
    %add3A_17 = arith.addf %add3A_16, %mul3A_14 : vector<16xf32>
    %div3A = arith.constant 1.000000e+00 : f32
    %div3A_18 = vector.broadcast %div3A : f32 to vector<16xf32>
    %div3A_19 = arith.divf %div3A_18, %add3A_17 : vector<16xf32>
    %swap3A = arith.constant 0 : index
    %swap3A_20 = tpu.vector_load %arg10[%swap3A] {strides = array<i32>} : memref<128xf32, #tpu.memory_space<vmem>>, vector<16xf32>,
    tpu.vector_store %arg10[%swap3A], %div3A_19 {strides = array<i32>} : memref<128xf32, #tpu.memory_space<vmem>>, vector<16xf32>,
    %add3A_21 = arith.constant 1.600000e+01 : f32
    %add3A_22 = vector.broadcast %add3A_21 : f32 to vector<16xf32>
    %add3A_23 = arith.addf %add3A_22, %convert_element_type3A : vector<16xf32>
    %add3A_24 = arith.constant 5.000000e-01 : f32
    %add3A_25 = vector.broadcast %add3A_24 : f32 to vector<16xf32>
    %add3A_26 = arith.addf %add3A_23, %add3A_25 : vector<16xf32>
    %mul3A_27 = arith.constant 7.812500e-03 : f32
    %mul3A_28 = vector.broadcast %mul3A_27 : f32 to vector<16xf32>
    %mul3A_29 = arith.mulf %add3A_26, %mul3A_28 : vector<16xf32>
    %add3A_30 = arith.constant 1.000000e+00 : f32
    %add3A_31 = vector.broadcast %add3A_30 : f32 to vector<16xf32>
    %add3A_32 = arith.addf %add3A_31, %mul3A_29 : vector<16xf32>
    %div3A_33 = arith.constant 1.000000e+00 : f32
    %div3A_34 = vector.broadcast %div3A_33 : f32 to vector<16xf32>
    %div3A_35 = arith.divf %div3A_34, %add3A_32 : vector<16xf32>
    %swap3A_36 = arith.constant 16 : index
    %swap3A_37 = tpu.vector_load %arg10[%swap3A_36] {strides = array<i32>} : memref<128xf32, #tpu.memory_space<vmem>>, vector<16xf32>,
    tpu.vector_store %arg10[%swap3A_36], %div3A_35 {strides = array<i32>} : memref<128xf32, #tpu.memory_space<vmem>>, vector<16xf32>,
    %add3A_38 = arith.constant 3.200000e+01 : f32
    %add3A_39 = vector.broadcast %add3A_38 : f32 to vector<16xf32>
    %add3A_40 = arith.addf %add3A_39, %convert_element_type3A : vector<16xf32>
    %add3A_41 = arith.constant 5.000000e-01 : f32
    %add3A_42 = vector.broadcast %add3A_41 : f32 to vector<16xf32>
    %add3A_43 = arith.addf %add3A_40, %add3A_42 : vector<16xf32>
    %mul3A_44 = arith.constant 7.812500e-03 : f32
    %mul3A_45 = vector.broadcast %mul3A_44 : f32 to vector<16xf32>
    %mul3A_46 = arith.mulf %add3A_43, %mul3A_45 : vector<16xf32>
    %add3A_47 = arith.constant 1.000000e+00 : f32
    %add3A_48 = vector.broadcast %add3A_47 : f32 to vector<16xf32>
    %add3A_49 = arith.addf %add3A_48, %mul3A_46 : vector<16xf32>
    %div3A_50 = arith.constant 1.000000e+00 : f32
    %div3A_51 = vector.broadcast %div3A_50 : f32 to vector<16xf32>
    %div3A_52 = arith.divf %div3A_51, %add3A_49 : vector<16xf32>
    %swap3A_53 = arith.constant 32 : index
    %swap3A_54 = tpu.vector_load %arg10[%swap3A_53] {strides = array<i32>} : memref<128xf32, #tpu.memory_space<vmem>>, vector<16xf32>,
    tpu.vector_store %arg10[%swap3A_53], %div3A_52 {strides = array<i32>} : memref<128xf32, #tpu.memory_space<vmem>>, vector<16xf32>,
    %add3A_55 = arith.constant 4.800000e+01 : f32
    %add3A_56 = vector.broadcast %add3A_55 : f32 to vector<16xf32>
    %add3A_57 = arith.addf %add3A_56, %convert_element_type3A : vector<16xf32>
    %add3A_58 = arith.constant 5.000000e-01 : f32
    %add3A_59 = vector.broadcast %add3A_58 : f32 to vector<16xf32>
    %add3A_60 = arith.addf %add3A_57, %add3A_59 : vector<16xf32>
    %mul3A_61 = arith.constant 7.812500e-03 : f32
    %mul3A_62 = vector.broadcast %mul3A_61 : f32 to vector<16xf32>
    %mul3A_63 = arith.mulf %add3A_60, %mul3A_62 : vector<16xf32>
    %add3A_64 = arith.constant 1.000000e+00 : f32
    %add3A_65 = vector.broadcast %add3A_64 : f32 to vector<16xf32>
    %add3A_66 = arith.addf %add3A_65, %mul3A_63 : vector<16xf32>
    %div3A_67 = arith.constant 1.000000e+00 : f32
    %div3A_68 = vector.broadcast %div3A_67 : f32 to vector<16xf32>
    %div3A_69 = arith.divf %div3A_68, %add3A_66 : vector<16xf32>
    %swap3A_70 = arith.constant 48 : index
    %swap3A_71 = tpu.vector_load %arg10[%swap3A_70] {strides = array<i32>} : memref<128xf32, #tpu.memory_space<vmem>>, vector<16xf32>,
    tpu.vector_store %arg10[%swap3A_70], %div3A_69 {strides = array<i32>} : memref<128xf32, #tpu.memory_space<vmem>>, vector<16xf32>,
    %add3A_72 = arith.constant 6.400000e+01 : f32
    %add3A_73 = vector.broadcast %add3A_72 : f32 to vector<16xf32>
    %add3A_74 = arith.addf %add3A_73, %convert_element_type3A : vector<16xf32>
    %add3A_75 = arith.constant 5.000000e-01 : f32
    %add3A_76 = vector.broadcast %add3A_75 : f32 to vector<16xf32>
    %add3A_77 = arith.addf %add3A_74, %add3A_76 : vector<16xf32>
    %mul3A_78 = arith.constant 7.812500e-03 : f32
    %mul3A_79 = vector.broadcast %mul3A_78 : f32 to vector<16xf32>
    %mul3A_80 = arith.mulf %add3A_77, %mul3A_79 : vector<16xf32>
    %add3A_81 = arith.constant 1.000000e+00 : f32
    %add3A_82 = vector.broadcast %add3A_81 : f32 to vector<16xf32>
    %add3A_83 = arith.addf %add3A_82, %mul3A_80 : vector<16xf32>
    %div3A_84 = arith.constant 1.000000e+00 : f32
    %div3A_85 = vector.broadcast %div3A_84 : f32 to vector<16xf32>
    %div3A_86 = arith.divf %div3A_85, %add3A_83 : vector<16xf32>
    %swap3A_87 = arith.constant 64 : index
    %swap3A_88 = tpu.vector_load %arg10[%swap3A_87] {strides = array<i32>} : memref<128xf32, #tpu.memory_space<vmem>>, vector<16xf32>,
    tpu.vector_store %arg10[%swap3A_87], %div3A_86 {strides = array<i32>} : memref<128xf32, #tpu.memory_space<vmem>>, vector<16xf32>,
    %add3A_89 = arith.constant 8.000000e+01 : f32
    %add3A_90 = vector.broadcast %add3A_89 : f32 to vector<16xf32>
    %add3A_91 = arith.addf %add3A_90, %convert_element_type3A : vector<16xf32>
    %add3A_92 = arith.constant 5.000000e-01 : f32
    %add3A_93 = vector.broadcast %add3A_92 : f32 to vector<16xf32>
    %add3A_94 = arith.addf %add3A_91, %add3A_93 : vector<16xf32>
    %mul3A_95 = arith.constant 7.812500e-03 : f32
    %mul3A_96 = vector.broadcast %mul3A_95 : f32 to vector<16xf32>
    %mul3A_97 = arith.mulf %add3A_94, %mul3A_96 : vector<16xf32>
    %add3A_98 = arith.constant 1.000000e+00 : f32
    %add3A_99 = vector.broadcast %add3A_98 : f32 to vector<16xf32>
    %add3A_100 = arith.addf %add3A_99, %mul3A_97 : vector<16xf32>
    %div3A_101 = arith.constant 1.000000e+00 : f32
    %div3A_102 = vector.broadcast %div3A_101 : f32 to vector<16xf32>
    %div3A_103 = arith.divf %div3A_102, %add3A_100 : vector<16xf32>
    %swap3A_104 = arith.constant 80 : index
    %swap3A_105 = tpu.vector_load %arg10[%swap3A_104] {strides = array<i32>} : memref<128xf32, #tpu.memory_space<vmem>>, vector<16xf32>,
    tpu.vector_store %arg10[%swap3A_104], %div3A_103 {strides = array<i32>} : memref<128xf32, #tpu.memory_space<vmem>>, vector<16xf32>,
    %add3A_106 = arith.constant 9.600000e+01 : f32
    %add3A_107 = vector.broadcast %add3A_106 : f32 to vector<16xf32>
    %add3A_108 = arith.addf %add3A_107, %convert_element_type3A : vector<16xf32>
    %add3A_109 = arith.constant 5.000000e-01 : f32
    %add3A_110 = vector.broadcast %add3A_109 : f32 to vector<16xf32>
    %add3A_111 = arith.addf %add3A_108, %add3A_110 : vector<16xf32>
    %mul3A_112 = arith.constant 7.812500e-03 : f32
    %mul3A_113 = vector.broadcast %mul3A_112 : f32 to vector<16xf32>
    %mul3A_114 = arith.mulf %add3A_111, %mul3A_113 : vector<16xf32>
    %add3A_115 = arith.constant 1.000000e+00 : f32
    %add3A_116 = vector.broadcast %add3A_115 : f32 to vector<16xf32>
    %add3A_117 = arith.addf %add3A_116, %mul3A_114 : vector<16xf32>
    %div3A_118 = arith.constant 1.000000e+00 : f32
    %div3A_119 = vector.broadcast %div3A_118 : f32 to vector<16xf32>
    %div3A_120 = arith.divf %div3A_119, %add3A_117 : vector<16xf32>
    %swap3A_121 = arith.constant 96 : index
    %swap3A_122 = tpu.vector_load %arg10[%swap3A_121] {strides = array<i32>} : memref<128xf32, #tpu.memory_space<vmem>>, vector<16xf32>,
    tpu.vector_store %arg10[%swap3A_121], %div3A_120 {strides = array<i32>} : memref<128xf32, #tpu.memory_space<vmem>>, vector<16xf32>,
    %add3A_123 = arith.constant 1.120000e+02 : f32
    %add3A_124 = vector.broadcast %add3A_123 : f32 to vector<16xf32>
    %add3A_125 = arith.addf %add3A_124, %convert_element_type3A : vector<16xf32>
    %add3A_126 = arith.constant 5.000000e-01 : f32
    %add3A_127 = vector.broadcast %add3A_126 : f32 to vector<16xf32>
    %add3A_128 = arith.addf %add3A_125, %add3A_127 : vector<16xf32>
    %mul3A_129 = arith.constant 7.812500e-03 : f32
    %mul3A_130 = vector.broadcast %mul3A_129 : f32 to vector<16xf32>
    %mul3A_131 = arith.mulf %add3A_128, %mul3A_130 : vector<16xf32>
    %add3A_132 = arith.constant 1.000000e+00 : f32
    %add3A_133 = vector.broadcast %add3A_132 : f32 to vector<16xf32>
    %add3A_134 = arith.addf %add3A_133, %mul3A_131 : vector<16xf32>
    %div3A_135 = arith.constant 1.000000e+00 : f32
    %div3A_136 = vector.broadcast %div3A_135 : f32 to vector<16xf32>
    %div3A_137 = arith.divf %div3A_136, %add3A_134 : vector<16xf32>
    %swap3A_138 = arith.constant 112 : index
    %swap3A_139 = tpu.vector_load %arg10[%swap3A_138] {strides = array<i32>} : memref<128xf32, #tpu.memory_space<vmem>>, vector<16xf32>,
    tpu.vector_store %arg10[%swap3A_138], %div3A_137 {strides = array<i32>} : memref<128xf32, #tpu.memory_space<vmem>>, vector<16xf32>,
    %jit3A = arith.constant 0 : i32
    %jit3A_140 = arith.constant 32 : i32
    %div3A_141 = arith.divsi %jit3A, %jit3A_140 : i32
    %sign3A = arith.constant 0 : i32
    %sign3A_142 = arith.cmpi sgt, %jit3A, %sign3A : i32
    %sign3A_143 = arith.extui %sign3A_142 : i1 to i32
    %sign3A_144 = arith.constant 0 : i32
    %sign3A_145 = arith.cmpi slt, %jit3A, %sign3A_144 : i32
    %sign3A_146 = arith.extui %sign3A_145 : i1 to i32
    %sign3A_147 = arith.subi %sign3A_143, %sign3A_146 : i32
    %sign3A_148 = arith.constant 0 : i32
    %sign3A_149 = arith.cmpi sgt, %jit3A_140, %sign3A_148 : i32
    %sign3A_150 = arith.extui %sign3A_149 : i1 to i32
    %sign3A_151 = arith.constant 0 : i32
    %sign3A_152 = arith.cmpi slt, %jit3A_140, %sign3A_151 : i32
    %sign3A_153 = arith.extui %sign3A_152 : i1 to i32
    %sign3A_154 = arith.subi %sign3A_150, %sign3A_153 : i32
    %ne3A = arith.cmpi ne, %sign3A_147, %sign3A_154 : i32
    %rem3A = arith.remsi %jit3A, %jit3A_140 : i32
    %ne3A_155 = arith.constant 0 : i32
    %ne3A_156 = arith.cmpi ne, %rem3A, %ne3A_155 : i32
    %and3A = arith.andi %ne3A, %ne3A_156 : i1
    %sub3A = arith.constant 1 : i32
    %sub3A_157 = arith.subi %div3A_141, %sub3A : i32
    %select_n3A = arith.select %and3A, %sub3A_157, %div3A_141 : i32
    %jit3A_158 = arith.constant 0 : i32
    %jit3A_159 = arith.constant 32 : i32
    %eq3A = arith.constant 0 : i32
    %eq3A_160 = arith.cmpi eq, %jit3A_159, %eq3A : i32
    %jit3A_161 = arith.constant 1 : i32
    %select_n3A_162 = arith.select %eq3A_160, %jit3A_161, %jit3A_159 : i32
    %rem3A_163 = arith.remsi %jit3A_158, %select_n3A_162 : i32
    %ne3A_164 = arith.constant 0 : i32
    %ne3A_165 = arith.cmpi ne, %rem3A_163, %ne3A_164 : i32
    %lt3A = arith.constant 0 : i32
    %lt3A_166 = arith.cmpi slt, %rem3A_163, %lt3A : i32
    %lt3A_167 = arith.constant 0 : i32
    %lt3A_168 = arith.cmpi slt, %select_n3A_162, %lt3A_167 : i32
    %ne3A_169 = arith.xori %lt3A_166, %lt3A_168 : i1
    %and3A_170 = arith.andi %ne3A_169, %ne3A_165 : i1
    %add3A_171 = arith.addi %rem3A_163, %select_n3A_162 : i32
    %select_n3A_172 = arith.select %and3A_170, %add3A_171, %rem3A_163 : i32
    %mul3A_173 = arith.constant 16 : i32
    %mul3A_174 = arith.muli %select_n3A_172, %mul3A_173 : i32
    %dma_start3A = arith.constant 0 : i32
    %dma_start3A_175 = tpu.memref_slice %arg2[%add3A, %select_n3A, %mul3A_174, %dma_start3A] : memref<32x3x512x512xf32, #tpu.memory_space<hbm>> -> memref<1x1x16x512xf32, #tpu.memory_space<hbm>>
    %dma_start3A_176 = tpu.memref_squeeze %dma_start3A_175 : memref<1x1x16x512xf32, #tpu.memory_space<hbm>> -> memref<16x512xf32, #tpu.memory_space<hbm>>
    %dma_start3A_177 = arith.constant 0 : i32
    %dma_start3A_178 = tpu.memref_slice %arg2[%add3A, %select_n3A, %mul3A_174, %dma_start3A_177] : memref<32x3x512x512xf32, #tpu.memory_space<hbm>> -> memref<1x1x16x512xf32, #tpu.memory_space<hbm>>
    %dma_start3A_179 = tpu.memref_squeeze %dma_start3A_178 : memref<1x1x16x512xf32, #tpu.memory_space<hbm>> -> memref<16x512xf32, #tpu.memory_space<hbm>>
    tpu.enqueue_dma source(%dma_start3A_179 : memref<16x512xf32, #tpu.memory_space<hbm>>) target(%arg5 : memref<16x512xf32, #tpu.memory_space<vmem>>) target_semaphore(%arg12 : memref<!tpu.dma_semaphore, #tpu.memory_space<semaphore_mem>>)
    %jit3A_180 = arith.constant 0 : i32
    %jit3A_181 = arith.constant 32 : i32
    %div3A_182 = arith.divsi %jit3A_180, %jit3A_181 : i32
    %sign3A_183 = arith.constant 0 : i32
    %sign3A_184 = arith.cmpi sgt, %jit3A_180, %sign3A_183 : i32
    %sign3A_185 = arith.extui %sign3A_184 : i1 to i32
    %sign3A_186 = arith.constant 0 : i32
    %sign3A_187 = arith.cmpi slt, %jit3A_180, %sign3A_186 : i32
    %sign3A_188 = arith.extui %sign3A_187 : i1 to i32
    %sign3A_189 = arith.subi %sign3A_185, %sign3A_188 : i32
    %sign3A_190 = arith.constant 0 : i32
    %sign3A_191 = arith.cmpi sgt, %jit3A_181, %sign3A_190 : i32
    %sign3A_192 = arith.extui %sign3A_191 : i1 to i32
    %sign3A_193 = arith.constant 0 : i32
    %sign3A_194 = arith.cmpi slt, %jit3A_181, %sign3A_193 : i32
    %sign3A_195 = arith.extui %sign3A_194 : i1 to i32
    %sign3A_196 = arith.subi %sign3A_192, %sign3A_195 : i32
    %ne3A_197 = arith.cmpi ne, %sign3A_189, %sign3A_196 : i32
    %rem3A_198 = arith.remsi %jit3A_180, %jit3A_181 : i32
    %ne3A_199 = arith.constant 0 : i32
    %ne3A_200 = arith.cmpi ne, %rem3A_198, %ne3A_199 : i32
    %and3A_201 = arith.andi %ne3A_197, %ne3A_200 : i1
    %sub3A_202 = arith.constant 1 : i32
    %sub3A_203 = arith.subi %div3A_182, %sub3A_202 : i32
    %select_n3A_204 = arith.select %and3A_201, %sub3A_203, %div3A_182 : i32
    %jit3A_205 = arith.constant 0 : i32
    %jit3A_206 = arith.constant 32 : i32
    %eq3A_207 = arith.constant 0 : i32
    %eq3A_208 = arith.cmpi eq, %jit3A_206, %eq3A_207 : i32
    %jit3A_209 = arith.constant 1 : i32
    %select_n3A_210 = arith.select %eq3A_208, %jit3A_209, %jit3A_206 : i32
    %rem3A_211 = arith.remsi %jit3A_205, %select_n3A_210 : i32
    %ne3A_212 = arith.constant 0 : i32
    %ne3A_213 = arith.cmpi ne, %rem3A_211, %ne3A_212 : i32
    %lt3A_214 = arith.constant 0 : i32
    %lt3A_215 = arith.cmpi slt, %rem3A_211, %lt3A_214 : i32
    %lt3A_216 = arith.constant 0 : i32
    %lt3A_217 = arith.cmpi slt, %select_n3A_210, %lt3A_216 : i32
    %ne3A_218 = arith.xori %lt3A_215, %lt3A_217 : i1
    %and3A_219 = arith.andi %ne3A_218, %ne3A_213 : i1
    %add3A_220 = arith.addi %rem3A_211, %select_n3A_210 : i32
    %select_n3A_221 = arith.select %and3A_219, %add3A_220, %rem3A_211 : i32
    %mul3A_222 = arith.constant 16 : i32
    %mul3A_223 = arith.muli %select_n3A_221, %mul3A_222 : i32
    %dma_start3A_224 = arith.constant 0 : i32
    %dma_start3A_225 = tpu.memref_slice %arg3[%add3A, %select_n3A_204, %mul3A_223, %dma_start3A_224] : memref<32x3x512x512xf32, #tpu.memory_space<hbm>> -> memref<1x1x16x512xf32, #tpu.memory_space<hbm>>
    %dma_start3A_226 = tpu.memref_squeeze %dma_start3A_225 : memref<1x1x16x512xf32, #tpu.memory_space<hbm>> -> memref<16x512xf32, #tpu.memory_space<hbm>>
    %dma_start3A_227 = arith.constant 0 : i32
    %dma_start3A_228 = tpu.memref_slice %arg3[%add3A, %select_n3A_204, %mul3A_223, %dma_start3A_227] : memref<32x3x512x512xf32, #tpu.memory_space<hbm>> -> memref<1x1x16x512xf32, #tpu.memory_space<hbm>>
    %dma_start3A_229 = tpu.memref_squeeze %dma_start3A_228 : memref<1x1x16x512xf32, #tpu.memory_space<hbm>> -> memref<16x512xf32, #tpu.memory_space<hbm>>
    tpu.enqueue_dma source(%dma_start3A_229 : memref<16x512xf32, #tpu.memory_space<hbm>>) target(%arg7 : memref<16x512xf32, #tpu.memory_space<vmem>>) target_semaphore(%arg14 : memref<!tpu.dma_semaphore, #tpu.memory_space<semaphore_mem>>)
    %jit3A_230 = arith.constant 1 : i32
    %jit3A_231 = arith.constant 32 : i32
    %div3A_232 = arith.divsi %jit3A_230, %jit3A_231 : i32
    %sign3A_233 = arith.constant 0 : i32
    %sign3A_234 = arith.cmpi sgt, %jit3A_230, %sign3A_233 : i32
    %sign3A_235 = arith.extui %sign3A_234 : i1 to i32
    %sign3A_236 = arith.constant 0 : i32
    %sign3A_237 = arith.cmpi slt, %jit3A_230, %sign3A_236 : i32
    %sign3A_238 = arith.extui %sign3A_237 : i1 to i32
    %sign3A_239 = arith.subi %sign3A_235, %sign3A_238 : i32
    %sign3A_240 = arith.constant 0 : i32
    %sign3A_241 = arith.cmpi sgt, %jit3A_231, %sign3A_240 : i32
    %sign3A_242 = arith.extui %sign3A_241 : i1 to i32
    %sign3A_243 = arith.constant 0 : i32
    %sign3A_244 = arith.cmpi slt, %jit3A_231, %sign3A_243 : i32
    %sign3A_245 = arith.extui %sign3A_244 : i1 to i32
    %sign3A_246 = arith.subi %sign3A_242, %sign3A_245 : i32
    %ne3A_247 = arith.cmpi ne, %sign3A_239, %sign3A_246 : i32
    %rem3A_248 = arith.remsi %jit3A_230, %jit3A_231 : i32
    %ne3A_249 = arith.constant 0 : i32
    %ne3A_250 = arith.cmpi ne, %rem3A_248, %ne3A_249 : i32
    %and3A_251 = arith.andi %ne3A_247, %ne3A_250 : i1
    %sub3A_252 = arith.constant 1 : i32
    %sub3A_253 = arith.subi %div3A_232, %sub3A_252 : i32
    %select_n3A_254 = arith.select %and3A_251, %sub3A_253, %div3A_232 : i32
    %jit3A_255 = arith.constant 1 : i32
    %jit3A_256 = arith.constant 32 : i32
    %eq3A_257 = arith.constant 0 : i32
    %eq3A_258 = arith.cmpi eq, %jit3A_256, %eq3A_257 : i32
    %jit3A_259 = arith.constant 1 : i32
    %select_n3A_260 = arith.select %eq3A_258, %jit3A_259, %jit3A_256 : i32
    %rem3A_261 = arith.remsi %jit3A_255, %select_n3A_260 : i32
    %ne3A_262 = arith.constant 0 : i32
    %ne3A_263 = arith.cmpi ne, %rem3A_261, %ne3A_262 : i32
    %lt3A_264 = arith.constant 0 : i32
    %lt3A_265 = arith.cmpi slt, %rem3A_261, %lt3A_264 : i32
    %lt3A_266 = arith.constant 0 : i32
    %lt3A_267 = arith.cmpi slt, %select_n3A_260, %lt3A_266 : i32
    %ne3A_268 = arith.xori %lt3A_265, %lt3A_267 : i1
    %and3A_269 = arith.andi %ne3A_268, %ne3A_263 : i1
    %add3A_270 = arith.addi %rem3A_261, %select_n3A_260 : i32
    %select_n3A_271 = arith.select %and3A_269, %add3A_270, %rem3A_261 : i32
    %mul3A_272 = arith.constant 16 : i32
    %mul3A_273 = arith.muli %select_n3A_271, %mul3A_272 : i32
    %dma_start3A_274 = arith.constant 0 : i32
    %dma_start3A_275 = tpu.memref_slice %arg2[%add3A, %select_n3A_254, %mul3A_273, %dma_start3A_274] : memref<32x3x512x512xf32, #tpu.memory_space<hbm>> -> memref<1x1x16x512xf32, #tpu.memory_space<hbm>>
    %dma_start3A_276 = tpu.memref_squeeze %dma_start3A_275 : memref<1x1x16x512xf32, #tpu.memory_space<hbm>> -> memref<16x512xf32, #tpu.memory_space<hbm>>
    %dma_start3A_277 = arith.constant 0 : i32
    %dma_start3A_278 = tpu.memref_slice %arg2[%add3A, %select_n3A_254, %mul3A_273, %dma_start3A_277] : memref<32x3x512x512xf32, #tpu.memory_space<hbm>> -> memref<1x1x16x512xf32, #tpu.memory_space<hbm>>
    %dma_start3A_279 = tpu.memref_squeeze %dma_start3A_278 : memref<1x1x16x512xf32, #tpu.memory_space<hbm>> -> memref<16x512xf32, #tpu.memory_space<hbm>>
    tpu.enqueue_dma source(%dma_start3A_279 : memref<16x512xf32, #tpu.memory_space<hbm>>) target(%arg6 : memref<16x512xf32, #tpu.memory_space<vmem>>) target_semaphore(%arg13 : memref<!tpu.dma_semaphore, #tpu.memory_space<semaphore_mem>>)
    %jit3A_280 = arith.constant 1 : i32
    %jit3A_281 = arith.constant 32 : i32
    %div3A_282 = arith.divsi %jit3A_280, %jit3A_281 : i32
    %sign3A_283 = arith.constant 0 : i32
    %sign3A_284 = arith.cmpi sgt, %jit3A_280, %sign3A_283 : i32
    %sign3A_285 = arith.extui %sign3A_284 : i1 to i32
    %sign3A_286 = arith.constant 0 : i32
    %sign3A_287 = arith.cmpi slt, %jit3A_280, %sign3A_286 : i32
    %sign3A_288 = arith.extui %sign3A_287 : i1 to i32
    %sign3A_289 = arith.subi %sign3A_285, %sign3A_288 : i32
    %sign3A_290 = arith.constant 0 : i32
    %sign3A_291 = arith.cmpi sgt, %jit3A_281, %sign3A_290 : i32
    %sign3A_292 = arith.extui %sign3A_291 : i1 to i32
    %sign3A_293 = arith.constant 0 : i32
    %sign3A_294 = arith.cmpi slt, %jit3A_281, %sign3A_293 : i32
    %sign3A_295 = arith.extui %sign3A_294 : i1 to i32
    %sign3A_296 = arith.subi %sign3A_292, %sign3A_295 : i32
    %ne3A_297 = arith.cmpi ne, %sign3A_289, %sign3A_296 : i32
    %rem3A_298 = arith.remsi %jit3A_280, %jit3A_281 : i32
    %ne3A_299 = arith.constant 0 : i32
    %ne3A_300 = arith.cmpi ne, %rem3A_298, %ne3A_299 : i32
    %and3A_301 = arith.andi %ne3A_297, %ne3A_300 : i1
    %sub3A_302 = arith.constant 1 : i32
    %sub3A_303 = arith.subi %div3A_282, %sub3A_302 : i32
    %select_n3A_304 = arith.select %and3A_301, %sub3A_303, %div3A_282 : i32
    %jit3A_305 = arith.constant 1 : i32
    %jit3A_306 = arith.constant 32 : i32
    %eq3A_307 = arith.constant 0 : i32
    %eq3A_308 = arith.cmpi eq, %jit3A_306, %eq3A_307 : i32
    %jit3A_309 = arith.constant 1 : i32
    %select_n3A_310 = arith.select %eq3A_308, %jit3A_309, %jit3A_306 : i32
    %rem3A_311 = arith.remsi %jit3A_305, %select_n3A_310 : i32
    %ne3A_312 = arith.constant 0 : i32
    %ne3A_313 = arith.cmpi ne, %rem3A_311, %ne3A_312 : i32
    %lt3A_314 = arith.constant 0 : i32
    %lt3A_315 = arith.cmpi slt, %rem3A_311, %lt3A_314 : i32
    %lt3A_316 = arith.constant 0 : i32
    %lt3A_317 = arith.cmpi slt, %select_n3A_310, %lt3A_316 : i32
    %ne3A_318 = arith.xori %lt3A_315, %lt3A_317 : i1
    %and3A_319 = arith.andi %ne3A_318, %ne3A_313 : i1
    %add3A_320 = arith.addi %rem3A_311, %select_n3A_310 : i32
    %select_n3A_321 = arith.select %and3A_319, %add3A_320, %rem3A_311 : i32
    %mul3A_322 = arith.constant 16 : i32
    %mul3A_323 = arith.muli %select_n3A_321, %mul3A_322 : i32
    %dma_start3A_324 = arith.constant 0 : i32
    %dma_start3A_325 = tpu.memref_slice %arg3[%add3A, %select_n3A_304, %mul3A_323, %dma_start3A_324] : memref<32x3x512x512xf32, #tpu.memory_space<hbm>> -> memref<1x1x16x512xf32, #tpu.memory_space<hbm>>
    %dma_start3A_326 = tpu.memref_squeeze %dma_start3A_325 : memref<1x1x16x512xf32, #tpu.memory_space<hbm>> -> memref<16x512xf32, #tpu.memory_space<hbm>>
    %dma_start3A_327 = arith.constant 0 : i32
    %dma_start3A_328 = tpu.memref_slice %arg3[%add3A, %select_n3A_304, %mul3A_323, %dma_start3A_327] : memref<32x3x512x512xf32, #tpu.memory_space<hbm>> -> memref<1x1x16x512xf32, #tpu.memory_space<hbm>>
    %dma_start3A_329 = tpu.memref_squeeze %dma_start3A_328 : memref<1x1x16x512xf32, #tpu.memory_space<hbm>> -> memref<16x512xf32, #tpu.memory_space<hbm>>
    tpu.enqueue_dma source(%dma_start3A_329 : memref<16x512xf32, #tpu.memory_space<hbm>>) target(%arg8 : memref<16x512xf32, #tpu.memory_space<vmem>>) target_semaphore(%arg15 : memref<!tpu.dma_semaphore, #tpu.memory_space<semaphore_mem>>)
    %scan3A = arith.constant 0 : i32
    %scan3A_330 = arith.constant 0 : i32
    %scan3A_331 = arith.constant 48 : i32
    %scan3A_332 = arith.addi %scan3A_330, %scan3A_331 : i32
    %scan3A_333 = arith.constant 1 : i32
    scf.for %scan3A_391 = %scan3A_330 to %scan3A_332 step %scan3A_333  : i32 {
      %mul3A_392 = arith.constant 2 : i32
      %mul3A_393 = arith.muli %scan3A_391, %mul3A_392 : i32
      %add3A_394 = arith.constant 0 : i32
      %add3A_395 = arith.addi %mul3A_393, %add3A_394 : i32
      %jit3A_396 = arith.constant 32 : i32
      %div3A_397 = arith.divsi %add3A_395, %jit3A_396 : i32
      %sign3A_398 = arith.constant 0 : i32
      %sign3A_399 = arith.cmpi sgt, %add3A_395, %sign3A_398 : i32
      %sign3A_400 = arith.extui %sign3A_399 : i1 to i32
      %sign3A_401 = arith.constant 0 : i32
      %sign3A_402 = arith.cmpi slt, %add3A_395, %sign3A_401 : i32
      %sign3A_403 = arith.extui %sign3A_402 : i1 to i32
      %sign3A_404 = arith.subi %sign3A_400, %sign3A_403 : i32
      %sign3A_405 = arith.constant 0 : i32
      %sign3A_406 = arith.cmpi sgt, %jit3A_396, %sign3A_405 : i32
      %sign3A_407 = arith.extui %sign3A_406 : i1 to i32
      %sign3A_408 = arith.constant 0 : i32
      %sign3A_409 = arith.cmpi slt, %jit3A_396, %sign3A_408 : i32
      %sign3A_410 = arith.extui %sign3A_409 : i1 to i32
      %sign3A_411 = arith.subi %sign3A_407, %sign3A_410 : i32
      %ne3A_412 = arith.cmpi ne, %sign3A_404, %sign3A_411 : i32
      %rem3A_413 = arith.remsi %add3A_395, %jit3A_396 : i32
      %ne3A_414 = arith.constant 0 : i32
      %ne3A_415 = arith.cmpi ne, %rem3A_413, %ne3A_414 : i32
      %and3A_416 = arith.andi %ne3A_412, %ne3A_415 : i1
      %sub3A_417 = arith.constant 1 : i32
      %sub3A_418 = arith.subi %div3A_397, %sub3A_417 : i32
      %select_n3A_419 = arith.select %and3A_416, %sub3A_418, %div3A_397 : i32
      %jit3A_420 = arith.constant 32 : i32
      %eq3A_421 = arith.constant 0 : i32
      %eq3A_422 = arith.cmpi eq, %jit3A_420, %eq3A_421 : i32
      %jit3A_423 = arith.constant 1 : i32
      %select_n3A_424 = arith.select %eq3A_422, %jit3A_423, %jit3A_420 : i32
      %rem3A_425 = arith.remsi %add3A_395, %select_n3A_424 : i32
      %ne3A_426 = arith.constant 0 : i32
      %ne3A_427 = arith.cmpi ne, %rem3A_425, %ne3A_426 : i32
      %lt3A_428 = arith.constant 0 : i32
      %lt3A_429 = arith.cmpi slt, %rem3A_425, %lt3A_428 : i32
      %lt3A_430 = arith.constant 0 : i32
      %lt3A_431 = arith.cmpi slt, %select_n3A_424, %lt3A_430 : i32
      %ne3A_432 = arith.xori %lt3A_429, %lt3A_431 : i1
      %and3A_433 = arith.andi %ne3A_432, %ne3A_427 : i1
      %add3A_434 = arith.addi %rem3A_425, %select_n3A_424 : i32
      %select_n3A_435 = arith.select %and3A_433, %add3A_434, %rem3A_425 : i32
      %mul3A_436 = arith.constant 16 : i32
      %mul3A_437 = arith.muli %select_n3A_435, %mul3A_436 : i32
      %dma_wait3A = arith.constant 0 : i32
      %dma_wait3A_438 = tpu.memref_slice %arg2[%add3A, %select_n3A_419, %mul3A_437, %dma_wait3A] : memref<32x3x512x512xf32, #tpu.memory_space<hbm>> -> memref<1x1x16x512xf32, #tpu.memory_space<hbm>>
      %dma_wait3A_439 = tpu.memref_squeeze %dma_wait3A_438 : memref<1x1x16x512xf32, #tpu.memory_space<hbm>> -> memref<16x512xf32, #tpu.memory_space<hbm>>
      %dma_wait3A_440 = arith.constant 0 : i32
      %dma_wait3A_441 = tpu.memref_slice %arg2[%add3A, %select_n3A_419, %mul3A_437, %dma_wait3A_440] : memref<32x3x512x512xf32, #tpu.memory_space<hbm>> -> memref<1x1x16x512xf32, #tpu.memory_space<hbm>>
      %dma_wait3A_442 = tpu.memref_squeeze %dma_wait3A_441 : memref<1x1x16x512xf32, #tpu.memory_space<hbm>> -> memref<16x512xf32, #tpu.memory_space<hbm>>
      tpu.wait_dma2 semaphore(%arg12 : memref<!tpu.dma_semaphore, #tpu.memory_space<semaphore_mem>>) src(%dma_wait3A_442 : memref<16x512xf32, #tpu.memory_space<hbm>>) dst(%arg5 : memref<16x512xf32, #tpu.memory_space<vmem>>)
      %jit3A_443 = arith.constant 32 : i32
      %div3A_444 = arith.divsi %add3A_395, %jit3A_443 : i32
      %sign3A_445 = arith.constant 0 : i32
      %sign3A_446 = arith.cmpi sgt, %add3A_395, %sign3A_445 : i32
      %sign3A_447 = arith.extui %sign3A_446 : i1 to i32
      %sign3A_448 = arith.constant 0 : i32
      %sign3A_449 = arith.cmpi slt, %add3A_395, %sign3A_448 : i32
      %sign3A_450 = arith.extui %sign3A_449 : i1 to i32
      %sign3A_451 = arith.subi %sign3A_447, %sign3A_450 : i32
      %sign3A_452 = arith.constant 0 : i32
      %sign3A_453 = arith.cmpi sgt, %jit3A_443, %sign3A_452 : i32
      %sign3A_454 = arith.extui %sign3A_453 : i1 to i32
      %sign3A_455 = arith.constant 0 : i32
      %sign3A_456 = arith.cmpi slt, %jit3A_443, %sign3A_455 : i32
      %sign3A_457 = arith.extui %sign3A_456 : i1 to i32
      %sign3A_458 = arith.subi %sign3A_454, %sign3A_457 : i32
      %ne3A_459 = arith.cmpi ne, %sign3A_451, %sign3A_458 : i32
      %rem3A_460 = arith.remsi %add3A_395, %jit3A_443 : i32
      %ne3A_461 = arith.constant 0 : i32
      %ne3A_462 = arith.cmpi ne, %rem3A_460, %ne3A_461 : i32
      %and3A_463 = arith.andi %ne3A_459, %ne3A_462 : i1
      %sub3A_464 = arith.constant 1 : i32
      %sub3A_465 = arith.subi %div3A_444, %sub3A_464 : i32
      %select_n3A_466 = arith.select %and3A_463, %sub3A_465, %div3A_444 : i32
      %jit3A_467 = arith.constant 32 : i32
      %eq3A_468 = arith.constant 0 : i32
      %eq3A_469 = arith.cmpi eq, %jit3A_467, %eq3A_468 : i32
      %jit3A_470 = arith.constant 1 : i32
      %select_n3A_471 = arith.select %eq3A_469, %jit3A_470, %jit3A_467 : i32
      %rem3A_472 = arith.remsi %add3A_395, %select_n3A_471 : i32
      %ne3A_473 = arith.constant 0 : i32
      %ne3A_474 = arith.cmpi ne, %rem3A_472, %ne3A_473 : i32
      %lt3A_475 = arith.constant 0 : i32
      %lt3A_476 = arith.cmpi slt, %rem3A_472, %lt3A_475 : i32
      %lt3A_477 = arith.constant 0 : i32
      %lt3A_478 = arith.cmpi slt, %select_n3A_471, %lt3A_477 : i32
      %ne3A_479 = arith.xori %lt3A_476, %lt3A_478 : i1
      %and3A_480 = arith.andi %ne3A_479, %ne3A_474 : i1
      %add3A_481 = arith.addi %rem3A_472, %select_n3A_471 : i32
      %select_n3A_482 = arith.select %and3A_480, %add3A_481, %rem3A_472 : i32
      %mul3A_483 = arith.constant 16 : i32
      %mul3A_484 = arith.muli %select_n3A_482, %mul3A_483 : i32
      %dma_wait3A_485 = arith.constant 0 : i32
      %dma_wait3A_486 = tpu.memref_slice %arg3[%add3A, %select_n3A_466, %mul3A_484, %dma_wait3A_485] : memref<32x3x512x512xf32, #tpu.memory_space<hbm>> -> memref<1x1x16x512xf32, #tpu.memory_space<hbm>>
      %dma_wait3A_487 = tpu.memref_squeeze %dma_wait3A_486 : memref<1x1x16x512xf32, #tpu.memory_space<hbm>> -> memref<16x512xf32, #tpu.memory_space<hbm>>
      %dma_wait3A_488 = arith.constant 0 : i32
      %dma_wait3A_489 = tpu.memref_slice %arg3[%add3A, %select_n3A_466, %mul3A_484, %dma_wait3A_488] : memref<32x3x512x512xf32, #tpu.memory_space<hbm>> -> memref<1x1x16x512xf32, #tpu.memory_space<hbm>>
      %dma_wait3A_490 = tpu.memref_squeeze %dma_wait3A_489 : memref<1x1x16x512xf32, #tpu.memory_space<hbm>> -> memref<16x512xf32, #tpu.memory_space<hbm>>
      tpu.wait_dma2 semaphore(%arg14 : memref<!tpu.dma_semaphore, #tpu.memory_space<semaphore_mem>>) src(%dma_wait3A_490 : memref<16x512xf32, #tpu.memory_space<hbm>>) dst(%arg7 : memref<16x512xf32, #tpu.memory_space<vmem>>)
      %parallel_loop3A_491 = arith.constant 0 : i32
      %parallel_loop3A_492 = arith.constant 8192 : i32
      %parallel_loop3A_493 = arith.constant 16 : i32
      scf.for %parallel_loop3A_610 = %parallel_loop3A_491 to %parallel_loop3A_492 step %parallel_loop3A_493  : i32 {
        %parallel_loop3A_611 = arith.constant 9 : i32
        %parallel_loop3A_612 = arith.shrsi %parallel_loop3A_610, %parallel_loop3A_611 : i32
        %parallel_loop3A_613 = arith.constant 511 : i32
        %parallel_loop3A_614 = arith.andi %parallel_loop3A_610, %parallel_loop3A_613 : i32
        %parallel_loop3A_615 = arith.index_cast %parallel_loop3A_612 : i32 to index
        %parallel_loop3A_616 = arith.index_cast %parallel_loop3A_614 : i32 to index
        %parallel_loop3A_617 = tpu.vector_load %arg5[%parallel_loop3A_615, %parallel_loop3A_616] {strides = array<i32>} : memref<16x512xf32, #tpu.memory_space<vmem>>, vector<16xf32>,
        %parallel_loop3A_618 = arith.constant 9 : i32
        %parallel_loop3A_619 = arith.shrsi %parallel_loop3A_610, %parallel_loop3A_618 : i32
        %parallel_loop3A_620 = arith.constant 511 : i32
        %parallel_loop3A_621 = arith.andi %parallel_loop3A_610, %parallel_loop3A_620 : i32
        %parallel_loop3A_622 = arith.index_cast %parallel_loop3A_619 : i32 to index
        %parallel_loop3A_623 = arith.index_cast %parallel_loop3A_621 : i32 to index
        %parallel_loop3A_624 = tpu.vector_load %arg7[%parallel_loop3A_622, %parallel_loop3A_623] {strides = array<i32>} : memref<16x512xf32, #tpu.memory_space<vmem>>, vector<16xf32>,
        %parallel_loop3A_625 = arith.subf %parallel_loop3A_617, %parallel_loop3A_624 : vector<16xf32>
        %parallel_loop3A_626 = arith.mulf %parallel_loop3A_625, %parallel_loop3A_625 : vector<16xf32>
        %parallel_loop3A_627 = tpu.bitcast %parallel_loop3A_626 : vector<16xf32> -> vector<16xi32>
        %parallel_loop3A_628 = arith.constant 16 : i32
        %parallel_loop3A_629 = vector.broadcast %parallel_loop3A_628 : i32 to vector<16xi32>
        %parallel_loop3A_630 = arith.shrui %parallel_loop3A_627, %parallel_loop3A_629 : vector<16xi32>
        %parallel_loop3A_631 = arith.constant 8388607 : i32
        %parallel_loop3A_632 = vector.broadcast %parallel_loop3A_631 : i32 to vector<16xi32>
        %parallel_loop3A_633 = arith.andi %parallel_loop3A_627, %parallel_loop3A_632 : vector<16xi32>
        %parallel_loop3A_634 = arith.constant 1065353216 : i32
        %parallel_loop3A_635 = vector.broadcast %parallel_loop3A_634 : i32 to vector<16xi32>
        %parallel_loop3A_636 = arith.ori %parallel_loop3A_633, %parallel_loop3A_635 : vector<16xi32>
        %parallel_loop3A_637 = tpu.bitcast %parallel_loop3A_636 : vector<16xi32> -> vector<16xf32>
        tpu.vector_store_idx %arg9[%parallel_loop3A_630], %parallel_loop3A_637 {add = true} : memref<32768xf32, #tpu.memory_space<vmem>>[vector<16xi32>], vector<16xf32>,
      } {sc.loop_unroll_factor = 8 : i64, sc.parallel_access}
      %add3A_494 = arith.constant 2 : i32
      %add3A_495 = arith.addi %add3A_395, %add3A_494 : i32
      %lt3A_496 = arith.constant 96 : i32
      %lt3A_497 = arith.cmpi slt, %add3A_495, %lt3A_496 : i32
      %convert_element_type3A_498 = arith.extui %lt3A_497 : i1 to i32
      %cond3A = arith.constant 0 : i32
      %cond3A_499 = arith.cmpi ne, %convert_element_type3A_498, %cond3A : i32
      scf.if %cond3A_499 {
        %jit3A_610 = arith.constant 32 : i32
        %div3A_611 = arith.divsi %add3A_495, %jit3A_610 : i32
        %sign3A_612 = arith.constant 0 : i32
        %sign3A_613 = arith.cmpi sgt, %add3A_495, %sign3A_612 : i32
        %sign3A_614 = arith.extui %sign3A_613 : i1 to i32
        %sign3A_615 = arith.constant 0 : i32
        %sign3A_616 = arith.cmpi slt, %add3A_495, %sign3A_615 : i32
        %sign3A_617 = arith.extui %sign3A_616 : i1 to i32
        %sign3A_618 = arith.subi %sign3A_614, %sign3A_617 : i32
        %sign3A_619 = arith.constant 0 : i32
        %sign3A_620 = arith.cmpi sgt, %jit3A_610, %sign3A_619 : i32
        %sign3A_621 = arith.extui %sign3A_620 : i1 to i32
        %sign3A_622 = arith.constant 0 : i32
        %sign3A_623 = arith.cmpi slt, %jit3A_610, %sign3A_622 : i32
        %sign3A_624 = arith.extui %sign3A_623 : i1 to i32
        %sign3A_625 = arith.subi %sign3A_621, %sign3A_624 : i32
        %ne3A_626 = arith.cmpi ne, %sign3A_618, %sign3A_625 : i32
        %rem3A_627 = arith.remsi %add3A_495, %jit3A_610 : i32
        %ne3A_628 = arith.constant 0 : i32
        %ne3A_629 = arith.cmpi ne, %rem3A_627, %ne3A_628 : i32
        %and3A_630 = arith.andi %ne3A_626, %ne3A_629 : i1
        %sub3A_631 = arith.constant 1 : i32
        %sub3A_632 = arith.subi %div3A_611, %sub3A_631 : i32
        %select_n3A_633 = arith.select %and3A_630, %sub3A_632, %div3A_611 : i32
        %jit3A_634 = arith.constant 32 : i32
        %eq3A_635 = arith.constant 0 : i32
        %eq3A_636 = arith.cmpi eq, %jit3A_634, %eq3A_635 : i32
        %jit3A_637 = arith.constant 1 : i32
        %select_n3A_638 = arith.select %eq3A_636, %jit3A_637, %jit3A_634 : i32
        %rem3A_639 = arith.remsi %add3A_495, %select_n3A_638 : i32
        %ne3A_640 = arith.constant 0 : i32
        %ne3A_641 = arith.cmpi ne, %rem3A_639, %ne3A_640 : i32
        %lt3A_642 = arith.constant 0 : i32
        %lt3A_643 = arith.cmpi slt, %rem3A_639, %lt3A_642 : i32
        %lt3A_644 = arith.constant 0 : i32
        %lt3A_645 = arith.cmpi slt, %select_n3A_638, %lt3A_644 : i32
        %ne3A_646 = arith.xori %lt3A_643, %lt3A_645 : i1
        %and3A_647 = arith.andi %ne3A_646, %ne3A_641 : i1
        %add3A_648 = arith.addi %rem3A_639, %select_n3A_638 : i32
        %select_n3A_649 = arith.select %and3A_647, %add3A_648, %rem3A_639 : i32
        %mul3A_650 = arith.constant 16 : i32
        %mul3A_651 = arith.muli %select_n3A_649, %mul3A_650 : i32
        %dma_start3A_652 = arith.constant 0 : i32
        %dma_start3A_653 = tpu.memref_slice %arg2[%add3A, %select_n3A_633, %mul3A_651, %dma_start3A_652] : memref<32x3x512x512xf32, #tpu.memory_space<hbm>> -> memref<1x1x16x512xf32, #tpu.memory_space<hbm>>
        %dma_start3A_654 = tpu.memref_squeeze %dma_start3A_653 : memref<1x1x16x512xf32, #tpu.memory_space<hbm>> -> memref<16x512xf32, #tpu.memory_space<hbm>>
        %dma_start3A_655 = arith.constant 0 : i32
        %dma_start3A_656 = tpu.memref_slice %arg2[%add3A, %select_n3A_633, %mul3A_651, %dma_start3A_655] : memref<32x3x512x512xf32, #tpu.memory_space<hbm>> -> memref<1x1x16x512xf32, #tpu.memory_space<hbm>>
        %dma_start3A_657 = tpu.memref_squeeze %dma_start3A_656 : memref<1x1x16x512xf32, #tpu.memory_space<hbm>> -> memref<16x512xf32, #tpu.memory_space<hbm>>
        tpu.enqueue_dma source(%dma_start3A_657 : memref<16x512xf32, #tpu.memory_space<hbm>>) target(%arg5 : memref<16x512xf32, #tpu.memory_space<vmem>>) target_semaphore(%arg12 : memref<!tpu.dma_semaphore, #tpu.memory_space<semaphore_mem>>)
        %jit3A_658 = arith.constant 32 : i32
        %div3A_659 = arith.divsi %add3A_495, %jit3A_658 : i32
        %sign3A_660 = arith.constant 0 : i32
        %sign3A_661 = arith.cmpi sgt, %add3A_495, %sign3A_660 : i32
        %sign3A_662 = arith.extui %sign3A_661 : i1 to i32
        %sign3A_663 = arith.constant 0 : i32
        %sign3A_664 = arith.cmpi slt, %add3A_495, %sign3A_663 : i32
        %sign3A_665 = arith.extui %sign3A_664 : i1 to i32
        %sign3A_666 = arith.subi %sign3A_662, %sign3A_665 : i32
        %sign3A_667 = arith.constant 0 : i32
        %sign3A_668 = arith.cmpi sgt, %jit3A_658, %sign3A_667 : i32
        %sign3A_669 = arith.extui %sign3A_668 : i1 to i32
        %sign3A_670 = arith.constant 0 : i32
        %sign3A_671 = arith.cmpi slt, %jit3A_658, %sign3A_670 : i32
        %sign3A_672 = arith.extui %sign3A_671 : i1 to i32
        %sign3A_673 = arith.subi %sign3A_669, %sign3A_672 : i32
        %ne3A_674 = arith.cmpi ne, %sign3A_666, %sign3A_673 : i32
        %rem3A_675 = arith.remsi %add3A_495, %jit3A_658 : i32
        %ne3A_676 = arith.constant 0 : i32
        %ne3A_677 = arith.cmpi ne, %rem3A_675, %ne3A_676 : i32
        %and3A_678 = arith.andi %ne3A_674, %ne3A_677 : i1
        %sub3A_679 = arith.constant 1 : i32
        %sub3A_680 = arith.subi %div3A_659, %sub3A_679 : i32
        %select_n3A_681 = arith.select %and3A_678, %sub3A_680, %div3A_659 : i32
        %jit3A_682 = arith.constant 32 : i32
        %eq3A_683 = arith.constant 0 : i32
        %eq3A_684 = arith.cmpi eq, %jit3A_682, %eq3A_683 : i32
        %jit3A_685 = arith.constant 1 : i32
        %select_n3A_686 = arith.select %eq3A_684, %jit3A_685, %jit3A_682 : i32
        %rem3A_687 = arith.remsi %add3A_495, %select_n3A_686 : i32
        %ne3A_688 = arith.constant 0 : i32
        %ne3A_689 = arith.cmpi ne, %rem3A_687, %ne3A_688 : i32
        %lt3A_690 = arith.constant 0 : i32
        %lt3A_691 = arith.cmpi slt, %rem3A_687, %lt3A_690 : i32
        %lt3A_692 = arith.constant 0 : i32
        %lt3A_693 = arith.cmpi slt, %select_n3A_686, %lt3A_692 : i32
        %ne3A_694 = arith.xori %lt3A_691, %lt3A_693 : i1
        %and3A_695 = arith.andi %ne3A_694, %ne3A_689 : i1
        %add3A_696 = arith.addi %rem3A_687, %select_n3A_686 : i32
        %select_n3A_697 = arith.select %and3A_695, %add3A_696, %rem3A_687 : i32
        %mul3A_698 = arith.constant 16 : i32
        %mul3A_699 = arith.muli %select_n3A_697, %mul3A_698 : i32
        %dma_start3A_700 = arith.constant 0 : i32
        %dma_start3A_701 = tpu.memref_slice %arg3[%add3A, %select_n3A_681, %mul3A_699, %dma_start3A_700] : memref<32x3x512x512xf32, #tpu.memory_space<hbm>> -> memref<1x1x16x512xf32, #tpu.memory_space<hbm>>
        %dma_start3A_702 = tpu.memref_squeeze %dma_start3A_701 : memref<1x1x16x512xf32, #tpu.memory_space<hbm>> -> memref<16x512xf32, #tpu.memory_space<hbm>>
        %dma_start3A_703 = arith.constant 0 : i32
        %dma_start3A_704 = tpu.memref_slice %arg3[%add3A, %select_n3A_681, %mul3A_699, %dma_start3A_703] : memref<32x3x512x512xf32, #tpu.memory_space<hbm>> -> memref<1x1x16x512xf32, #tpu.memory_space<hbm>>
        %dma_start3A_705 = tpu.memref_squeeze %dma_start3A_704 : memref<1x1x16x512xf32, #tpu.memory_space<hbm>> -> memref<16x512xf32, #tpu.memory_space<hbm>>
        tpu.enqueue_dma source(%dma_start3A_705 : memref<16x512xf32, #tpu.memory_space<hbm>>) target(%arg7 : memref<16x512xf32, #tpu.memory_space<vmem>>) target_semaphore(%arg14 : memref<!tpu.dma_semaphore, #tpu.memory_space<semaphore_mem>>)
      } else {
      }
      %mul3A_500 = arith.constant 2 : i32
      %mul3A_501 = arith.muli %scan3A_391, %mul3A_500 : i32
      %add3A_502 = arith.constant 1 : i32
      %add3A_503 = arith.addi %mul3A_501, %add3A_502 : i32
      %jit3A_504 = arith.constant 32 : i32
      %div3A_505 = arith.divsi %add3A_503, %jit3A_504 : i32
      %sign3A_506 = arith.constant 0 : i32
      %sign3A_507 = arith.cmpi sgt, %add3A_503, %sign3A_506 : i32
      %sign3A_508 = arith.extui %sign3A_507 : i1 to i32
      %sign3A_509 = arith.constant 0 : i32
      %sign3A_510 = arith.cmpi slt, %add3A_503, %sign3A_509 : i32
      %sign3A_511 = arith.extui %sign3A_510 : i1 to i32
      %sign3A_512 = arith.subi %sign3A_508, %sign3A_511 : i32
      %sign3A_513 = arith.constant 0 : i32
      %sign3A_514 = arith.cmpi sgt, %jit3A_504, %sign3A_513 : i32
      %sign3A_515 = arith.extui %sign3A_514 : i1 to i32
      %sign3A_516 = arith.constant 0 : i32
      %sign3A_517 = arith.cmpi slt, %jit3A_504, %sign3A_516 : i32
      %sign3A_518 = arith.extui %sign3A_517 : i1 to i32
      %sign3A_519 = arith.subi %sign3A_515, %sign3A_518 : i32
      %ne3A_520 = arith.cmpi ne, %sign3A_512, %sign3A_519 : i32
      %rem3A_521 = arith.remsi %add3A_503, %jit3A_504 : i32
      %ne3A_522 = arith.constant 0 : i32
      %ne3A_523 = arith.cmpi ne, %rem3A_521, %ne3A_522 : i32
      %and3A_524 = arith.andi %ne3A_520, %ne3A_523 : i1
      %sub3A_525 = arith.constant 1 : i32
      %sub3A_526 = arith.subi %div3A_505, %sub3A_525 : i32
      %select_n3A_527 = arith.select %and3A_524, %sub3A_526, %div3A_505 : i32
      %jit3A_528 = arith.constant 32 : i32
      %eq3A_529 = arith.constant 0 : i32
      %eq3A_530 = arith.cmpi eq, %jit3A_528, %eq3A_529 : i32
      %jit3A_531 = arith.constant 1 : i32
      %select_n3A_532 = arith.select %eq3A_530, %jit3A_531, %jit3A_528 : i32
      %rem3A_533 = arith.remsi %add3A_503, %select_n3A_532 : i32
      %ne3A_534 = arith.constant 0 : i32
      %ne3A_535 = arith.cmpi ne, %rem3A_533, %ne3A_534 : i32
      %lt3A_536 = arith.constant 0 : i32
      %lt3A_537 = arith.cmpi slt, %rem3A_533, %lt3A_536 : i32
      %lt3A_538 = arith.constant 0 : i32
      %lt3A_539 = arith.cmpi slt, %select_n3A_532, %lt3A_538 : i32
      %ne3A_540 = arith.xori %lt3A_537, %lt3A_539 : i1
      %and3A_541 = arith.andi %ne3A_540, %ne3A_535 : i1
      %add3A_542 = arith.addi %rem3A_533, %select_n3A_532 : i32
      %select_n3A_543 = arith.select %and3A_541, %add3A_542, %rem3A_533 : i32
      %mul3A_544 = arith.constant 16 : i32
      %mul3A_545 = arith.muli %select_n3A_543, %mul3A_544 : i32
      %dma_wait3A_546 = arith.constant 0 : i32
      %dma_wait3A_547 = tpu.memref_slice %arg2[%add3A, %select_n3A_527, %mul3A_545, %dma_wait3A_546] : memref<32x3x512x512xf32, #tpu.memory_space<hbm>> -> memref<1x1x16x512xf32, #tpu.memory_space<hbm>>
      %dma_wait3A_548 = tpu.memref_squeeze %dma_wait3A_547 : memref<1x1x16x512xf32, #tpu.memory_space<hbm>> -> memref<16x512xf32, #tpu.memory_space<hbm>>
      %dma_wait3A_549 = arith.constant 0 : i32
      %dma_wait3A_550 = tpu.memref_slice %arg2[%add3A, %select_n3A_527, %mul3A_545, %dma_wait3A_549] : memref<32x3x512x512xf32, #tpu.memory_space<hbm>> -> memref<1x1x16x512xf32, #tpu.memory_space<hbm>>
      %dma_wait3A_551 = tpu.memref_squeeze %dma_wait3A_550 : memref<1x1x16x512xf32, #tpu.memory_space<hbm>> -> memref<16x512xf32, #tpu.memory_space<hbm>>
      tpu.wait_dma2 semaphore(%arg13 : memref<!tpu.dma_semaphore, #tpu.memory_space<semaphore_mem>>) src(%dma_wait3A_551 : memref<16x512xf32, #tpu.memory_space<hbm>>) dst(%arg6 : memref<16x512xf32, #tpu.memory_space<vmem>>)
      %jit3A_552 = arith.constant 32 : i32
      %div3A_553 = arith.divsi %add3A_503, %jit3A_552 : i32
      %sign3A_554 = arith.constant 0 : i32
      %sign3A_555 = arith.cmpi sgt, %add3A_503, %sign3A_554 : i32
      %sign3A_556 = arith.extui %sign3A_555 : i1 to i32
      %sign3A_557 = arith.constant 0 : i32
      %sign3A_558 = arith.cmpi slt, %add3A_503, %sign3A_557 : i32
      %sign3A_559 = arith.extui %sign3A_558 : i1 to i32
      %sign3A_560 = arith.subi %sign3A_556, %sign3A_559 : i32
      %sign3A_561 = arith.constant 0 : i32
      %sign3A_562 = arith.cmpi sgt, %jit3A_552, %sign3A_561 : i32
      %sign3A_563 = arith.extui %sign3A_562 : i1 to i32
      %sign3A_564 = arith.constant 0 : i32
      %sign3A_565 = arith.cmpi slt, %jit3A_552, %sign3A_564 : i32
      %sign3A_566 = arith.extui %sign3A_565 : i1 to i32
      %sign3A_567 = arith.subi %sign3A_563, %sign3A_566 : i32
      %ne3A_568 = arith.cmpi ne, %sign3A_560, %sign3A_567 : i32
      %rem3A_569 = arith.remsi %add3A_503, %jit3A_552 : i32
      %ne3A_570 = arith.constant 0 : i32
      %ne3A_571 = arith.cmpi ne, %rem3A_569, %ne3A_570 : i32
      %and3A_572 = arith.andi %ne3A_568, %ne3A_571 : i1
      %sub3A_573 = arith.constant 1 : i32
      %sub3A_574 = arith.subi %div3A_553, %sub3A_573 : i32
      %select_n3A_575 = arith.select %and3A_572, %sub3A_574, %div3A_553 : i32
      %jit3A_576 = arith.constant 32 : i32
      %eq3A_577 = arith.constant 0 : i32
      %eq3A_578 = arith.cmpi eq, %jit3A_576, %eq3A_577 : i32
      %jit3A_579 = arith.constant 1 : i32
      %select_n3A_580 = arith.select %eq3A_578, %jit3A_579, %jit3A_576 : i32
      %rem3A_581 = arith.remsi %add3A_503, %select_n3A_580 : i32
      %ne3A_582 = arith.constant 0 : i32
      %ne3A_583 = arith.cmpi ne, %rem3A_581, %ne3A_582 : i32
      %lt3A_584 = arith.constant 0 : i32
      %lt3A_585 = arith.cmpi slt, %rem3A_581, %lt3A_584 : i32
      %lt3A_586 = arith.constant 0 : i32
      %lt3A_587 = arith.cmpi slt, %select_n3A_580, %lt3A_586 : i32
      %ne3A_588 = arith.xori %lt3A_585, %lt3A_587 : i1
      %and3A_589 = arith.andi %ne3A_588, %ne3A_583 : i1
      %add3A_590 = arith.addi %rem3A_581, %select_n3A_580 : i32
      %select_n3A_591 = arith.select %and3A_589, %add3A_590, %rem3A_581 : i32
      %mul3A_592 = arith.constant 16 : i32
      %mul3A_593 = arith.muli %select_n3A_591, %mul3A_592 : i32
      %dma_wait3A_594 = arith.constant 0 : i32
      %dma_wait3A_595 = tpu.memref_slice %arg3[%add3A, %select_n3A_575, %mul3A_593, %dma_wait3A_594] : memref<32x3x512x512xf32, #tpu.memory_space<hbm>> -> memref<1x1x16x512xf32, #tpu.memory_space<hbm>>
      %dma_wait3A_596 = tpu.memref_squeeze %dma_wait3A_595 : memref<1x1x16x512xf32, #tpu.memory_space<hbm>> -> memref<16x512xf32, #tpu.memory_space<hbm>>
      %dma_wait3A_597 = arith.constant 0 : i32
      %dma_wait3A_598 = tpu.memref_slice %arg3[%add3A, %select_n3A_575, %mul3A_593, %dma_wait3A_597] : memref<32x3x512x512xf32, #tpu.memory_space<hbm>> -> memref<1x1x16x512xf32, #tpu.memory_space<hbm>>
      %dma_wait3A_599 = tpu.memref_squeeze %dma_wait3A_598 : memref<1x1x16x512xf32, #tpu.memory_space<hbm>> -> memref<16x512xf32, #tpu.memory_space<hbm>>
      tpu.wait_dma2 semaphore(%arg15 : memref<!tpu.dma_semaphore, #tpu.memory_space<semaphore_mem>>) src(%dma_wait3A_599 : memref<16x512xf32, #tpu.memory_space<hbm>>) dst(%arg8 : memref<16x512xf32, #tpu.memory_space<vmem>>)
      %parallel_loop3A_600 = arith.constant 0 : i32
      %parallel_loop3A_601 = arith.constant 8192 : i32
      %parallel_loop3A_602 = arith.constant 16 : i32
      scf.for %parallel_loop3A_610 = %parallel_loop3A_600 to %parallel_loop3A_601 step %parallel_loop3A_602  : i32 {
        %parallel_loop3A_611 = arith.constant 9 : i32
        %parallel_loop3A_612 = arith.shrsi %parallel_loop3A_610, %parallel_loop3A_611 : i32
        %parallel_loop3A_613 = arith.constant 511 : i32
        %parallel_loop3A_614 = arith.andi %parallel_loop3A_610, %parallel_loop3A_613 : i32
        %parallel_loop3A_615 = arith.index_cast %parallel_loop3A_612 : i32 to index
        %parallel_loop3A_616 = arith.index_cast %parallel_loop3A_614 : i32 to index
        %parallel_loop3A_617 = tpu.vector_load %arg6[%parallel_loop3A_615, %parallel_loop3A_616] {strides = array<i32>} : memref<16x512xf32, #tpu.memory_space<vmem>>, vector<16xf32>,
        %parallel_loop3A_618 = arith.constant 9 : i32
        %parallel_loop3A_619 = arith.shrsi %parallel_loop3A_610, %parallel_loop3A_618 : i32
        %parallel_loop3A_620 = arith.constant 511 : i32
        %parallel_loop3A_621 = arith.andi %parallel_loop3A_610, %parallel_loop3A_620 : i32
        %parallel_loop3A_622 = arith.index_cast %parallel_loop3A_619 : i32 to index
        %parallel_loop3A_623 = arith.index_cast %parallel_loop3A_621 : i32 to index
        %parallel_loop3A_624 = tpu.vector_load %arg8[%parallel_loop3A_622, %parallel_loop3A_623] {strides = array<i32>} : memref<16x512xf32, #tpu.memory_space<vmem>>, vector<16xf32>,
        %parallel_loop3A_625 = arith.subf %parallel_loop3A_617, %parallel_loop3A_624 : vector<16xf32>
        %parallel_loop3A_626 = arith.mulf %parallel_loop3A_625, %parallel_loop3A_625 : vector<16xf32>
        %parallel_loop3A_627 = tpu.bitcast %parallel_loop3A_626 : vector<16xf32> -> vector<16xi32>
        %parallel_loop3A_628 = arith.constant 16 : i32
        %parallel_loop3A_629 = vector.broadcast %parallel_loop3A_628 : i32 to vector<16xi32>
        %parallel_loop3A_630 = arith.shrui %parallel_loop3A_627, %parallel_loop3A_629 : vector<16xi32>
        %parallel_loop3A_631 = arith.constant 8388607 : i32
        %parallel_loop3A_632 = vector.broadcast %parallel_loop3A_631 : i32 to vector<16xi32>
        %parallel_loop3A_633 = arith.andi %parallel_loop3A_627, %parallel_loop3A_632 : vector<16xi32>
        %parallel_loop3A_634 = arith.constant 1065353216 : i32
        %parallel_loop3A_635 = vector.broadcast %parallel_loop3A_634 : i32 to vector<16xi32>
        %parallel_loop3A_636 = arith.ori %parallel_loop3A_633, %parallel_loop3A_635 : vector<16xi32>
        %parallel_loop3A_637 = tpu.bitcast %parallel_loop3A_636 : vector<16xi32> -> vector<16xf32>
        tpu.vector_store_idx %arg9[%parallel_loop3A_630], %parallel_loop3A_637 {add = true} : memref<32768xf32, #tpu.memory_space<vmem>>[vector<16xi32>], vector<16xf32>,
      } {sc.loop_unroll_factor = 8 : i64, sc.parallel_access}
      %add3A_603 = arith.constant 2 : i32
      %add3A_604 = arith.addi %add3A_503, %add3A_603 : i32
      %lt3A_605 = arith.constant 96 : i32
      %lt3A_606 = arith.cmpi slt, %add3A_604, %lt3A_605 : i32
      %convert_element_type3A_607 = arith.extui %lt3A_606 : i1 to i32
      %cond3A_608 = arith.constant 0 : i32
      %cond3A_609 = arith.cmpi ne, %convert_element_type3A_607, %cond3A_608 : i32
      scf.if %cond3A_609 {
        %jit3A_610 = arith.constant 32 : i32
        %div3A_611 = arith.divsi %add3A_604, %jit3A_610 : i32
        %sign3A_612 = arith.constant 0 : i32
        %sign3A_613 = arith.cmpi sgt, %add3A_604, %sign3A_612 : i32
        %sign3A_614 = arith.extui %sign3A_613 : i1 to i32
        %sign3A_615 = arith.constant 0 : i32
        %sign3A_616 = arith.cmpi slt, %add3A_604, %sign3A_615 : i32
        %sign3A_617 = arith.extui %sign3A_616 : i1 to i32
        %sign3A_618 = arith.subi %sign3A_614, %sign3A_617 : i32
        %sign3A_619 = arith.constant 0 : i32
        %sign3A_620 = arith.cmpi sgt, %jit3A_610, %sign3A_619 : i32
        %sign3A_621 = arith.extui %sign3A_620 : i1 to i32
        %sign3A_622 = arith.constant 0 : i32
        %sign3A_623 = arith.cmpi slt, %jit3A_610, %sign3A_622 : i32
        %sign3A_624 = arith.extui %sign3A_623 : i1 to i32
        %sign3A_625 = arith.subi %sign3A_621, %sign3A_624 : i32
        %ne3A_626 = arith.cmpi ne, %sign3A_618, %sign3A_625 : i32
        %rem3A_627 = arith.remsi %add3A_604, %jit3A_610 : i32
        %ne3A_628 = arith.constant 0 : i32
        %ne3A_629 = arith.cmpi ne, %rem3A_627, %ne3A_628 : i32
        %and3A_630 = arith.andi %ne3A_626, %ne3A_629 : i1
        %sub3A_631 = arith.constant 1 : i32
        %sub3A_632 = arith.subi %div3A_611, %sub3A_631 : i32
        %select_n3A_633 = arith.select %and3A_630, %sub3A_632, %div3A_611 : i32
        %jit3A_634 = arith.constant 32 : i32
        %eq3A_635 = arith.constant 0 : i32
        %eq3A_636 = arith.cmpi eq, %jit3A_634, %eq3A_635 : i32
        %jit3A_637 = arith.constant 1 : i32
        %select_n3A_638 = arith.select %eq3A_636, %jit3A_637, %jit3A_634 : i32
        %rem3A_639 = arith.remsi %add3A_604, %select_n3A_638 : i32
        %ne3A_640 = arith.constant 0 : i32
        %ne3A_641 = arith.cmpi ne, %rem3A_639, %ne3A_640 : i32
        %lt3A_642 = arith.constant 0 : i32
        %lt3A_643 = arith.cmpi slt, %rem3A_639, %lt3A_642 : i32
        %lt3A_644 = arith.constant 0 : i32
        %lt3A_645 = arith.cmpi slt, %select_n3A_638, %lt3A_644 : i32
        %ne3A_646 = arith.xori %lt3A_643, %lt3A_645 : i1
        %and3A_647 = arith.andi %ne3A_646, %ne3A_641 : i1
        %add3A_648 = arith.addi %rem3A_639, %select_n3A_638 : i32
        %select_n3A_649 = arith.select %and3A_647, %add3A_648, %rem3A_639 : i32
        %mul3A_650 = arith.constant 16 : i32
        %mul3A_651 = arith.muli %select_n3A_649, %mul3A_650 : i32
        %dma_start3A_652 = arith.constant 0 : i32
        %dma_start3A_653 = tpu.memref_slice %arg2[%add3A, %select_n3A_633, %mul3A_651, %dma_start3A_652] : memref<32x3x512x512xf32, #tpu.memory_space<hbm>> -> memref<1x1x16x512xf32, #tpu.memory_space<hbm>>
        %dma_start3A_654 = tpu.memref_squeeze %dma_start3A_653 : memref<1x1x16x512xf32, #tpu.memory_space<hbm>> -> memref<16x512xf32, #tpu.memory_space<hbm>>
        %dma_start3A_655 = arith.constant 0 : i32
        %dma_start3A_656 = tpu.memref_slice %arg2[%add3A, %select_n3A_633, %mul3A_651, %dma_start3A_655] : memref<32x3x512x512xf32, #tpu.memory_space<hbm>> -> memref<1x1x16x512xf32, #tpu.memory_space<hbm>>
        %dma_start3A_657 = tpu.memref_squeeze %dma_start3A_656 : memref<1x1x16x512xf32, #tpu.memory_space<hbm>> -> memref<16x512xf32, #tpu.memory_space<hbm>>
        tpu.enqueue_dma source(%dma_start3A_657 : memref<16x512xf32, #tpu.memory_space<hbm>>) target(%arg6 : memref<16x512xf32, #tpu.memory_space<vmem>>) target_semaphore(%arg13 : memref<!tpu.dma_semaphore, #tpu.memory_space<semaphore_mem>>)
        %jit3A_658 = arith.constant 32 : i32
        %div3A_659 = arith.divsi %add3A_604, %jit3A_658 : i32
        %sign3A_660 = arith.constant 0 : i32
        %sign3A_661 = arith.cmpi sgt, %add3A_604, %sign3A_660 : i32
        %sign3A_662 = arith.extui %sign3A_661 : i1 to i32
        %sign3A_663 = arith.constant 0 : i32
        %sign3A_664 = arith.cmpi slt, %add3A_604, %sign3A_663 : i32
        %sign3A_665 = arith.extui %sign3A_664 : i1 to i32
        %sign3A_666 = arith.subi %sign3A_662, %sign3A_665 : i32
        %sign3A_667 = arith.constant 0 : i32
        %sign3A_668 = arith.cmpi sgt, %jit3A_658, %sign3A_667 : i32
        %sign3A_669 = arith.extui %sign3A_668 : i1 to i32
        %sign3A_670 = arith.constant 0 : i32
        %sign3A_671 = arith.cmpi slt, %jit3A_658, %sign3A_670 : i32
        %sign3A_672 = arith.extui %sign3A_671 : i1 to i32
        %sign3A_673 = arith.subi %sign3A_669, %sign3A_672 : i32
        %ne3A_674 = arith.cmpi ne, %sign3A_666, %sign3A_673 : i32
        %rem3A_675 = arith.remsi %add3A_604, %jit3A_658 : i32
        %ne3A_676 = arith.constant 0 : i32
        %ne3A_677 = arith.cmpi ne, %rem3A_675, %ne3A_676 : i32
        %and3A_678 = arith.andi %ne3A_674, %ne3A_677 : i1
        %sub3A_679 = arith.constant 1 : i32
        %sub3A_680 = arith.subi %div3A_659, %sub3A_679 : i32
        %select_n3A_681 = arith.select %and3A_678, %sub3A_680, %div3A_659 : i32
        %jit3A_682 = arith.constant 32 : i32
        %eq3A_683 = arith.constant 0 : i32
        %eq3A_684 = arith.cmpi eq, %jit3A_682, %eq3A_683 : i32
        %jit3A_685 = arith.constant 1 : i32
        %select_n3A_686 = arith.select %eq3A_684, %jit3A_685, %jit3A_682 : i32
        %rem3A_687 = arith.remsi %add3A_604, %select_n3A_686 : i32
        %ne3A_688 = arith.constant 0 : i32
        %ne3A_689 = arith.cmpi ne, %rem3A_687, %ne3A_688 : i32
        %lt3A_690 = arith.constant 0 : i32
        %lt3A_691 = arith.cmpi slt, %rem3A_687, %lt3A_690 : i32
        %lt3A_692 = arith.constant 0 : i32
        %lt3A_693 = arith.cmpi slt, %select_n3A_686, %lt3A_692 : i32
        %ne3A_694 = arith.xori %lt3A_691, %lt3A_693 : i1
        %and3A_695 = arith.andi %ne3A_694, %ne3A_689 : i1
        %add3A_696 = arith.addi %rem3A_687, %select_n3A_686 : i32
        %select_n3A_697 = arith.select %and3A_695, %add3A_696, %rem3A_687 : i32
        %mul3A_698 = arith.constant 16 : i32
        %mul3A_699 = arith.muli %select_n3A_697, %mul3A_698 : i32
        %dma_start3A_700 = arith.constant 0 : i32
        %dma_start3A_701 = tpu.memref_slice %arg3[%add3A, %select_n3A_681, %mul3A_699, %dma_start3A_700] : memref<32x3x512x512xf32, #tpu.memory_space<hbm>> -> memref<1x1x16x512xf32, #tpu.memory_space<hbm>>
        %dma_start3A_702 = tpu.memref_squeeze %dma_start3A_701 : memref<1x1x16x512xf32, #tpu.memory_space<hbm>> -> memref<16x512xf32, #tpu.memory_space<hbm>>
        %dma_start3A_703 = arith.constant 0 : i32
        %dma_start3A_704 = tpu.memref_slice %arg3[%add3A, %select_n3A_681, %mul3A_699, %dma_start3A_703] : memref<32x3x512x512xf32, #tpu.memory_space<hbm>> -> memref<1x1x16x512xf32, #tpu.memory_space<hbm>>
        %dma_start3A_705 = tpu.memref_squeeze %dma_start3A_704 : memref<1x1x16x512xf32, #tpu.memory_space<hbm>> -> memref<16x512xf32, #tpu.memory_space<hbm>>
        tpu.enqueue_dma source(%dma_start3A_705 : memref<16x512xf32, #tpu.memory_space<hbm>>) target(%arg8 : memref<16x512xf32, #tpu.memory_space<vmem>>) target_semaphore(%arg15 : memref<!tpu.dma_semaphore, #tpu.memory_space<semaphore_mem>>)
      } else {
      }
    }
    %scan3A_334 = arith.constant 48 : i32
    %scan3A_335 = arith.constant 9.830400e+04 : f32
    %scan3A_336 = arith.constant 0.000000e+00 : f32
    %scan3A_337 = arith.constant 0.000000e+00 : f32
    %scan3A_338 = arith.constant 0 : i32
    %scan3A_339 = arith.constant 0.000000e+00 : f32
    %scan3A_340 = arith.constant 0.000000e+00 : f32
    %scan3A_341 = arith.constant 1.000000e+00 : f32
    %scan3A_342 = arith.constant 0.000000e+00 : f32
    %scan3A_343 = arith.constant 0 : i32
    %scan3A_344 = arith.constant 0 : i32
    %scan3A_345 = arith.constant 128 : i32
    %scan3A_346 = arith.addi %scan3A_344, %scan3A_345 : i32
    %scan3A_347 = arith.constant 1 : i32
    %scan3A_348:8 = scf.for %scan3A_391 = %scan3A_344 to %scan3A_346 step %scan3A_347 iter_args(%scan3A_392 = %scan3A_336, %scan3A_393 = %scan3A_337, %scan3A_394 = %scan3A_338, %scan3A_395 = %scan3A_339, %scan3A_396 = %scan3A_340, %scan3A_397 = %scan3A_341, %scan3A_398 = %scan3A_342, %scan3A_399 = %scan3A_343) -> (f32, f32, i32, f32, f32, f32, f32, i32)  : i32 {
      %sub3A_400 = arith.constant 127 : i32
      %sub3A_401 = arith.subi %sub3A_400, %scan3A_391 : i32
      %mul3A_402 = arith.constant 16 : i32
      %mul3A_403 = arith.muli %sub3A_401, %mul3A_402 : i32
      %add3A_404 = arith.constant 0 : i32
      %add3A_405 = arith.addi %mul3A_403, %add3A_404 : i32
      %mul3A_406 = arith.constant 16 : i32
      %mul3A_407 = arith.muli %add3A_405, %mul3A_406 : i32
      %get3A = arith.index_cast %mul3A_407 : i32 to index
      %get3A_408 = tpu.vector_load %arg9[%get3A] {strides = array<i32>} : memref<32768xf32, #tpu.memory_space<vmem>>, vector<16xf32>,
      %and3A_409 = arith.constant 7 : i32
      %and3A_410 = arith.andi %add3A_405, %and3A_409 : i32
      %mul3A_411 = arith.constant 16 : i32
      %mul3A_412 = arith.muli %and3A_410, %mul3A_411 : i32
      %get3A_413 = arith.index_cast %mul3A_412 : i32 to index
      %get3A_414 = tpu.vector_load %arg10[%get3A_413] {strides = array<i32>} : memref<128xf32, #tpu.memory_space<vmem>>, vector<16xf32>,
      %mul3A_415 = arith.mulf %get3A_408, %get3A_414 : vector<16xf32>
      %shift_right_logical3A = arith.constant 3 : i32
      %shift_right_logical3A_416 = arith.shrui %add3A_405, %shift_right_logical3A : i32
      %max3A = arith.constant 1 : i32
      %max3A_417 = arith.maxsi %shift_right_logical3A_416, %max3A : i32
      %add3A_418 = vector.broadcast %max3A_417 : i32 to vector<16xi32>
      %add3A_419 = arith.addi %broadcast_in_dim3A_3, %add3A_418 : vector<16xi32>
      %shift_left3A_420 = arith.constant 23 : i32
      %shift_left3A_421 = vector.broadcast %shift_left3A_420 : i32 to vector<16xi32>
      %shift_left3A_422 = arith.shli %add3A_419, %shift_left3A_421 : vector<16xi32>
      %bitcast_convert_type3A_423 = tpu.bitcast %shift_left3A_422 : vector<16xi32> -> vector<16xf32>
      %add3A_424 = vector.broadcast %shift_right_logical3A_416 : i32 to vector<16xi32>
      %add3A_425 = arith.addi %broadcast_in_dim3A_3, %add3A_424 : vector<16xi32>
      %ge3A = arith.constant 1 : i32
      %ge3A_426 = vector.broadcast %ge3A : i32 to vector<16xi32>
      %ge3A_427 = arith.cmpi sge, %add3A_425, %ge3A_426 : vector<16xi32>
      %mul3A_428 = arith.mulf %get3A_408, %bitcast_convert_type3A_423 : vector<16xf32>
      %sub3A_429 = arith.subf %get3A_408, %mul3A_415 : vector<16xf32>
      %mul3A_430 = arith.constant 1.17549435E-38 : f32
      %mul3A_431 = vector.broadcast %mul3A_430 : f32 to vector<16xf32>
      %mul3A_432 = arith.mulf %sub3A_429, %mul3A_431 : vector<16xf32>
      %select_n3A_433 = arith.select %ge3A_427, %mul3A_428, %mul3A_432 : vector<16xi1>, vector<16xf32>
      %add3A_434 = arith.addf %broadcast_in_dim3A_1, %mul3A_415 : vector<16xf32>
      %add3A_435 = arith.addf %broadcast_in_dim3A_1, %select_n3A_433 : vector<16xf32>
      %add3A_436 = arith.constant 1 : i32
      %add3A_437 = arith.addi %mul3A_403, %add3A_436 : i32
      %mul3A_438 = arith.constant 16 : i32
      %mul3A_439 = arith.muli %add3A_437, %mul3A_438 : i32
      %get3A_440 = arith.index_cast %mul3A_439 : i32 to index
      %get3A_441 = tpu.vector_load %arg9[%get3A_440] {strides = array<i32>} : memref<32768xf32, #tpu.memory_space<vmem>>, vector<16xf32>,
      %and3A_442 = arith.constant 7 : i32
      %and3A_443 = arith.andi %add3A_437, %and3A_442 : i32
      %mul3A_444 = arith.constant 16 : i32
      %mul3A_445 = arith.muli %and3A_443, %mul3A_444 : i32
      %get3A_446 = arith.index_cast %mul3A_445 : i32 to index
      %get3A_447 = tpu.vector_load %arg10[%get3A_446] {strides = array<i32>} : memref<128xf32, #tpu.memory_space<vmem>>, vector<16xf32>,
      %mul3A_448 = arith.mulf %get3A_441, %get3A_447 : vector<16xf32>
      %shift_right_logical3A_449 = arith.constant 3 : i32
      %shift_right_logical3A_450 = arith.shrui %add3A_437, %shift_right_logical3A_449 : i32
      %max3A_451 = arith.constant 1 : i32
      %max3A_452 = arith.maxsi %shift_right_logical3A_450, %max3A_451 : i32
      %add3A_453 = vector.broadcast %max3A_452 : i32 to vector<16xi32>
      %add3A_454 = arith.addi %broadcast_in_dim3A_3, %add3A_453 : vector<16xi32>
      %shift_left3A_455 = arith.constant 23 : i32
      %shift_left3A_456 = vector.broadcast %shift_left3A_455 : i32 to vector<16xi32>
      %shift_left3A_457 = arith.shli %add3A_454, %shift_left3A_456 : vector<16xi32>
      %bitcast_convert_type3A_458 = tpu.bitcast %shift_left3A_457 : vector<16xi32> -> vector<16xf32>
      %add3A_459 = vector.broadcast %shift_right_logical3A_450 : i32 to vector<16xi32>
      %add3A_460 = arith.addi %broadcast_in_dim3A_3, %add3A_459 : vector<16xi32>
      %ge3A_461 = arith.constant 1 : i32
      %ge3A_462 = vector.broadcast %ge3A_461 : i32 to vector<16xi32>
      %ge3A_463 = arith.cmpi sge, %add3A_460, %ge3A_462 : vector<16xi32>
      %mul3A_464 = arith.mulf %get3A_441, %bitcast_convert_type3A_458 : vector<16xf32>
      %sub3A_465 = arith.subf %get3A_441, %mul3A_448 : vector<16xf32>
      %mul3A_466 = arith.constant 1.17549435E-38 : f32
      %mul3A_467 = vector.broadcast %mul3A_466 : f32 to vector<16xf32>
      %mul3A_468 = arith.mulf %sub3A_465, %mul3A_467 : vector<16xf32>
      %select_n3A_469 = arith.select %ge3A_463, %mul3A_464, %mul3A_468 : vector<16xi1>, vector<16xf32>
      %add3A_470 = arith.addf %add3A_434, %mul3A_448 : vector<16xf32>
      %add3A_471 = arith.addf %add3A_435, %select_n3A_469 : vector<16xf32>
      %add3A_472 = arith.constant 2 : i32
      %add3A_473 = arith.addi %mul3A_403, %add3A_472 : i32
      %mul3A_474 = arith.constant 16 : i32
      %mul3A_475 = arith.muli %add3A_473, %mul3A_474 : i32
      %get3A_476 = arith.index_cast %mul3A_475 : i32 to index
      %get3A_477 = tpu.vector_load %arg9[%get3A_476] {strides = array<i32>} : memref<32768xf32, #tpu.memory_space<vmem>>, vector<16xf32>,
      %and3A_478 = arith.constant 7 : i32
      %and3A_479 = arith.andi %add3A_473, %and3A_478 : i32
      %mul3A_480 = arith.constant 16 : i32
      %mul3A_481 = arith.muli %and3A_479, %mul3A_480 : i32
      %get3A_482 = arith.index_cast %mul3A_481 : i32 to index
      %get3A_483 = tpu.vector_load %arg10[%get3A_482] {strides = array<i32>} : memref<128xf32, #tpu.memory_space<vmem>>, vector<16xf32>,
      %mul3A_484 = arith.mulf %get3A_477, %get3A_483 : vector<16xf32>
      %shift_right_logical3A_485 = arith.constant 3 : i32
      %shift_right_logical3A_486 = arith.shrui %add3A_473, %shift_right_logical3A_485 : i32
      %max3A_487 = arith.constant 1 : i32
      %max3A_488 = arith.maxsi %shift_right_logical3A_486, %max3A_487 : i32
      %add3A_489 = vector.broadcast %max3A_488 : i32 to vector<16xi32>
      %add3A_490 = arith.addi %broadcast_in_dim3A_3, %add3A_489 : vector<16xi32>
      %shift_left3A_491 = arith.constant 23 : i32
      %shift_left3A_492 = vector.broadcast %shift_left3A_491 : i32 to vector<16xi32>
      %shift_left3A_493 = arith.shli %add3A_490, %shift_left3A_492 : vector<16xi32>
      %bitcast_convert_type3A_494 = tpu.bitcast %shift_left3A_493 : vector<16xi32> -> vector<16xf32>
      %add3A_495 = vector.broadcast %shift_right_logical3A_486 : i32 to vector<16xi32>
      %add3A_496 = arith.addi %broadcast_in_dim3A_3, %add3A_495 : vector<16xi32>
      %ge3A_497 = arith.constant 1 : i32
      %ge3A_498 = vector.broadcast %ge3A_497 : i32 to vector<16xi32>
      %ge3A_499 = arith.cmpi sge, %add3A_496, %ge3A_498 : vector<16xi32>
      %mul3A_500 = arith.mulf %get3A_477, %bitcast_convert_type3A_494 : vector<16xf32>
      %sub3A_501 = arith.subf %get3A_477, %mul3A_484 : vector<16xf32>
      %mul3A_502 = arith.constant 1.17549435E-38 : f32
      %mul3A_503 = vector.broadcast %mul3A_502 : f32 to vector<16xf32>
      %mul3A_504 = arith.mulf %sub3A_501, %mul3A_503 : vector<16xf32>
      %select_n3A_505 = arith.select %ge3A_499, %mul3A_500, %mul3A_504 : vector<16xi1>, vector<16xf32>
      %add3A_506 = arith.addf %add3A_470, %mul3A_484 : vector<16xf32>
      %add3A_507 = arith.addf %add3A_471, %select_n3A_505 : vector<16xf32>
      %add3A_508 = arith.constant 3 : i32
      %add3A_509 = arith.addi %mul3A_403, %add3A_508 : i32
      %mul3A_510 = arith.constant 16 : i32
      %mul3A_511 = arith.muli %add3A_509, %mul3A_510 : i32
      %get3A_512 = arith.index_cast %mul3A_511 : i32 to index
      %get3A_513 = tpu.vector_load %arg9[%get3A_512] {strides = array<i32>} : memref<32768xf32, #tpu.memory_space<vmem>>, vector<16xf32>,
      %and3A_514 = arith.constant 7 : i32
      %and3A_515 = arith.andi %add3A_509, %and3A_514 : i32
      %mul3A_516 = arith.constant 16 : i32
      %mul3A_517 = arith.muli %and3A_515, %mul3A_516 : i32
      %get3A_518 = arith.index_cast %mul3A_517 : i32 to index
      %get3A_519 = tpu.vector_load %arg10[%get3A_518] {strides = array<i32>} : memref<128xf32, #tpu.memory_space<vmem>>, vector<16xf32>,
      %mul3A_520 = arith.mulf %get3A_513, %get3A_519 : vector<16xf32>
      %shift_right_logical3A_521 = arith.constant 3 : i32
      %shift_right_logical3A_522 = arith.shrui %add3A_509, %shift_right_logical3A_521 : i32
      %max3A_523 = arith.constant 1 : i32
      %max3A_524 = arith.maxsi %shift_right_logical3A_522, %max3A_523 : i32
      %add3A_525 = vector.broadcast %max3A_524 : i32 to vector<16xi32>
      %add3A_526 = arith.addi %broadcast_in_dim3A_3, %add3A_525 : vector<16xi32>
      %shift_left3A_527 = arith.constant 23 : i32
      %shift_left3A_528 = vector.broadcast %shift_left3A_527 : i32 to vector<16xi32>
      %shift_left3A_529 = arith.shli %add3A_526, %shift_left3A_528 : vector<16xi32>
      %bitcast_convert_type3A_530 = tpu.bitcast %shift_left3A_529 : vector<16xi32> -> vector<16xf32>
      %add3A_531 = vector.broadcast %shift_right_logical3A_522 : i32 to vector<16xi32>
      %add3A_532 = arith.addi %broadcast_in_dim3A_3, %add3A_531 : vector<16xi32>
      %ge3A_533 = arith.constant 1 : i32
      %ge3A_534 = vector.broadcast %ge3A_533 : i32 to vector<16xi32>
      %ge3A_535 = arith.cmpi sge, %add3A_532, %ge3A_534 : vector<16xi32>
      %mul3A_536 = arith.mulf %get3A_513, %bitcast_convert_type3A_530 : vector<16xf32>
      %sub3A_537 = arith.subf %get3A_513, %mul3A_520 : vector<16xf32>
      %mul3A_538 = arith.constant 1.17549435E-38 : f32
      %mul3A_539 = vector.broadcast %mul3A_538 : f32 to vector<16xf32>
      %mul3A_540 = arith.mulf %sub3A_537, %mul3A_539 : vector<16xf32>
      %select_n3A_541 = arith.select %ge3A_535, %mul3A_536, %mul3A_540 : vector<16xi1>, vector<16xf32>
      %add3A_542 = arith.addf %add3A_506, %mul3A_520 : vector<16xf32>
      %add3A_543 = arith.addf %add3A_507, %select_n3A_541 : vector<16xf32>
      %add3A_544 = arith.constant 4 : i32
      %add3A_545 = arith.addi %mul3A_403, %add3A_544 : i32
      %mul3A_546 = arith.constant 16 : i32
      %mul3A_547 = arith.muli %add3A_545, %mul3A_546 : i32
      %get3A_548 = arith.index_cast %mul3A_547 : i32 to index
      %get3A_549 = tpu.vector_load %arg9[%get3A_548] {strides = array<i32>} : memref<32768xf32, #tpu.memory_space<vmem>>, vector<16xf32>,
      %and3A_550 = arith.constant 7 : i32
      %and3A_551 = arith.andi %add3A_545, %and3A_550 : i32
      %mul3A_552 = arith.constant 16 : i32
      %mul3A_553 = arith.muli %and3A_551, %mul3A_552 : i32
      %get3A_554 = arith.index_cast %mul3A_553 : i32 to index
      %get3A_555 = tpu.vector_load %arg10[%get3A_554] {strides = array<i32>} : memref<128xf32, #tpu.memory_space<vmem>>, vector<16xf32>,
      %mul3A_556 = arith.mulf %get3A_549, %get3A_555 : vector<16xf32>
      %shift_right_logical3A_557 = arith.constant 3 : i32
      %shift_right_logical3A_558 = arith.shrui %add3A_545, %shift_right_logical3A_557 : i32
      %max3A_559 = arith.constant 1 : i32
      %max3A_560 = arith.maxsi %shift_right_logical3A_558, %max3A_559 : i32
      %add3A_561 = vector.broadcast %max3A_560 : i32 to vector<16xi32>
      %add3A_562 = arith.addi %broadcast_in_dim3A_3, %add3A_561 : vector<16xi32>
      %shift_left3A_563 = arith.constant 23 : i32
      %shift_left3A_564 = vector.broadcast %shift_left3A_563 : i32 to vector<16xi32>
      %shift_left3A_565 = arith.shli %add3A_562, %shift_left3A_564 : vector<16xi32>
      %bitcast_convert_type3A_566 = tpu.bitcast %shift_left3A_565 : vector<16xi32> -> vector<16xf32>
      %add3A_567 = vector.broadcast %shift_right_logical3A_558 : i32 to vector<16xi32>
      %add3A_568 = arith.addi %broadcast_in_dim3A_3, %add3A_567 : vector<16xi32>
      %ge3A_569 = arith.constant 1 : i32
      %ge3A_570 = vector.broadcast %ge3A_569 : i32 to vector<16xi32>
      %ge3A_571 = arith.cmpi sge, %add3A_568, %ge3A_570 : vector<16xi32>
      %mul3A_572 = arith.mulf %get3A_549, %bitcast_convert_type3A_566 : vector<16xf32>
      %sub3A_573 = arith.subf %get3A_549, %mul3A_556 : vector<16xf32>
      %mul3A_574 = arith.constant 1.17549435E-38 : f32
      %mul3A_575 = vector.broadcast %mul3A_574 : f32 to vector<16xf32>
      %mul3A_576 = arith.mulf %sub3A_573, %mul3A_575 : vector<16xf32>
      %select_n3A_577 = arith.select %ge3A_571, %mul3A_572, %mul3A_576 : vector<16xi1>, vector<16xf32>
      %add3A_578 = arith.addf %add3A_542, %mul3A_556 : vector<16xf32>
      %add3A_579 = arith.addf %add3A_543, %select_n3A_577 : vector<16xf32>
      %add3A_580 = arith.constant 5 : i32
      %add3A_581 = arith.addi %mul3A_403, %add3A_580 : i32
      %mul3A_582 = arith.constant 16 : i32
      %mul3A_583 = arith.muli %add3A_581, %mul3A_582 : i32
      %get3A_584 = arith.index_cast %mul3A_583 : i32 to index
      %get3A_585 = tpu.vector_load %arg9[%get3A_584] {strides = array<i32>} : memref<32768xf32, #tpu.memory_space<vmem>>, vector<16xf32>,
      %and3A_586 = arith.constant 7 : i32
      %and3A_587 = arith.andi %add3A_581, %and3A_586 : i32
      %mul3A_588 = arith.constant 16 : i32
      %mul3A_589 = arith.muli %and3A_587, %mul3A_588 : i32
      %get3A_590 = arith.index_cast %mul3A_589 : i32 to index
      %get3A_591 = tpu.vector_load %arg10[%get3A_590] {strides = array<i32>} : memref<128xf32, #tpu.memory_space<vmem>>, vector<16xf32>,
      %mul3A_592 = arith.mulf %get3A_585, %get3A_591 : vector<16xf32>
      %shift_right_logical3A_593 = arith.constant 3 : i32
      %shift_right_logical3A_594 = arith.shrui %add3A_581, %shift_right_logical3A_593 : i32
      %max3A_595 = arith.constant 1 : i32
      %max3A_596 = arith.maxsi %shift_right_logical3A_594, %max3A_595 : i32
      %add3A_597 = vector.broadcast %max3A_596 : i32 to vector<16xi32>
      %add3A_598 = arith.addi %broadcast_in_dim3A_3, %add3A_597 : vector<16xi32>
      %shift_left3A_599 = arith.constant 23 : i32
      %shift_left3A_600 = vector.broadcast %shift_left3A_599 : i32 to vector<16xi32>
      %shift_left3A_601 = arith.shli %add3A_598, %shift_left3A_600 : vector<16xi32>
      %bitcast_convert_type3A_602 = tpu.bitcast %shift_left3A_601 : vector<16xi32> -> vector<16xf32>
      %add3A_603 = vector.broadcast %shift_right_logical3A_594 : i32 to vector<16xi32>
      %add3A_604 = arith.addi %broadcast_in_dim3A_3, %add3A_603 : vector<16xi32>
      %ge3A_605 = arith.constant 1 : i32
      %ge3A_606 = vector.broadcast %ge3A_605 : i32 to vector<16xi32>
      %ge3A_607 = arith.cmpi sge, %add3A_604, %ge3A_606 : vector<16xi32>
      %mul3A_608 = arith.mulf %get3A_585, %bitcast_convert_type3A_602 : vector<16xf32>
      %sub3A_609 = arith.subf %get3A_585, %mul3A_592 : vector<16xf32>
      %mul3A_610 = arith.constant 1.17549435E-38 : f32
      %mul3A_611 = vector.broadcast %mul3A_610 : f32 to vector<16xf32>
      %mul3A_612 = arith.mulf %sub3A_609, %mul3A_611 : vector<16xf32>
      %select_n3A_613 = arith.select %ge3A_607, %mul3A_608, %mul3A_612 : vector<16xi1>, vector<16xf32>
      %add3A_614 = arith.addf %add3A_578, %mul3A_592 : vector<16xf32>
      %add3A_615 = arith.addf %add3A_579, %select_n3A_613 : vector<16xf32>
      %add3A_616 = arith.constant 6 : i32
      %add3A_617 = arith.addi %mul3A_403, %add3A_616 : i32
      %mul3A_618 = arith.constant 16 : i32
      %mul3A_619 = arith.muli %add3A_617, %mul3A_618 : i32
      %get3A_620 = arith.index_cast %mul3A_619 : i32 to index
      %get3A_621 = tpu.vector_load %arg9[%get3A_620] {strides = array<i32>} : memref<32768xf32, #tpu.memory_space<vmem>>, vector<16xf32>,
      %and3A_622 = arith.constant 7 : i32
      %and3A_623 = arith.andi %add3A_617, %and3A_622 : i32
      %mul3A_624 = arith.constant 16 : i32
      %mul3A_625 = arith.muli %and3A_623, %mul3A_624 : i32
      %get3A_626 = arith.index_cast %mul3A_625 : i32 to index
      %get3A_627 = tpu.vector_load %arg10[%get3A_626] {strides = array<i32>} : memref<128xf32, #tpu.memory_space<vmem>>, vector<16xf32>,
      %mul3A_628 = arith.mulf %get3A_621, %get3A_627 : vector<16xf32>
      %shift_right_logical3A_629 = arith.constant 3 : i32
      %shift_right_logical3A_630 = arith.shrui %add3A_617, %shift_right_logical3A_629 : i32
      %max3A_631 = arith.constant 1 : i32
      %max3A_632 = arith.maxsi %shift_right_logical3A_630, %max3A_631 : i32
      %add3A_633 = vector.broadcast %max3A_632 : i32 to vector<16xi32>
      %add3A_634 = arith.addi %broadcast_in_dim3A_3, %add3A_633 : vector<16xi32>
      %shift_left3A_635 = arith.constant 23 : i32
      %shift_left3A_636 = vector.broadcast %shift_left3A_635 : i32 to vector<16xi32>
      %shift_left3A_637 = arith.shli %add3A_634, %shift_left3A_636 : vector<16xi32>
      %bitcast_convert_type3A_638 = tpu.bitcast %shift_left3A_637 : vector<16xi32> -> vector<16xf32>
      %add3A_639 = vector.broadcast %shift_right_logical3A_630 : i32 to vector<16xi32>
      %add3A_640 = arith.addi %broadcast_in_dim3A_3, %add3A_639 : vector<16xi32>
      %ge3A_641 = arith.constant 1 : i32
      %ge3A_642 = vector.broadcast %ge3A_641 : i32 to vector<16xi32>
      %ge3A_643 = arith.cmpi sge, %add3A_640, %ge3A_642 : vector<16xi32>
      %mul3A_644 = arith.mulf %get3A_621, %bitcast_convert_type3A_638 : vector<16xf32>
      %sub3A_645 = arith.subf %get3A_621, %mul3A_628 : vector<16xf32>
      %mul3A_646 = arith.constant 1.17549435E-38 : f32
      %mul3A_647 = vector.broadcast %mul3A_646 : f32 to vector<16xf32>
      %mul3A_648 = arith.mulf %sub3A_645, %mul3A_647 : vector<16xf32>
      %select_n3A_649 = arith.select %ge3A_643, %mul3A_644, %mul3A_648 : vector<16xi1>, vector<16xf32>
      %add3A_650 = arith.addf %add3A_614, %mul3A_628 : vector<16xf32>
      %add3A_651 = arith.addf %add3A_615, %select_n3A_649 : vector<16xf32>
      %add3A_652 = arith.constant 7 : i32
      %add3A_653 = arith.addi %mul3A_403, %add3A_652 : i32
      %mul3A_654 = arith.constant 16 : i32
      %mul3A_655 = arith.muli %add3A_653, %mul3A_654 : i32
      %get3A_656 = arith.index_cast %mul3A_655 : i32 to index
      %get3A_657 = tpu.vector_load %arg9[%get3A_656] {strides = array<i32>} : memref<32768xf32, #tpu.memory_space<vmem>>, vector<16xf32>,
      %and3A_658 = arith.constant 7 : i32
      %and3A_659 = arith.andi %add3A_653, %and3A_658 : i32
      %mul3A_660 = arith.constant 16 : i32
      %mul3A_661 = arith.muli %and3A_659, %mul3A_660 : i32
      %get3A_662 = arith.index_cast %mul3A_661 : i32 to index
      %get3A_663 = tpu.vector_load %arg10[%get3A_662] {strides = array<i32>} : memref<128xf32, #tpu.memory_space<vmem>>, vector<16xf32>,
      %mul3A_664 = arith.mulf %get3A_657, %get3A_663 : vector<16xf32>
      %shift_right_logical3A_665 = arith.constant 3 : i32
      %shift_right_logical3A_666 = arith.shrui %add3A_653, %shift_right_logical3A_665 : i32
      %max3A_667 = arith.constant 1 : i32
      %max3A_668 = arith.maxsi %shift_right_logical3A_666, %max3A_667 : i32
      %add3A_669 = vector.broadcast %max3A_668 : i32 to vector<16xi32>
      %add3A_670 = arith.addi %broadcast_in_dim3A_3, %add3A_669 : vector<16xi32>
      %shift_left3A_671 = arith.constant 23 : i32
      %shift_left3A_672 = vector.broadcast %shift_left3A_671 : i32 to vector<16xi32>
      %shift_left3A_673 = arith.shli %add3A_670, %shift_left3A_672 : vector<16xi32>
      %bitcast_convert_type3A_674 = tpu.bitcast %shift_left3A_673 : vector<16xi32> -> vector<16xf32>
      %add3A_675 = vector.broadcast %shift_right_logical3A_666 : i32 to vector<16xi32>
      %add3A_676 = arith.addi %broadcast_in_dim3A_3, %add3A_675 : vector<16xi32>
      %ge3A_677 = arith.constant 1 : i32
      %ge3A_678 = vector.broadcast %ge3A_677 : i32 to vector<16xi32>
      %ge3A_679 = arith.cmpi sge, %add3A_676, %ge3A_678 : vector<16xi32>
      %mul3A_680 = arith.mulf %get3A_657, %bitcast_convert_type3A_674 : vector<16xf32>
      %sub3A_681 = arith.subf %get3A_657, %mul3A_664 : vector<16xf32>
      %mul3A_682 = arith.constant 1.17549435E-38 : f32
      %mul3A_683 = vector.broadcast %mul3A_682 : f32 to vector<16xf32>
      %mul3A_684 = arith.mulf %sub3A_681, %mul3A_683 : vector<16xf32>
      %select_n3A_685 = arith.select %ge3A_679, %mul3A_680, %mul3A_684 : vector<16xi1>, vector<16xf32>
      %add3A_686 = arith.addf %add3A_650, %mul3A_664 : vector<16xf32>
      %add3A_687 = arith.addf %add3A_651, %select_n3A_685 : vector<16xf32>
      %add3A_688 = arith.constant 8 : i32
      %add3A_689 = arith.addi %mul3A_403, %add3A_688 : i32
      %mul3A_690 = arith.constant 16 : i32
      %mul3A_691 = arith.muli %add3A_689, %mul3A_690 : i32
      %get3A_692 = arith.index_cast %mul3A_691 : i32 to index
      %get3A_693 = tpu.vector_load %arg9[%get3A_692] {strides = array<i32>} : memref<32768xf32, #tpu.memory_space<vmem>>, vector<16xf32>,
      %and3A_694 = arith.constant 7 : i32
      %and3A_695 = arith.andi %add3A_689, %and3A_694 : i32
      %mul3A_696 = arith.constant 16 : i32
      %mul3A_697 = arith.muli %and3A_695, %mul3A_696 : i32
      %get3A_698 = arith.index_cast %mul3A_697 : i32 to index
      %get3A_699 = tpu.vector_load %arg10[%get3A_698] {strides = array<i32>} : memref<128xf32, #tpu.memory_space<vmem>>, vector<16xf32>,
      %mul3A_700 = arith.mulf %get3A_693, %get3A_699 : vector<16xf32>
      %shift_right_logical3A_701 = arith.constant 3 : i32
      %shift_right_logical3A_702 = arith.shrui %add3A_689, %shift_right_logical3A_701 : i32
      %max3A_703 = arith.constant 1 : i32
      %max3A_704 = arith.maxsi %shift_right_logical3A_702, %max3A_703 : i32
      %add3A_705 = vector.broadcast %max3A_704 : i32 to vector<16xi32>
      %add3A_706 = arith.addi %broadcast_in_dim3A_3, %add3A_705 : vector<16xi32>
      %shift_left3A_707 = arith.constant 23 : i32
      %shift_left3A_708 = vector.broadcast %shift_left3A_707 : i32 to vector<16xi32>
      %shift_left3A_709 = arith.shli %add3A_706, %shift_left3A_708 : vector<16xi32>
      %bitcast_convert_type3A_710 = tpu.bitcast %shift_left3A_709 : vector<16xi32> -> vector<16xf32>
      %add3A_711 = vector.broadcast %shift_right_logical3A_702 : i32 to vector<16xi32>
      %add3A_712 = arith.addi %broadcast_in_dim3A_3, %add3A_711 : vector<16xi32>
      %ge3A_713 = arith.constant 1 : i32
      %ge3A_714 = vector.broadcast %ge3A_713 : i32 to vector<16xi32>
      %ge3A_715 = arith.cmpi sge, %add3A_712, %ge3A_714 : vector<16xi32>
      %mul3A_716 = arith.mulf %get3A_693, %bitcast_convert_type3A_710 : vector<16xf32>
      %sub3A_717 = arith.subf %get3A_693, %mul3A_700 : vector<16xf32>
      %mul3A_718 = arith.constant 1.17549435E-38 : f32
      %mul3A_719 = vector.broadcast %mul3A_718 : f32 to vector<16xf32>
      %mul3A_720 = arith.mulf %sub3A_717, %mul3A_719 : vector<16xf32>
      %select_n3A_721 = arith.select %ge3A_715, %mul3A_716, %mul3A_720 : vector<16xi1>, vector<16xf32>
      %add3A_722 = arith.addf %add3A_686, %mul3A_700 : vector<16xf32>
      %add3A_723 = arith.addf %add3A_687, %select_n3A_721 : vector<16xf32>
      %add3A_724 = arith.constant 9 : i32
      %add3A_725 = arith.addi %mul3A_403, %add3A_724 : i32
      %mul3A_726 = arith.constant 16 : i32
      %mul3A_727 = arith.muli %add3A_725, %mul3A_726 : i32
      %get3A_728 = arith.index_cast %mul3A_727 : i32 to index
      %get3A_729 = tpu.vector_load %arg9[%get3A_728] {strides = array<i32>} : memref<32768xf32, #tpu.memory_space<vmem>>, vector<16xf32>,
      %and3A_730 = arith.constant 7 : i32
      %and3A_731 = arith.andi %add3A_725, %and3A_730 : i32
      %mul3A_732 = arith.constant 16 : i32
      %mul3A_733 = arith.muli %and3A_731, %mul3A_732 : i32
      %get3A_734 = arith.index_cast %mul3A_733 : i32 to index
      %get3A_735 = tpu.vector_load %arg10[%get3A_734] {strides = array<i32>} : memref<128xf32, #tpu.memory_space<vmem>>, vector<16xf32>,
      %mul3A_736 = arith.mulf %get3A_729, %get3A_735 : vector<16xf32>
      %shift_right_logical3A_737 = arith.constant 3 : i32
      %shift_right_logical3A_738 = arith.shrui %add3A_725, %shift_right_logical3A_737 : i32
      %max3A_739 = arith.constant 1 : i32
      %max3A_740 = arith.maxsi %shift_right_logical3A_738, %max3A_739 : i32
      %add3A_741 = vector.broadcast %max3A_740 : i32 to vector<16xi32>
      %add3A_742 = arith.addi %broadcast_in_dim3A_3, %add3A_741 : vector<16xi32>
      %shift_left3A_743 = arith.constant 23 : i32
      %shift_left3A_744 = vector.broadcast %shift_left3A_743 : i32 to vector<16xi32>
      %shift_left3A_745 = arith.shli %add3A_742, %shift_left3A_744 : vector<16xi32>
      %bitcast_convert_type3A_746 = tpu.bitcast %shift_left3A_745 : vector<16xi32> -> vector<16xf32>
      %add3A_747 = vector.broadcast %shift_right_logical3A_738 : i32 to vector<16xi32>
      %add3A_748 = arith.addi %broadcast_in_dim3A_3, %add3A_747 : vector<16xi32>
      %ge3A_749 = arith.constant 1 : i32
      %ge3A_750 = vector.broadcast %ge3A_749 : i32 to vector<16xi32>
      %ge3A_751 = arith.cmpi sge, %add3A_748, %ge3A_750 : vector<16xi32>
      %mul3A_752 = arith.mulf %get3A_729, %bitcast_convert_type3A_746 : vector<16xf32>
      %sub3A_753 = arith.subf %get3A_729, %mul3A_736 : vector<16xf32>
      %mul3A_754 = arith.constant 1.17549435E-38 : f32
      %mul3A_755 = vector.broadcast %mul3A_754 : f32 to vector<16xf32>
      %mul3A_756 = arith.mulf %sub3A_753, %mul3A_755 : vector<16xf32>
      %select_n3A_757 = arith.select %ge3A_751, %mul3A_752, %mul3A_756 : vector<16xi1>, vector<16xf32>
      %add3A_758 = arith.addf %add3A_722, %mul3A_736 : vector<16xf32>
      %add3A_759 = arith.addf %add3A_723, %select_n3A_757 : vector<16xf32>
      %add3A_760 = arith.constant 10 : i32
      %add3A_761 = arith.addi %mul3A_403, %add3A_760 : i32
      %mul3A_762 = arith.constant 16 : i32
      %mul3A_763 = arith.muli %add3A_761, %mul3A_762 : i32
      %get3A_764 = arith.index_cast %mul3A_763 : i32 to index
      %get3A_765 = tpu.vector_load %arg9[%get3A_764] {strides = array<i32>} : memref<32768xf32, #tpu.memory_space<vmem>>, vector<16xf32>,
      %and3A_766 = arith.constant 7 : i32
      %and3A_767 = arith.andi %add3A_761, %and3A_766 : i32
      %mul3A_768 = arith.constant 16 : i32
      %mul3A_769 = arith.muli %and3A_767, %mul3A_768 : i32
      %get3A_770 = arith.index_cast %mul3A_769 : i32 to index
      %get3A_771 = tpu.vector_load %arg10[%get3A_770] {strides = array<i32>} : memref<128xf32, #tpu.memory_space<vmem>>, vector<16xf32>,
      %mul3A_772 = arith.mulf %get3A_765, %get3A_771 : vector<16xf32>
      %shift_right_logical3A_773 = arith.constant 3 : i32
      %shift_right_logical3A_774 = arith.shrui %add3A_761, %shift_right_logical3A_773 : i32
      %max3A_775 = arith.constant 1 : i32
      %max3A_776 = arith.maxsi %shift_right_logical3A_774, %max3A_775 : i32
      %add3A_777 = vector.broadcast %max3A_776 : i32 to vector<16xi32>
      %add3A_778 = arith.addi %broadcast_in_dim3A_3, %add3A_777 : vector<16xi32>
      %shift_left3A_779 = arith.constant 23 : i32
      %shift_left3A_780 = vector.broadcast %shift_left3A_779 : i32 to vector<16xi32>
      %shift_left3A_781 = arith.shli %add3A_778, %shift_left3A_780 : vector<16xi32>
      %bitcast_convert_type3A_782 = tpu.bitcast %shift_left3A_781 : vector<16xi32> -> vector<16xf32>
      %add3A_783 = vector.broadcast %shift_right_logical3A_774 : i32 to vector<16xi32>
      %add3A_784 = arith.addi %broadcast_in_dim3A_3, %add3A_783 : vector<16xi32>
      %ge3A_785 = arith.constant 1 : i32
      %ge3A_786 = vector.broadcast %ge3A_785 : i32 to vector<16xi32>
      %ge3A_787 = arith.cmpi sge, %add3A_784, %ge3A_786 : vector<16xi32>
      %mul3A_788 = arith.mulf %get3A_765, %bitcast_convert_type3A_782 : vector<16xf32>
      %sub3A_789 = arith.subf %get3A_765, %mul3A_772 : vector<16xf32>
      %mul3A_790 = arith.constant 1.17549435E-38 : f32
      %mul3A_791 = vector.broadcast %mul3A_790 : f32 to vector<16xf32>
      %mul3A_792 = arith.mulf %sub3A_789, %mul3A_791 : vector<16xf32>
      %select_n3A_793 = arith.select %ge3A_787, %mul3A_788, %mul3A_792 : vector<16xi1>, vector<16xf32>
      %add3A_794 = arith.addf %add3A_758, %mul3A_772 : vector<16xf32>
      %add3A_795 = arith.addf %add3A_759, %select_n3A_793 : vector<16xf32>
      %add3A_796 = arith.constant 11 : i32
      %add3A_797 = arith.addi %mul3A_403, %add3A_796 : i32
      %mul3A_798 = arith.constant 16 : i32
      %mul3A_799 = arith.muli %add3A_797, %mul3A_798 : i32
      %get3A_800 = arith.index_cast %mul3A_799 : i32 to index
      %get3A_801 = tpu.vector_load %arg9[%get3A_800] {strides = array<i32>} : memref<32768xf32, #tpu.memory_space<vmem>>, vector<16xf32>,
      %and3A_802 = arith.constant 7 : i32
      %and3A_803 = arith.andi %add3A_797, %and3A_802 : i32
      %mul3A_804 = arith.constant 16 : i32
      %mul3A_805 = arith.muli %and3A_803, %mul3A_804 : i32
      %get3A_806 = arith.index_cast %mul3A_805 : i32 to index
      %get3A_807 = tpu.vector_load %arg10[%get3A_806] {strides = array<i32>} : memref<128xf32, #tpu.memory_space<vmem>>, vector<16xf32>,
      %mul3A_808 = arith.mulf %get3A_801, %get3A_807 : vector<16xf32>
      %shift_right_logical3A_809 = arith.constant 3 : i32
      %shift_right_logical3A_810 = arith.shrui %add3A_797, %shift_right_logical3A_809 : i32
      %max3A_811 = arith.constant 1 : i32
      %max3A_812 = arith.maxsi %shift_right_logical3A_810, %max3A_811 : i32
      %add3A_813 = vector.broadcast %max3A_812 : i32 to vector<16xi32>
      %add3A_814 = arith.addi %broadcast_in_dim3A_3, %add3A_813 : vector<16xi32>
      %shift_left3A_815 = arith.constant 23 : i32
      %shift_left3A_816 = vector.broadcast %shift_left3A_815 : i32 to vector<16xi32>
      %shift_left3A_817 = arith.shli %add3A_814, %shift_left3A_816 : vector<16xi32>
      %bitcast_convert_type3A_818 = tpu.bitcast %shift_left3A_817 : vector<16xi32> -> vector<16xf32>
      %add3A_819 = vector.broadcast %shift_right_logical3A_810 : i32 to vector<16xi32>
      %add3A_820 = arith.addi %broadcast_in_dim3A_3, %add3A_819 : vector<16xi32>
      %ge3A_821 = arith.constant 1 : i32
      %ge3A_822 = vector.broadcast %ge3A_821 : i32 to vector<16xi32>
      %ge3A_823 = arith.cmpi sge, %add3A_820, %ge3A_822 : vector<16xi32>
      %mul3A_824 = arith.mulf %get3A_801, %bitcast_convert_type3A_818 : vector<16xf32>
      %sub3A_825 = arith.subf %get3A_801, %mul3A_808 : vector<16xf32>
      %mul3A_826 = arith.constant 1.17549435E-38 : f32
      %mul3A_827 = vector.broadcast %mul3A_826 : f32 to vector<16xf32>
      %mul3A_828 = arith.mulf %sub3A_825, %mul3A_827 : vector<16xf32>
      %select_n3A_829 = arith.select %ge3A_823, %mul3A_824, %mul3A_828 : vector<16xi1>, vector<16xf32>
      %add3A_830 = arith.addf %add3A_794, %mul3A_808 : vector<16xf32>
      %add3A_831 = arith.addf %add3A_795, %select_n3A_829 : vector<16xf32>
      %add3A_832 = arith.constant 12 : i32
      %add3A_833 = arith.addi %mul3A_403, %add3A_832 : i32
      %mul3A_834 = arith.constant 16 : i32
      %mul3A_835 = arith.muli %add3A_833, %mul3A_834 : i32
      %get3A_836 = arith.index_cast %mul3A_835 : i32 to index
      %get3A_837 = tpu.vector_load %arg9[%get3A_836] {strides = array<i32>} : memref<32768xf32, #tpu.memory_space<vmem>>, vector<16xf32>,
      %and3A_838 = arith.constant 7 : i32
      %and3A_839 = arith.andi %add3A_833, %and3A_838 : i32
      %mul3A_840 = arith.constant 16 : i32
      %mul3A_841 = arith.muli %and3A_839, %mul3A_840 : i32
      %get3A_842 = arith.index_cast %mul3A_841 : i32 to index
      %get3A_843 = tpu.vector_load %arg10[%get3A_842] {strides = array<i32>} : memref<128xf32, #tpu.memory_space<vmem>>, vector<16xf32>,
      %mul3A_844 = arith.mulf %get3A_837, %get3A_843 : vector<16xf32>
      %shift_right_logical3A_845 = arith.constant 3 : i32
      %shift_right_logical3A_846 = arith.shrui %add3A_833, %shift_right_logical3A_845 : i32
      %max3A_847 = arith.constant 1 : i32
      %max3A_848 = arith.maxsi %shift_right_logical3A_846, %max3A_847 : i32
      %add3A_849 = vector.broadcast %max3A_848 : i32 to vector<16xi32>
      %add3A_850 = arith.addi %broadcast_in_dim3A_3, %add3A_849 : vector<16xi32>
      %shift_left3A_851 = arith.constant 23 : i32
      %shift_left3A_852 = vector.broadcast %shift_left3A_851 : i32 to vector<16xi32>
      %shift_left3A_853 = arith.shli %add3A_850, %shift_left3A_852 : vector<16xi32>
      %bitcast_convert_type3A_854 = tpu.bitcast %shift_left3A_853 : vector<16xi32> -> vector<16xf32>
      %add3A_855 = vector.broadcast %shift_right_logical3A_846 : i32 to vector<16xi32>
      %add3A_856 = arith.addi %broadcast_in_dim3A_3, %add3A_855 : vector<16xi32>
      %ge3A_857 = arith.constant 1 : i32
      %ge3A_858 = vector.broadcast %ge3A_857 : i32 to vector<16xi32>
      %ge3A_859 = arith.cmpi sge, %add3A_856, %ge3A_858 : vector<16xi32>
      %mul3A_860 = arith.mulf %get3A_837, %bitcast_convert_type3A_854 : vector<16xf32>
      %sub3A_861 = arith.subf %get3A_837, %mul3A_844 : vector<16xf32>
      %mul3A_862 = arith.constant 1.17549435E-38 : f32
      %mul3A_863 = vector.broadcast %mul3A_862 : f32 to vector<16xf32>
      %mul3A_864 = arith.mulf %sub3A_861, %mul3A_863 : vector<16xf32>
      %select_n3A_865 = arith.select %ge3A_859, %mul3A_860, %mul3A_864 : vector<16xi1>, vector<16xf32>
      %add3A_866 = arith.addf %add3A_830, %mul3A_844 : vector<16xf32>
      %add3A_867 = arith.addf %add3A_831, %select_n3A_865 : vector<16xf32>
      %add3A_868 = arith.constant 13 : i32
      %add3A_869 = arith.addi %mul3A_403, %add3A_868 : i32
      %mul3A_870 = arith.constant 16 : i32
      %mul3A_871 = arith.muli %add3A_869, %mul3A_870 : i32
      %get3A_872 = arith.index_cast %mul3A_871 : i32 to index
      %get3A_873 = tpu.vector_load %arg9[%get3A_872] {strides = array<i32>} : memref<32768xf32, #tpu.memory_space<vmem>>, vector<16xf32>,
      %and3A_874 = arith.constant 7 : i32
      %and3A_875 = arith.andi %add3A_869, %and3A_874 : i32
      %mul3A_876 = arith.constant 16 : i32
      %mul3A_877 = arith.muli %and3A_875, %mul3A_876 : i32
      %get3A_878 = arith.index_cast %mul3A_877 : i32 to index
      %get3A_879 = tpu.vector_load %arg10[%get3A_878] {strides = array<i32>} : memref<128xf32, #tpu.memory_space<vmem>>, vector<16xf32>,
      %mul3A_880 = arith.mulf %get3A_873, %get3A_879 : vector<16xf32>
      %shift_right_logical3A_881 = arith.constant 3 : i32
      %shift_right_logical3A_882 = arith.shrui %add3A_869, %shift_right_logical3A_881 : i32
      %max3A_883 = arith.constant 1 : i32
      %max3A_884 = arith.maxsi %shift_right_logical3A_882, %max3A_883 : i32
      %add3A_885 = vector.broadcast %max3A_884 : i32 to vector<16xi32>
      %add3A_886 = arith.addi %broadcast_in_dim3A_3, %add3A_885 : vector<16xi32>
      %shift_left3A_887 = arith.constant 23 : i32
      %shift_left3A_888 = vector.broadcast %shift_left3A_887 : i32 to vector<16xi32>
      %shift_left3A_889 = arith.shli %add3A_886, %shift_left3A_888 : vector<16xi32>
      %bitcast_convert_type3A_890 = tpu.bitcast %shift_left3A_889 : vector<16xi32> -> vector<16xf32>
      %add3A_891 = vector.broadcast %shift_right_logical3A_882 : i32 to vector<16xi32>
      %add3A_892 = arith.addi %broadcast_in_dim3A_3, %add3A_891 : vector<16xi32>
      %ge3A_893 = arith.constant 1 : i32
      %ge3A_894 = vector.broadcast %ge3A_893 : i32 to vector<16xi32>
      %ge3A_895 = arith.cmpi sge, %add3A_892, %ge3A_894 : vector<16xi32>
      %mul3A_896 = arith.mulf %get3A_873, %bitcast_convert_type3A_890 : vector<16xf32>
      %sub3A_897 = arith.subf %get3A_873, %mul3A_880 : vector<16xf32>
      %mul3A_898 = arith.constant 1.17549435E-38 : f32
      %mul3A_899 = vector.broadcast %mul3A_898 : f32 to vector<16xf32>
      %mul3A_900 = arith.mulf %sub3A_897, %mul3A_899 : vector<16xf32>
      %select_n3A_901 = arith.select %ge3A_895, %mul3A_896, %mul3A_900 : vector<16xi1>, vector<16xf32>
      %add3A_902 = arith.addf %add3A_866, %mul3A_880 : vector<16xf32>
      %add3A_903 = arith.addf %add3A_867, %select_n3A_901 : vector<16xf32>
      %add3A_904 = arith.constant 14 : i32
      %add3A_905 = arith.addi %mul3A_403, %add3A_904 : i32
      %mul3A_906 = arith.constant 16 : i32
      %mul3A_907 = arith.muli %add3A_905, %mul3A_906 : i32
      %get3A_908 = arith.index_cast %mul3A_907 : i32 to index
      %get3A_909 = tpu.vector_load %arg9[%get3A_908] {strides = array<i32>} : memref<32768xf32, #tpu.memory_space<vmem>>, vector<16xf32>,
      %and3A_910 = arith.constant 7 : i32
      %and3A_911 = arith.andi %add3A_905, %and3A_910 : i32
      %mul3A_912 = arith.constant 16 : i32
      %mul3A_913 = arith.muli %and3A_911, %mul3A_912 : i32
      %get3A_914 = arith.index_cast %mul3A_913 : i32 to index
      %get3A_915 = tpu.vector_load %arg10[%get3A_914] {strides = array<i32>} : memref<128xf32, #tpu.memory_space<vmem>>, vector<16xf32>,
      %mul3A_916 = arith.mulf %get3A_909, %get3A_915 : vector<16xf32>
      %shift_right_logical3A_917 = arith.constant 3 : i32
      %shift_right_logical3A_918 = arith.shrui %add3A_905, %shift_right_logical3A_917 : i32
      %max3A_919 = arith.constant 1 : i32
      %max3A_920 = arith.maxsi %shift_right_logical3A_918, %max3A_919 : i32
      %add3A_921 = vector.broadcast %max3A_920 : i32 to vector<16xi32>
      %add3A_922 = arith.addi %broadcast_in_dim3A_3, %add3A_921 : vector<16xi32>
      %shift_left3A_923 = arith.constant 23 : i32
      %shift_left3A_924 = vector.broadcast %shift_left3A_923 : i32 to vector<16xi32>
      %shift_left3A_925 = arith.shli %add3A_922, %shift_left3A_924 : vector<16xi32>
      %bitcast_convert_type3A_926 = tpu.bitcast %shift_left3A_925 : vector<16xi32> -> vector<16xf32>
      %add3A_927 = vector.broadcast %shift_right_logical3A_918 : i32 to vector<16xi32>
      %add3A_928 = arith.addi %broadcast_in_dim3A_3, %add3A_927 : vector<16xi32>
      %ge3A_929 = arith.constant 1 : i32
      %ge3A_930 = vector.broadcast %ge3A_929 : i32 to vector<16xi32>
      %ge3A_931 = arith.cmpi sge, %add3A_928, %ge3A_930 : vector<16xi32>
      %mul3A_932 = arith.mulf %get3A_909, %bitcast_convert_type3A_926 : vector<16xf32>
      %sub3A_933 = arith.subf %get3A_909, %mul3A_916 : vector<16xf32>
      %mul3A_934 = arith.constant 1.17549435E-38 : f32
      %mul3A_935 = vector.broadcast %mul3A_934 : f32 to vector<16xf32>
      %mul3A_936 = arith.mulf %sub3A_933, %mul3A_935 : vector<16xf32>
      %select_n3A_937 = arith.select %ge3A_931, %mul3A_932, %mul3A_936 : vector<16xi1>, vector<16xf32>
      %add3A_938 = arith.addf %add3A_902, %mul3A_916 : vector<16xf32>
      %add3A_939 = arith.addf %add3A_903, %select_n3A_937 : vector<16xf32>
      %add3A_940 = arith.constant 15 : i32
      %add3A_941 = arith.addi %mul3A_403, %add3A_940 : i32
      %mul3A_942 = arith.constant 16 : i32
      %mul3A_943 = arith.muli %add3A_941, %mul3A_942 : i32
      %get3A_944 = arith.index_cast %mul3A_943 : i32 to index
      %get3A_945 = tpu.vector_load %arg9[%get3A_944] {strides = array<i32>} : memref<32768xf32, #tpu.memory_space<vmem>>, vector<16xf32>,
      %and3A_946 = arith.constant 7 : i32
      %and3A_947 = arith.andi %add3A_941, %and3A_946 : i32
      %mul3A_948 = arith.constant 16 : i32
      %mul3A_949 = arith.muli %and3A_947, %mul3A_948 : i32
      %get3A_950 = arith.index_cast %mul3A_949 : i32 to index
      %get3A_951 = tpu.vector_load %arg10[%get3A_950] {strides = array<i32>} : memref<128xf32, #tpu.memory_space<vmem>>, vector<16xf32>,
      %mul3A_952 = arith.mulf %get3A_945, %get3A_951 : vector<16xf32>
      %shift_right_logical3A_953 = arith.constant 3 : i32
      %shift_right_logical3A_954 = arith.shrui %add3A_941, %shift_right_logical3A_953 : i32
      %max3A_955 = arith.constant 1 : i32
      %max3A_956 = arith.maxsi %shift_right_logical3A_954, %max3A_955 : i32
      %add3A_957 = vector.broadcast %max3A_956 : i32 to vector<16xi32>
      %add3A_958 = arith.addi %broadcast_in_dim3A_3, %add3A_957 : vector<16xi32>
      %shift_left3A_959 = arith.constant 23 : i32
      %shift_left3A_960 = vector.broadcast %shift_left3A_959 : i32 to vector<16xi32>
      %shift_left3A_961 = arith.shli %add3A_958, %shift_left3A_960 : vector<16xi32>
      %bitcast_convert_type3A_962 = tpu.bitcast %shift_left3A_961 : vector<16xi32> -> vector<16xf32>
      %add3A_963 = vector.broadcast %shift_right_logical3A_954 : i32 to vector<16xi32>
      %add3A_964 = arith.addi %broadcast_in_dim3A_3, %add3A_963 : vector<16xi32>
      %ge3A_965 = arith.constant 1 : i32
      %ge3A_966 = vector.broadcast %ge3A_965 : i32 to vector<16xi32>
      %ge3A_967 = arith.cmpi sge, %add3A_964, %ge3A_966 : vector<16xi32>
      %mul3A_968 = arith.mulf %get3A_945, %bitcast_convert_type3A_962 : vector<16xf32>
      %sub3A_969 = arith.subf %get3A_945, %mul3A_952 : vector<16xf32>
      %mul3A_970 = arith.constant 1.17549435E-38 : f32
      %mul3A_971 = vector.broadcast %mul3A_970 : f32 to vector<16xf32>
      %mul3A_972 = arith.mulf %sub3A_969, %mul3A_971 : vector<16xf32>
      %select_n3A_973 = arith.select %ge3A_967, %mul3A_968, %mul3A_972 : vector<16xi1>, vector<16xf32>
      %add3A_974 = arith.addf %add3A_938, %mul3A_952 : vector<16xf32>
      %add3A_975 = arith.addf %add3A_939, %select_n3A_973 : vector<16xf32>
      %reduce_sum3A = arith.constant true
      %reduce_sum3A_976 = vector.broadcast %reduce_sum3A : i1 to vector<16xi1>
      %reduce_sum3A_977 = tpu.scan <sum>, %add3A_974 masked %reduce_sum3A_976 : vector<16xf32>, vector<16xi1> -> vector<16xf32>
      %reduce_sum3A_978 = vector.extract %reduce_sum3A_977[15] : f32 from vector<16xf32>
      %reduce_sum3A_979 = arith.constant true
      %reduce_sum3A_980 = vector.broadcast %reduce_sum3A_979 : i1 to vector<16xi1>
      %reduce_sum3A_981 = tpu.scan <sum>, %add3A_975 masked %reduce_sum3A_980 : vector<16xf32>, vector<16xi1> -> vector<16xf32>
      %reduce_sum3A_982 = vector.extract %reduce_sum3A_981[15] : f32 from vector<16xf32>
      %eq3A_983 = arith.constant 0 : i32
      %eq3A_984 = arith.cmpi eq, %scan3A_399, %eq3A_983 : i32
      %add3A_985 = arith.addf %scan3A_392, %reduce_sum3A_978 : f32
      %ge3A_986 = arith.cmpf oge, %add3A_985, %scan3A_335 : f32
      %and3A_987 = arith.andi %eq3A_984, %ge3A_986 : i1
      %convert_element_type3A_988 = arith.extui %and3A_987 : i1 to i32
      %cond3A = arith.constant 0 : i32
      %cond3A_989 = arith.cmpi ne, %convert_element_type3A_988, %cond3A : i32
      %cond3A_990:6 = scf.if %cond3A_989 -> (i32, f32, f32, f32, f32, i32) {
        %scan3A_993 = arith.constant 0 : i32
        %scan3A_994 = arith.constant 16 : i32
        %scan3A_995 = arith.addi %scan3A_993, %scan3A_994 : i32
        %scan3A_996 = arith.constant 1 : i32
        %scan3A_997:8 = scf.for %scan3A_999 = %scan3A_993 to %scan3A_995 step %scan3A_996 iter_args(%scan3A_1000 = %scan3A_392, %scan3A_1001 = %scan3A_393, %scan3A_1002 = %scan3A_394, %scan3A_1003 = %scan3A_395, %scan3A_1004 = %scan3A_396, %scan3A_1005 = %scan3A_397, %scan3A_1006 = %scan3A_398, %scan3A_1007 = %scan3A_399) -> (f32, f32, i32, f32, f32, f32, f32, i32)  : i32 {
          %add3A_1008 = arith.constant 15 : i32
          %add3A_1009 = arith.addi %mul3A_403, %add3A_1008 : i32
          %sub3A_1010 = arith.subi %add3A_1009, %scan3A_999 : i32
          %mul3A_1011 = arith.constant 16 : i32
          %mul3A_1012 = arith.muli %sub3A_1010, %mul3A_1011 : i32
          %get3A_1013 = arith.index_cast %mul3A_1012 : i32 to index
          %get3A_1014 = tpu.vector_load %arg9[%get3A_1013] {strides = array<i32>} : memref<32768xf32, #tpu.memory_space<vmem>>, vector<16xf32>,
          %and3A_1015 = arith.constant 7 : i32
          %and3A_1016 = arith.andi %sub3A_1010, %and3A_1015 : i32
          %mul3A_1017 = arith.constant 16 : i32
          %mul3A_1018 = arith.muli %and3A_1016, %mul3A_1017 : i32
          %get3A_1019 = arith.index_cast %mul3A_1018 : i32 to index
          %get3A_1020 = tpu.vector_load %arg10[%get3A_1019] {strides = array<i32>} : memref<128xf32, #tpu.memory_space<vmem>>, vector<16xf32>,
          %mul3A_1021 = arith.mulf %get3A_1014, %get3A_1020 : vector<16xf32>
          %shift_right_logical3A_1022 = arith.constant 3 : i32
          %shift_right_logical3A_1023 = arith.shrui %sub3A_1010, %shift_right_logical3A_1022 : i32
          %max3A_1024 = arith.constant 1 : i32
          %max3A_1025 = arith.maxsi %shift_right_logical3A_1023, %max3A_1024 : i32
          %add3A_1026 = vector.broadcast %max3A_1025 : i32 to vector<16xi32>
          %add3A_1027 = arith.addi %broadcast_in_dim3A_3, %add3A_1026 : vector<16xi32>
          %shift_left3A_1028 = arith.constant 23 : i32
          %shift_left3A_1029 = vector.broadcast %shift_left3A_1028 : i32 to vector<16xi32>
          %shift_left3A_1030 = arith.shli %add3A_1027, %shift_left3A_1029 : vector<16xi32>
          %bitcast_convert_type3A_1031 = tpu.bitcast %shift_left3A_1030 : vector<16xi32> -> vector<16xf32>
          %add3A_1032 = vector.broadcast %shift_right_logical3A_1023 : i32 to vector<16xi32>
          %add3A_1033 = arith.addi %broadcast_in_dim3A_3, %add3A_1032 : vector<16xi32>
          %ge3A_1034 = arith.constant 1 : i32
          %ge3A_1035 = vector.broadcast %ge3A_1034 : i32 to vector<16xi32>
          %ge3A_1036 = arith.cmpi sge, %add3A_1033, %ge3A_1035 : vector<16xi32>
          %mul3A_1037 = arith.mulf %get3A_1014, %bitcast_convert_type3A_1031 : vector<16xf32>
          %sub3A_1038 = arith.subf %get3A_1014, %mul3A_1021 : vector<16xf32>
          %mul3A_1039 = arith.constant 1.17549435E-38 : f32
          %mul3A_1040 = vector.broadcast %mul3A_1039 : f32 to vector<16xf32>
          %mul3A_1041 = arith.mulf %sub3A_1038, %mul3A_1040 : vector<16xf32>
          %select_n3A_1042 = arith.select %ge3A_1036, %mul3A_1037, %mul3A_1041 : vector<16xi1>, vector<16xf32>
          %reduce_sum3A_1043 = arith.constant true
          %reduce_sum3A_1044 = vector.broadcast %reduce_sum3A_1043 : i1 to vector<16xi1>
          %reduce_sum3A_1045 = tpu.scan <sum>, %mul3A_1021 masked %reduce_sum3A_1044 : vector<16xf32>, vector<16xi1> -> vector<16xf32>
          %reduce_sum3A_1046 = vector.extract %reduce_sum3A_1045[15] : f32 from vector<16xf32>
          %reduce_sum3A_1047 = arith.constant true
          %reduce_sum3A_1048 = vector.broadcast %reduce_sum3A_1047 : i1 to vector<16xi1>
          %reduce_sum3A_1049 = tpu.scan <sum>, %select_n3A_1042 masked %reduce_sum3A_1048 : vector<16xf32>, vector<16xi1> -> vector<16xf32>
          %reduce_sum3A_1050 = vector.extract %reduce_sum3A_1049[15] : f32 from vector<16xf32>
          %eq3A_1051 = arith.constant 0 : i32
          %eq3A_1052 = arith.cmpi eq, %scan3A_1007, %eq3A_1051 : i32
          %add3A_1053 = arith.addf %scan3A_1000, %reduce_sum3A_1046 : f32
          %ge3A_1054 = arith.cmpf oge, %add3A_1053, %scan3A_335 : f32
          %and3A_1055 = arith.andi %eq3A_1052, %ge3A_1054 : i1
          %convert_element_type3A_1056 = arith.extui %and3A_1055 : i1 to i32
          %cond3A_1057 = arith.constant 0 : i32
          %cond3A_1058 = arith.cmpi ne, %convert_element_type3A_1056, %cond3A_1057 : i32
          %cond3A_1059:6 = scf.if %cond3A_1058 -> (i32, f32, f32, f32, f32, i32) {
            %rev3A = arith.constant 15 : i32
            %rev3A_1062 = vector.broadcast %rev3A : i32 to vector<16xi32>
            %rev3A_1063 = tpu.iota {dimensions = array<i32: 0>} : vector<16xi32>
            %rev3A_1064 = arith.subi %rev3A_1062, %rev3A_1063 : vector<16xi32>
            %rev3A_1065 = tpu.dynamic_gather %mul3A_1021[%rev3A_1064] in [0] : vector<16xf32>, vector<16xi32> -> vector<16xf32>
            %broadcast_in_dim3A_1066 = arith.constant true
            %broadcast_in_dim3A_1067 = vector.broadcast %broadcast_in_dim3A_1066 : i1 to vector<16xi1>
            %masked_cumsum3A = tpu.scan <sum>, %rev3A_1065 masked %broadcast_in_dim3A_1067 : vector<16xf32>, vector<16xi1> -> vector<16xf32>
            %rev3A_1068 = arith.constant 15 : i32
            %rev3A_1069 = vector.broadcast %rev3A_1068 : i32 to vector<16xi32>
            %rev3A_1070 = tpu.iota {dimensions = array<i32: 0>} : vector<16xi32>
            %rev3A_1071 = arith.subi %rev3A_1069, %rev3A_1070 : vector<16xi32>
            %rev3A_1072 = tpu.dynamic_gather %masked_cumsum3A[%rev3A_1071] in [0] : vector<16xf32>, vector<16xi32> -> vector<16xf32>
            %rev3A_1073 = arith.constant 15 : i32
            %rev3A_1074 = vector.broadcast %rev3A_1073 : i32 to vector<16xi32>
            %rev3A_1075 = tpu.iota {dimensions = array<i32: 0>} : vector<16xi32>
            %rev3A_1076 = arith.subi %rev3A_1074, %rev3A_1075 : vector<16xi32>
            %rev3A_1077 = tpu.dynamic_gather %select_n3A_1042[%rev3A_1076] in [0] : vector<16xf32>, vector<16xi32> -> vector<16xf32>
            %broadcast_in_dim3A_1078 = arith.constant true
            %broadcast_in_dim3A_1079 = vector.broadcast %broadcast_in_dim3A_1078 : i1 to vector<16xi1>
            %masked_cumsum3A_1080 = tpu.scan <sum>, %rev3A_1077 masked %broadcast_in_dim3A_1079 : vector<16xf32>, vector<16xi1> -> vector<16xf32>
            %rev3A_1081 = arith.constant 15 : i32
            %rev3A_1082 = vector.broadcast %rev3A_1081 : i32 to vector<16xi32>
            %rev3A_1083 = tpu.iota {dimensions = array<i32: 0>} : vector<16xi32>
            %rev3A_1084 = arith.subi %rev3A_1082, %rev3A_1083 : vector<16xi32>
            %rev3A_1085 = tpu.dynamic_gather %masked_cumsum3A_1080[%rev3A_1084] in [0] : vector<16xf32>, vector<16xi32> -> vector<16xf32>
            %add3A_1086 = vector.broadcast %scan3A_1000 : f32 to vector<16xf32>
            %add3A_1087 = arith.addf %add3A_1086, %rev3A_1072 : vector<16xf32>
            %ge3A_1088 = vector.broadcast %scan3A_335 : f32 to vector<16xf32>
            %ge3A_1089 = arith.cmpf oge, %add3A_1087, %ge3A_1088 : vector<16xf32>
            %jit3A_1090 = arith.constant -1 : i32
            %broadcast_in_dim3A_1091 = vector.broadcast %jit3A_1090 : i32 to vector<16xi32>
            %select_n3A_1092 = arith.select %ge3A_1089, %iota3A, %broadcast_in_dim3A_1091 : vector<16xi1>, vector<16xi32>
            %reduce_max3A = arith.constant true
            %reduce_max3A_1093 = vector.broadcast %reduce_max3A : i1 to vector<16xi1>
            %reduce_max3A_1094 = arith.constant -2147483648 : i32
            %reduce_max3A_1095 = vector.broadcast %reduce_max3A_1094 : i32 to vector<16xi32>
            %reduce_max3A_1096 = arith.xori %select_n3A_1092, %reduce_max3A_1095 : vector<16xi32>
            %reduce_max3A_1097 = tpu.scan <max>, %reduce_max3A_1096 masked %reduce_max3A_1093 : vector<16xi32>, vector<16xi1> -> vector<16xi32>
            %reduce_max3A_1098 = arith.xori %reduce_max3A_1097, %reduce_max3A_1095 : vector<16xi32>
            %reduce_max3A_1099 = vector.extract %reduce_max3A_1098[15] : i32 from vector<16xi32>
            %eq3A_1100 = vector.broadcast %reduce_max3A_1099 : i32 to vector<16xi32>
            %eq3A_1101 = arith.cmpi eq, %iota3A, %eq3A_1100 : vector<16xi32>
            %jit3A_1102 = arith.constant 0.000000e+00 : f32
            %broadcast_in_dim3A_1103 = vector.broadcast %jit3A_1102 : f32 to vector<16xf32>
            %select_n3A_1104 = arith.select %eq3A_1101, %rev3A_1072, %broadcast_in_dim3A_1103 : vector<16xi1>, vector<16xf32>
            %reduce_sum3A_1105 = arith.constant true
            %reduce_sum3A_1106 = vector.broadcast %reduce_sum3A_1105 : i1 to vector<16xi1>
            %reduce_sum3A_1107 = tpu.scan <sum>, %select_n3A_1104 masked %reduce_sum3A_1106 : vector<16xf32>, vector<16xi1> -> vector<16xf32>
            %reduce_sum3A_1108 = vector.extract %reduce_sum3A_1107[15] : f32 from vector<16xf32>
            %jit3A_1109 = arith.constant 0.000000e+00 : f32
            %broadcast_in_dim3A_1110 = vector.broadcast %jit3A_1109 : f32 to vector<16xf32>
            %select_n3A_1111 = arith.select %eq3A_1101, %mul3A_1021, %broadcast_in_dim3A_1110 : vector<16xi1>, vector<16xf32>
            %reduce_sum3A_1112 = arith.constant true
            %reduce_sum3A_1113 = vector.broadcast %reduce_sum3A_1112 : i1 to vector<16xi1>
            %reduce_sum3A_1114 = tpu.scan <sum>, %select_n3A_1111 masked %reduce_sum3A_1113 : vector<16xf32>, vector<16xi1> -> vector<16xf32>
            %reduce_sum3A_1115 = vector.extract %reduce_sum3A_1114[15] : f32 from vector<16xf32>
            %jit3A_1116 = arith.constant 0.000000e+00 : f32
            %broadcast_in_dim3A_1117 = vector.broadcast %jit3A_1116 : f32 to vector<16xf32>
            %select_n3A_1118 = arith.select %eq3A_1101, %rev3A_1085, %broadcast_in_dim3A_1117 : vector<16xi1>, vector<16xf32>
            %reduce_sum3A_1119 = arith.constant true
            %reduce_sum3A_1120 = vector.broadcast %reduce_sum3A_1119 : i1 to vector<16xi1>
            %reduce_sum3A_1121 = tpu.scan <sum>, %select_n3A_1118 masked %reduce_sum3A_1120 : vector<16xf32>, vector<16xi1> -> vector<16xf32>
            %reduce_sum3A_1122 = vector.extract %reduce_sum3A_1121[15] : f32 from vector<16xf32>
            %jit3A_1123 = arith.constant 0.000000e+00 : f32
            %broadcast_in_dim3A_1124 = vector.broadcast %jit3A_1123 : f32 to vector<16xf32>
            %select_n3A_1125 = arith.select %eq3A_1101, %select_n3A_1042, %broadcast_in_dim3A_1124 : vector<16xi1>, vector<16xf32>
            %reduce_sum3A_1126 = arith.constant true
            %reduce_sum3A_1127 = vector.broadcast %reduce_sum3A_1126 : i1 to vector<16xi1>
            %reduce_sum3A_1128 = tpu.scan <sum>, %select_n3A_1125 masked %reduce_sum3A_1127 : vector<16xf32>, vector<16xi1> -> vector<16xf32>
            %reduce_sum3A_1129 = vector.extract %reduce_sum3A_1128[15] : f32 from vector<16xf32>
            %mul3A_1130 = arith.constant 16 : i32
            %mul3A_1131 = arith.muli %sub3A_1010, %mul3A_1130 : i32
            %add3A_1132 = arith.addi %mul3A_1131, %reduce_max3A_1099 : i32
            %add3A_1133 = arith.addf %scan3A_1000, %reduce_sum3A_1108 : f32
            %sub3A_1134 = arith.subf %add3A_1133, %reduce_sum3A_1115 : f32
            %add3A_1135 = arith.addf %scan3A_1001, %reduce_sum3A_1122 : f32
            %sub3A_1136 = arith.subf %add3A_1135, %reduce_sum3A_1129 : f32
            %cond3A_1137 = arith.constant 1 : i32
            scf.yield %add3A_1132, %sub3A_1134, %sub3A_1136, %reduce_sum3A_1115, %reduce_sum3A_1129, %cond3A_1137 : i32, f32, f32, f32, f32, i32
          } else {
            scf.yield %scan3A_1002, %scan3A_1003, %scan3A_1004, %scan3A_1005, %scan3A_1006, %scan3A_1007 : i32, f32, f32, f32, f32, i32
          }
          %add3A_1060 = arith.addf %scan3A_1000, %reduce_sum3A_1046 : f32
          %add3A_1061 = arith.addf %scan3A_1001, %reduce_sum3A_1050 : f32
          scf.yield %add3A_1060, %add3A_1061, %cond3A_1059#0, %cond3A_1059#1, %cond3A_1059#2, %cond3A_1059#3, %cond3A_1059#4, %cond3A_1059#5 : f32, f32, i32, f32, f32, f32, f32, i32
        }
        %scan3A_998 = arith.constant 16 : i32
        scf.yield %scan3A_997#2, %scan3A_997#3, %scan3A_997#4, %scan3A_997#5, %scan3A_997#6, %scan3A_997#7 : i32, f32, f32, f32, f32, i32
      } else {
        scf.yield %scan3A_394, %scan3A_395, %scan3A_396, %scan3A_397, %scan3A_398, %scan3A_399 : i32, f32, f32, f32, f32, i32
      }
      %add3A_991 = arith.addf %scan3A_392, %reduce_sum3A_978 : f32
      %add3A_992 = arith.addf %scan3A_393, %reduce_sum3A_982 : f32
      scf.yield %add3A_991, %add3A_992, %cond3A_990#0, %cond3A_990#1, %cond3A_990#2, %cond3A_990#3, %cond3A_990#4, %cond3A_990#5 : f32, f32, i32, f32, f32, f32, f32, i32
    }
    %scan3A_349 = arith.constant 128 : i32
    %add3A_350 = vector.broadcast %scan3A_348#2 : i32 to vector<16xi32>
    %add3A_351 = arith.addi %broadcast_in_dim3A_3, %add3A_350 : vector<16xi32>
    %shift_left3A = arith.constant 16 : i32
    %shift_left3A_352 = vector.broadcast %shift_left3A : i32 to vector<16xi32>
    %shift_left3A_353 = arith.shli %add3A_351, %shift_left3A_352 : vector<16xi32>
    %bitcast_convert_type3A = tpu.bitcast %shift_left3A_353 : vector<16xi32> -> vector<16xf32>
    %add3A_354 = arith.constant 1 : i32
    %add3A_355 = vector.broadcast %add3A_354 : i32 to vector<16xi32>
    %add3A_356 = arith.addi %add3A_351, %add3A_355 : vector<16xi32>
    %shift_left3A_357 = arith.constant 16 : i32
    %shift_left3A_358 = vector.broadcast %shift_left3A_357 : i32 to vector<16xi32>
    %shift_left3A_359 = arith.shli %add3A_356, %shift_left3A_358 : vector<16xi32>
    %bitcast_convert_type3A_360 = tpu.bitcast %shift_left3A_359 : vector<16xi32> -> vector<16xf32>
    %sub3A_361 = arith.constant 9.830400e+04 : f32
    %sub3A_362 = arith.subf %sub3A_361, %scan3A_348#3 : f32
    %add3A_363 = vector.broadcast %sub3A_362 : f32 to vector<16xf32>
    %add3A_364 = arith.addf %broadcast_in_dim3A_1, %add3A_363 : vector<16xf32>
    %add3A_365 = vector.broadcast %scan3A_348#5 : f32 to vector<16xf32>
    %add3A_366 = arith.addf %broadcast_in_dim3A_1, %add3A_365 : vector<16xf32>
    %add3A_367 = vector.broadcast %scan3A_348#6 : f32 to vector<16xf32>
    %add3A_368 = arith.addf %broadcast_in_dim3A_1, %add3A_367 : vector<16xf32>
    %div3A_369 = arith.divf %add3A_368, %add3A_366 : vector<16xf32>
    %div3A_370 = arith.divf %add3A_364, %add3A_366 : vector<16xf32>
    %sub3A_371 = arith.constant 1.000000e+00 : f32
    %sub3A_372 = vector.broadcast %sub3A_371 : f32 to vector<16xf32>
    %sub3A_373 = arith.subf %sub3A_372, %div3A_370 : vector<16xf32>
    %sub3A_374 = arith.subf %bitcast_convert_type3A_360, %bitcast_convert_type3A : vector<16xf32>
    %mul3A_375 = arith.mulf %sub3A_373, %sub3A_374 : vector<16xf32>
    %mul3A_376 = arith.constant 5.000000e-01 : f32
    %mul3A_377 = vector.broadcast %mul3A_376 : f32 to vector<16xf32>
    %mul3A_378 = arith.mulf %mul3A_375, %mul3A_377 : vector<16xf32>
    %add3A_379 = arith.addf %div3A_369, %mul3A_378 : vector<16xf32>
    %min3A = arith.minimumf %add3A_379, %bitcast_convert_type3A_360 : vector<16xf32>
    %add3A_380 = vector.broadcast %scan3A_348#4 : f32 to vector<16xf32>
    %add3A_381 = arith.addf %broadcast_in_dim3A_1, %add3A_380 : vector<16xf32>
    %mul3A_382 = arith.mulf %add3A_364, %min3A : vector<16xf32>
    %add3A_383 = arith.addf %add3A_381, %mul3A_382 : vector<16xf32>
    %mul3A_384 = arith.constant 3.17891448E-7 : f32
    %mul3A_385 = vector.broadcast %mul3A_384 : f32 to vector<16xf32>
    %mul3A_386 = arith.mulf %add3A_383, %mul3A_385 : vector<16xf32>
    %swap3A_387 = arith.constant 0 : index
    %swap3A_388 = tpu.vector_load %arg11[%swap3A_387] {strides = array<i32>} : memref<16xf32, #tpu.memory_space<vmem>>, vector<16xf32>,
    tpu.vector_store %arg11[%swap3A_387], %mul3A_386 {strides = array<i32>} : memref<16xf32, #tpu.memory_space<vmem>>, vector<16xf32>,
    %mul3A_389 = arith.constant 16 : i32
    %mul3A_390 = arith.muli %add3A, %mul3A_389 : i32
    "tpu.region"() ({
      %run_scoped3A = tpu.sem_alloc : memref<!tpu.dma_semaphore, #tpu.memory_space<semaphore_mem>>
      %dma_start3A_391 = tpu.memref_slice %arg4[%mul3A_390] : memref<512xf32, #tpu.memory_space<hbm>> -> memref<16xf32, #tpu.memory_space<hbm>>
      %dma_start3A_392 = tpu.memref_slice %arg4[%mul3A_390] : memref<512xf32, #tpu.memory_space<hbm>> -> memref<16xf32, #tpu.memory_space<hbm>>
      tpu.enqueue_dma source(%arg11 : memref<16xf32, #tpu.memory_space<vmem>>) target(%dma_start3A_392 : memref<16xf32, #tpu.memory_space<hbm>>) target_semaphore(%run_scoped3A : memref<!tpu.dma_semaphore, #tpu.memory_space<semaphore_mem>>)
      %dma_wait3A = tpu.memref_slice %arg4[%mul3A_390] : memref<512xf32, #tpu.memory_space<hbm>> -> memref<16xf32, #tpu.memory_space<hbm>>
      %dma_wait3A_393 = tpu.memref_slice %arg4[%mul3A_390] : memref<512xf32, #tpu.memory_space<hbm>> -> memref<16xf32, #tpu.memory_space<hbm>>
      tpu.wait_dma2 semaphore(%run_scoped3A : memref<!tpu.dma_semaphore, #tpu.memory_space<semaphore_mem>>) src(%arg11 : memref<16xf32, #tpu.memory_space<vmem>>) dst(%dma_wait3A_393 : memref<16xf32, #tpu.memory_space<hbm>>)
      tpu.yield
    }) : () -> ()
    return
  }
}

</mosaic_0001>

<sc_bundles>
// kernel: kernel.3.cloned.1.call-start
scs
__scs_entry_jumppad:
0x0: {  	(pc) =	sbr.rel $0x88, $3  }
0x1: {  	(tag) =	ssettag $0x0;
	lr =	simm.s32 $0x1  }
0x2: {  	[smem:$0x3F9F] =	sst lr;
	_ =	strace $0xD0000000  }
0x3: {  	_ = 	snop  }
0x4: {  	_ = 	snop  }
0x5: {  	_ = 	snop  }
0x6: {  	_ = 	snop  }
0x7: {  	_ = 	snop  }
__scs_overlays_trampoline_lowered:
0x8: {  	[smem:$0x3FAE] =	sst s0  }
0x9: {  	[smem:$0x3FAF] =	sst s1  }
0xa: {  	[smem:$0x3FB0] =	sst s2  }
0xb: {  	[smem:$0x3FB1] =	sst s3  }
0xc: {  	[smem:$0x3FB2] =	sst s4  }
0xd: {  	[smem:$0x3FB3] =	sst s5  }
0xe: {  	[smem:$0x3FB4] =	sst s6  }
0xf: {  	[smem:$0x3FB5] =	sst s7  }
0x10: {  	[smem:$0x3FB6] =	sst s8  }
0x11: {  	[smem:$0x3FB7] =	sst s9;
	s0 =	simm.s32 @!p0 $0x0  }
0x12: {  	s1 =	sld [smem:$0x3F9D];
	s0 =	simm.s32 @p0 $0x1  }
0x13: {  	[smem:$0x3FB8] =	sst s0;
	s0 =	simm.s32 @!p1 $0x0  }
0x14: {  	s2 =	sld [smem:$0x3F9C];
	s0 =	simm.s32 @p1 $0x1  }
0x15: {  	[smem:$0x3FB9] =	sst s0;
	s0 =	simm.s32 @!p2 $0x0  }
0x16: {  	s3 =	sld [smem:$0x3FDB];
	s0 =	simm.s32 @p2 $0x1  }
0x17: {  	s4 =	simm.s32 $0x1BF5;
	[smem:$0x3FBB] =	sst s0  }
0x18: {  	s0 =	sld [smem:$0x3F9E];
	_ =	swait.ge [sflag:s4], $0x0  }
0x19: {  	s7 =	sld [smem:$0x3F9F]  }
0x1a: {  	s8 =	sadd.s32 $0xFFFFE003, lr  }
0x1b: {  	s9 =	sadd.s32 $0xFFFFFEF7, lr;
	s5 =	simm.s32 $0xFFFFFFFF;
	p2 =	slt.u32 s8, $0xFFFFF086  }
0x1c: {  	p1 =	slt.u32 s9, $0xF7A;
	s5 =	simm.s32 @!p2 $0x0  }
0x1d: {  	s5 =	simm.s32 @p1 $0x1;
	p0 =	seq.s32 s7, s2  }
0x1e: {  	s7 =	smul.u32 @!p0 $0xF7A, s2;
	p2 =	seq.s32 @!p0 s5, $0x0  }
0x1f: {  	s9 =	smul.u32 $0xF7A, s1;
	s8 =	simm.s32 @!p0 $0x1BF5;
	p2 =	por !p2, p0  }
0x20: {  	[sflag:s8] =	ssyncset.s32 @!p0 $0xFFFFF086;
	s6 =	sadd.s32 @!p0 s3, s7;
	s7 =	simm.s32 @!p0 $0x108  }
0x21: {  	s3 =	sadd.s32 s3, s9;
	s6 =	sadd.s32 @!p0 $0x88, s6;
	s7 =	simm.s32 @p2 $0x1082  }
0x22: {  	[simem:s7], [sflag:s8] =	dma.local @!p0 [hbm:s6], $0xF7A  }
0x23: {  	s9 =	sor.u32 $0xD0000000, s2;
	s6 =	simm.s32 $0x108;
	_ =	swait.ge @!p0 [sflag:s8], $0x0  }
0x24: {  	s3 =	sadd.s32 $0x88, s3;
	s6 =	simm.s32 @!p1 $0x1082;
	[sflag:s4] =	ssyncset.s32 $0xFFFFF086  }
0x25: {  	[simem:s6], [sflag:s4] =	dma.local [hbm:s3], $0xF7A  }
0x26: {  	[smem:$0x3F9F] =	sst s1;
	(tag) =	ssettag s2;
	_ =	strace s9  }
0x27: {  	s1 =	sld [smem:$0x3FAF]  }
0x28: {  	s2 =	sld [smem:$0x3FB0]  }
0x29: {  	s4 =	sld [smem:$0x3FB2]  }
0x2a: {  	p0 =	seq.s32 s5, $0x0;
	s5 =	sld [smem:$0x3FB3]  }
0x2b: {  	s6 =	sld [smem:$0x3FB4]  }
0x2c: {  	s7 =	sld [smem:$0x3FB5]  }
0x2d: {  	s3 =	simm.s32 $0x108;
	s8 =	sld [smem:$0x3FB6]  }
0x2e: {  	s3 =	simm.s32 @!p0 $0x1082;
	s9 =	sld [smem:$0x3FB7]  }
0x2f: {  	lr =	sadd.s32 s0, s3;
	s0 =	sld [smem:$0x3FAE]  }
0x30: {  	s3 =	sld [smem:$0x3FB1]  }
0x31: {  	[smem:$0x3FBA] =	sst s10  }
0x32: {  	s10 =	sld [smem:$0x3FB8];
	_ =	sdelay $0x3  }
0x33: {  	p0 =	seq.s32 s10, $0x1;
	s10 =	sld [smem:$0x3FBA];
	_ =	sdelay $0x3  }
0x34: {  	[smem:$0x3FBA] =	sst s10  }
0x35: {  	s10 =	sld [smem:$0x3FB9];
	_ =	sdelay $0x3  }
0x36: {  	p1 =	seq.s32 s10, $0x1;
	s10 =	sld [smem:$0x3FBA];
	_ =	sdelay $0x3  }
0x37: {  	[smem:$0x3FBA] =	sst s10  }
0x38: {  	s10 =	sld [smem:$0x3FBB]  }
0x39: {  	_ = 	snop;
	(pc) =	sbr.ind lr, $3  }
0x3a: {  	_ = 	snop  }
0x3b: {  	_ = 	snop  }
0x3c: {  	p2 =	seq.s32 s10, $0x1;
	s10 =	sld [smem:$0x3FBA]  }
0x3d: {  	_ =	shalt  }
0x3e: {  	_ =	shalt  }
0x3f: {  	_ =	shalt  }
0x40: {  	_ =	shalt  }
0x41: {  	_ =	shalt  }
0x42: {  	_ =	shalt  }
0x43: {  	_ =	shalt  }
0x44: {  	_ =	shalt  }
0x45: {  	_ =	shalt  }
0x46: {  	_ =	shalt  }
0x47: {  	_ =	shalt  }
0x48: {  	_ =	shalt  }
0x49: {  	_ =	shalt  }
0x4a: {  	_ =	shalt  }
0x4b: {  	_ =	shalt  }
0x4c: {  	_ =	shalt  }
0x4d: {  	_ =	shalt  }
0x4e: {  	_ =	shalt  }
0x4f: {  	_ =	shalt  }
0x50: {  	_ =	shalt  }
0x51: {  	_ =	shalt  }
0x52: {  	_ =	shalt  }
0x53: {  	_ =	shalt  }
0x54: {  	_ =	shalt  }
0x55: {  	_ =	shalt  }
0x56: {  	_ =	shalt  }
0x57: {  	_ =	shalt  }
0x58: {  	_ =	shalt  }
0x59: {  	_ =	shalt  }
0x5a: {  	_ =	shalt  }
0x5b: {  	_ =	shalt  }
0x5c: {  	_ =	shalt  }
0x5d: {  	_ =	shalt  }
0x5e: {  	_ =	shalt  }
0x5f: {  	_ =	shalt  }
0x60: {  	_ =	shalt  }
0x61: {  	_ =	shalt  }
0x62: {  	_ =	shalt  }
0x63: {  	_ =	shalt  }
0x64: {  	_ =	shalt  }
0x65: {  	_ =	shalt  }
0x66: {  	_ =	shalt  }
0x67: {  	_ =	shalt  }
0x68: {  	_ =	shalt  }
0x69: {  	_ =	shalt  }
0x6a: {  	_ =	shalt  }
0x6b: {  	_ =	shalt  }
0x6c: {  	_ =	shalt  }
0x6d: {  	_ =	shalt  }
0x6e: {  	_ =	shalt  }
0x6f: {  	_ =	shalt  }
0x70: {  	_ =	shalt  }
0x71: {  	_ =	shalt  }
0x72: {  	_ =	shalt  }
0x73: {  	_ =	shalt  }
0x74: {  	_ =	shalt  }
0x75: {  	_ =	shalt  }
0x76: {  	_ =	shalt  }
0x77: {  	_ =	shalt  }
0x78: {  	_ =	shalt  }
0x79: {  	_ =	shalt  }
0x7a: {  	_ =	shalt  }
0x7b: {  	_ =	shalt  }
0x7c: {  	_ =	shalt  }
0x7d: {  	_ =	shalt  }
0x7e: {  	_ =	shalt  }
0x7f: {  	_ =	shalt  }
0x80: {  	_ =	shalt  }
0x81: {  	_ =	shalt  }
0x82: {  	_ =	shalt  }
0x83: {  	_ =	shalt  }
0x84: {  	_ =	shalt  }
0x85: {  	_ =	shalt  }
0x86: {  	_ =	shalt  }
0x87: {  	_ =	shalt  }
.Lfunc_end0:
.L_simem_size_0:
called_computation_lowered:
.L_overlay_start_0:
0x88: {  	s2 =	sld [smem:$0x3FD9]  }
0x89: {  	s3 =	sld [smem:$0x3FFE];
	_ =	sdelay $0x1  }
0x8a: {  	s1 =	srdreg.scid  }
0x8b: {  	s0 =	sand.u32 $0x1, s1  }
0x8c: {  	s17 =	sshll.u32 s0, $0xA;
	s2 =	sadd.s32 s3, s2  }
0x8d: {  	s2 =	sadd.s32 s2, s17  }
0x8e: {  	[smem:$0x3FC6] =	sst s2  }
0x8f: {  	_ = 	snop  }
0x90: {  	s2 =	sld [smem:$0x3FC9]  }
0x91: {  	s18 =	sld [smem:$0x3FC8];
	(tm) =	ssettm $0x1  }
0x92: {  	s4 =	sld [smem:$0x3FFB];
	_ =	sdelay $0x3  }
0x93: {  	_ =	strace s4  }
0x94: {  	s4 =	sld [smem:$0x3FFC];
	_ =	sdelay $0x3  }
0x95: {  	_ =	strace s4  }
0x96: {  	s4 =	sld [smem:$0x3FFD];
	_ =	sdelay $0x3  }
0x97: {  	_ =	strace s4  }
0x98: {  	_ =	strace $0x8FFFFFFF  }
0x99: {  	s19 =	sld [smem:$0x3FDB];
	_ =	sdelay $0x1  }
0x9a: {  	s5 =	simm.s32 $_scs_section_size  }
0x9b: {  	s6 =	simm.s32 $_size__tile_overlayer_lowered;
	s7 =	simm.s32 $_tile_overlayer_lowered  }
0x9c: {  	s22 =	simm.s32 $0x1BFF;
	s21 =	sshll.u32 s7, $0x1;
	s4 =	sadd.s32 s5, s19  }
0x9d: {  	s8 =	simm.s32 $0x0;
	s20 =	sshll.u32 s6, $0x1;
	s6 =	sadd.s32 s21, s4  }
0x9e: {  	[timem:s8], [sflag:s22] =	dma.local [hbm:s6], s20  }
0x9f: {  	_ =	swait.ge [sflag:s22], s20  }
0xa0: {  	s5 =	ssub.s32 $0x0, s20;
	[sflag:s22] =	ssyncset.done $0x0  }
0xa1: {  	[sflag:s22] =	ssyncadd.s32 s5;
	_ =	sdelay $0x1  }
0xa2: {  	s23 =	simm.s32 $0x1B8B  }
0xa3: {  	_ =	swait.ge [sflag:s23], $0x1  }
0xa4: {  	[sflag:s23] =	ssyncset.done $0x0  }
0xa5: {  	s25 =	simm.s32 $0x1B8E;
	s24 =	sld [smem:$0x3FFE];
	[sflag:s23] =	ssyncadd.s32 $0xFFFFFFFF  }
0xa6: {  	s26 =	simm.s32 $execute0_lowered;
	[smem:$0x3FD2] =	sst s25  }
0xa7: {  	s6 =	sshll.u32 s26, $0x1;
	_ =	strace $0x80000046;
	[dreg:$0x1] =	wrdreg $0xFFFFFFFF  }
0xa8: {  	s28 =	simm.s32 $_size_execute0_lowered;
	s4 =	sadd.s32 s4, s6;
	[dreg:$0x0] =	wrdreg $0x0  }
0xa9: {  	s6 =	sshll.u32 s28, $0x1;
	[dreg:$0x2] =	wrdreg s4  }
0xaa: {  	[dreg:$0x3] =	wrdreg s6  }
0xab: {  	[dreg:$0x4] =	wrdreg $0xC0  }
0xac: {  	_ =	task [dreg:s8], $0x5FFFF  }
0xad: {  	[dreg:$0x1] =	wrdreg $0xFFFFFFFF  }
0xae: {  	[dreg:$0x0] =	wrdreg $0x60  }
0xaf: {  	[dreg:$0x2] =	wrdreg s2  }
0xb0: {  	[dreg:$0x3] =	wrdreg s18  }
0xb1: {  	[dreg:$0x4] =	wrdreg s24  }
0xb2: {  	[dreg:$0x5] =	wrdreg $0x9  }
0xb3: {  	_ =	task.clear_ibuf [dreg:s8], $0x6FFFF;
	_ =	strace $0x90000046  }
0xb4: {  	s29 =	simm.s32 $0x9;
	_ =	strace $0x80000048  }
0xb5: {  	_ =	swait.ge [sflag:s29], $0x1  }
0xb6: {  	[sflag:s29] =	ssyncadd.s32 $0xFFFFFFFF  }
0xb7: {  	_ =	strace $0x90000048  }
0xb8: {  	_ =	sfence  }
0xb9: {  	s30 =	sld [smem:$0x0];
	_ =	sdelay $0x2  }
0xba: {  	s31 =	sshll.u32 s1, $0xD;
	s1 =	sshrl.u32 s1, $0x2  }
0xbb: {  	s3 =	sand.u32 $0x4000, s31;
	s1 =	sadd.s32 s1, s30  }
0xbc: {  	s0 =	sor.u32 s3, s0;
	s1 =	sshll.u32 s1, $0x11  }
0xbd: {  	s0 =	sor.u32 s1, s0  }
0xbe: {  	s0 =	sadd.s32 $0x8F2B, s0  }
0xbf: {  	[sflag:s0] =	ssyncadd.remote.s32 $0x1  }
0xc0: {  	_ =	sfence.sel $0xFFFF  }
0xc1: {  	[dreg:$0x0] =	wrdreg $0xFFFFFFFF;
	(pc) =	sbr.abs _section_cstart, $3  }
0xc2: {  	[dreg:$0x1] =	wrdreg $0xFFFFFFFF  }
0xc3: {  	_ =	task.clear_ibuf [dreg:s8], $0x2FFFF;
	_ =	strace $0x9FFFFFFF  }
0xc4: {  	(tm) =	ssettm $0x7FFFFFFF  }
0xc5: {  	_ =	shalt  }
tec
execute0_lowered:
.L_overlay_start_1:
0x0: {  	(tag) =	ssettag $0x1  }
0x1: {  	v0 =	vimm.f32 $1.121093750e+00;
	vm9 =	vcmask $0x300  }
0x2: {  	vm0 =	vcmask $0x704;
	v1 =	vimm.f32 $1.246093750e+00;
	v0 =	vsel vm9, $0x3F808000, v0  }
0x3: {  	vm1 =	vcmask $0xB08;
	v1 =	vsel vm9, $0x3F908000, v1;
	v0 =	vsel vm0, $0x3F818000, v0  }
0x4: {  	vm2 =	vcmask $0xF0C;
	v1 =	vsel vm0, $0x3F918000, v1;
	v0 =	vsel vm1, $0x3F828000, v0  }
0x5: {  	vm3 =	vcmask $0x1310;
	v1 =	vsel vm1, $0x3F928000, v1;
	v0 =	vsel vm2, $0x3F838000, v0  }
0x6: {  	vm4 =	vcmask $0x1714;
	v1 =	vsel vm2, $0x3F938000, v1;
	v0 =	vsel vm3, $0x3F848000, v0  }
0x7: {  	vm5 =	vcmask $0x1B18;
	v1 =	vsel vm3, $0x3F948000, v1;
	v0 =	vsel vm4, $0x3F858000, v0  }
0x8: {  	vm6 =	vcmask $0x1F1C;
	v1 =	vsel vm4, $0x3F958000, v1;
	v0 =	vsel vm5, $0x3F868000, v0  }
0x9: {  	vm7 =	vcmask $0x2320;
	v1 =	vsel vm5, $0x3F968000, v1;
	v0 =	vsel vm6, $0x3F878000, v0  }
0xa: {  	vm8 =	vcmask $0x2724;
	v1 =	vsel vm6, $0x3F978000, v1;
	v0 =	vsel vm7, $0x3F888000, v0  }
0xb: {  	vm10 =	vcmask $0x2B28;
	v1 =	vsel vm7, $0x3F988000, v1;
	v0 =	vsel vm8, $0x3F898000, v0  }
0xc: {  	vm11 =	vcmask $0x2F2C;
	v1 =	vsel vm8, $0x3F998000, v1;
	v0 =	vsel vm10, $0x3F8A8000, v0  }
0xd: {  	s8 =	rddreg [dreg:$0x0];
	vm12 =	vcmask $0x3330;
	v1 =	vsel vm10, $0x3F9A8000, v1;
	v0 =	vsel vm11, $0x3F8B8000, v0  }
0xe: {  	s9 =	rddreg [dreg:$0x1];
	s10 =	simm.s32 $0x0;
	vm13 =	vcmask $0x3734;
	v1 =	vsel vm11, $0x3F9B8000, v1;
	v0 =	vsel vm12, $0x3F8C8000, v0  }
0xf: {  	vm14 =	vcmask $0x3B38;
	[smem:$0x7FF] =	sst s10;
	v1 =	vsel vm12, $0x3F9C8000, v1;
	v0 =	vsel vm13, $0x3F8D8000, v0  }
0x10: {  	s0 =	rddreg [dreg:$0x2];
	_ =	strace $0x80000047;
	v1 =	vsel vm13, $0x3F9D8000, v1;
	v0 =	vsel vm14, $0x3F8E8000, v0  }
0x11: {  	(erf) = vrcp.f32 v0;
	v0 =	vsel vm14, $0x3F9E8000, v1;
	v1 =	vimm.f32 $1.371093750e+00  }
0x12: {  	(erf) = vrcp.f32 v0;
	v0 =	vsel vm9, $0x3FA08000, v1;
	v1 =	vimm.f32 $1.496093750e+00  }
0x13: {  	v2 =	vimm.f32 $1.621093750e+00;
	v0 =	vsel vm0, $0x3FA18000, v0;
	v1 =	vsel vm9, $0x3FB08000, v1  }
0x14: {  	v2 =	vsel vm9, $0x3FC08000, v2;
	v0 =	vsel vm1, $0x3FA28000, v0;
	v1 =	vsel vm0, $0x3FB18000, v1  }
0x15: {  	v2 =	vsel vm0, $0x3FC18000, v2;
	v0 =	vsel vm2, $0x3FA38000, v0;
	v1 =	vsel vm1, $0x3FB28000, v1  }
0x16: {  	v2 =	vsel vm1, $0x3FC28000, v2;
	v0 =	vsel vm3, $0x3FA48000, v0;
	v1 =	vsel vm2, $0x3FB38000, v1  }
0x17: {  	v2 =	vsel vm2, $0x3FC38000, v2;
	v0 =	vsel vm4, $0x3FA58000, v0;
	v1 =	vsel vm3, $0x3FB48000, v1  }
0x18: {  	v2 =	vsel vm3, $0x3FC48000, v2;
	v0 =	vsel vm5, $0x3FA68000, v0;
	v1 =	vsel vm4, $0x3FB58000, v1  }
0x19: {  	v2 =	vsel vm4, $0x3FC58000, v2;
	v0 =	vsel vm6, $0x3FA78000, v0;
	v1 =	vsel vm5, $0x3FB68000, v1  }
0x1a: {  	v2 =	vsel vm5, $0x3FC68000, v2;
	v0 =	vsel vm7, $0x3FA88000, v0;
	v1 =	vsel vm6, $0x3FB78000, v1  }
0x1b: {  	v2 =	vsel vm6, $0x3FC78000, v2;
	v0 =	vsel vm8, $0x3FA98000, v0;
	v1 =	vsel vm7, $0x3FB88000, v1  }
0x1c: {  	v2 =	vsel vm7, $0x3FC88000, v2;
	v0 =	vsel vm10, $0x3FAA8000, v0;
	v1 =	vsel vm8, $0x3FB98000, v1  }
0x1d: {  	v2 =	vsel vm8, $0x3FC98000, v2;
	v0 =	vsel vm11, $0x3FAB8000, v0;
	v1 =	vsel vm10, $0x3FBA8000, v1  }
0x1e: {  	v2 =	vsel vm10, $0x3FCA8000, v2;
	v0 =	vsel vm12, $0x3FAC8000, v0;
	v1 =	vsel vm11, $0x3FBB8000, v1  }
0x1f: {  	v2 =	vsel vm11, $0x3FCB8000, v2;
	v0 =	vsel vm13, $0x3FAD8000, v0;
	v1 =	vsel vm12, $0x3FBC8000, v1  }
0x20: {  	v2 =	vsel vm12, $0x3FCC8000, v2;
	v0 =	vsel vm14, $0x3FAE8000, v0;
	v1 =	vsel vm13, $0x3FBD8000, v1  }
0x21: {  	(erf) = vrcp.f32 v0;
	v0 =	vsel vm14, $0x3FBE8000, v1;
	v1 =	vsel vm13, $0x3FCD8000, v2  }
0x22: {  	(erf) = vrcp.f32 v0;
	v0 =	vsel vm14, $0x3FCE8000, v1;
	v1 =	vimm.f32 $1.746093750e+00  }
0x23: {  	(erf) = vrcp.f32 v0;
	v0 =	vsel vm9, $0x3FD08000, v1;
	v1 =	vimm.f32 $1.871093750e+00  }
0x24: {  	v2 =	vimm.f32 $1.996093750e+00;
	v0 =	vsel vm0, $0x3FD18000, v0;
	v1 =	vsel vm9, $0x3FE08000, v1  }
0x25: {  	v2 =	vsel vm9, $0x3FF08000, v2;
	v0 =	vsel vm1, $0x3FD28000, v0;
	v1 =	vsel vm0, $0x3FE18000, v1  }
0x26: {  	v2 =	vsel vm0, $0x3FF18000, v2;
	v0 =	vsel vm2, $0x3FD38000, v0;
	v1 =	vsel vm1, $0x3FE28000, v1  }
0x27: {  	v2 =	vsel vm1, $0x3FF28000, v2;
	v0 =	vsel vm3, $0x3FD48000, v0;
	v1 =	vsel vm2, $0x3FE38000, v1  }
0x28: {  	v2 =	vsel vm2, $0x3FF38000, v2;
	v0 =	vsel vm4, $0x3FD58000, v0;
	v1 =	vsel vm3, $0x3FE48000, v1  }
0x29: {  	v2 =	vsel vm3, $0x3FF48000, v2;
	v0 =	vsel vm5, $0x3FD68000, v0;
	v1 =	vsel vm4, $0x3FE58000, v1  }
0x2a: {  	v2 =	vsel vm4, $0x3FF58000, v2;
	v0 =	vsel vm6, $0x3FD78000, v0;
	v1 =	vsel vm5, $0x3FE68000, v1  }
0x2b: {  	v2 =	vsel vm5, $0x3FF68000, v2;
	v0 =	vsel vm7, $0x3FD88000, v0;
	v1 =	vsel vm6, $0x3FE78000, v1  }
0x2c: {  	v2 =	vsel vm6, $0x3FF78000, v2;
	v0 =	vsel vm8, $0x3FD98000, v0;
	v1 =	vsel vm7, $0x3FE88000, v1  }
0x2d: {  	v2 =	vsel vm7, $0x3FF88000, v2;
	v0 =	vsel vm10, $0x3FDA8000, v0;
	v1 =	vsel vm8, $0x3FE98000, v1  }
0x2e: {  	v2 =	vsel vm8, $0x3FF98000, v2;
	v0 =	vsel vm11, $0x3FDB8000, v0;
	v1 =	vsel vm10, $0x3FEA8000, v1  }
0x2f: {  	v2 =	vsel vm10, $0x3FFA8000, v2;
	v0 =	vsel vm12, $0x3FDC8000, v0;
	v1 =	vsel vm11, $0x3FEB8000, v1  }
0x30: {  	v2 =	vsel vm11, $0x3FFB8000, v2;
	v0 =	vsel vm13, $0x3FDD8000, v0;
	v1 =	vsel vm12, $0x3FEC8000, v1  }
0x31: {  	s1 =	srdreg.scid;
	v2 =	vsel vm12, $0x3FFC8000, v2;
	v0 =	vsel vm14, $0x3FDE8000, v0;
	v1 =	vsel vm13, $0x3FED8000, v1  }
0x32: {  	s1 =	sand.u32 $0x1, s1;
	(erf) = vrcp.f32 v0;
	v0 =	vsel vm14, $0x3FEE8000, v1;
	v1 =	vsel vm13, $0x3FFD8000, v2  }
0x33: {  	s3 =	stileid.u32;
	s2 =	sshll.u32 s1, $0x4;
	(erf) = vrcp.f32 v0;
	v0 =	vsel vm14, $0x3FFE8000, v1  }
0x34: {  	s12 =	simm.s32 $0x2000;
	s1 =	ssub.s32 $0x2, s1;
	s2 =	sor.u32 s3, s2;
	(erf) = vrcp.f32 v0  }
0x35: {  	s26 =	sshrl.u32 s1, $0x1;
	s11 =	smul.u32 $0xC0000, s2;
	s2 =	sshll.u32 s2, $0x1  }
0x36: {  	s13 =	simm.s32 $0x6000;
	s1 =	ssub.s32 s1, s26;
	s0 =	sadd.s32 s0, s2;
	v0 =	vpop (erf)  }
0x37: {  	s14 =	simm.s32 $0x1;
	s31 =	smax.u32 s1, $0x1;
	[dreg:$0x9] =	wrdreg s0;
	v1 =	vpop (erf)  }
0x38: {  	s15 =	simm.s32 $0x3;
	s4 =	sshrl.u32 s11, $0x3;
	[dreg:$0xa] =	wrdreg s31;
	v2 =	vpop (erf)  }
.Ltmp0:
0x39: {  	[dreg:$0x4] =	wrdreg s11;
	s28 =	sadd.s32 s8, s4;
	v3 =	vpop (erf);
	(pc) =	sbr.rel .LBB2_1-.Ltmp0, $4  }
0x3a: {  	s29 =	sadd.s32 s9, s4;
	s30 =	sor.u32 $0x400, s4;
	[dreg:$0x5] =	wrdreg s28;
	v4 =	vpop (erf)  }
0x3b: {  	s17 =	simm.s32 $0x8000;
	[dreg:$0x6] =	wrdreg s29;
	s4 =	sadd.s32 s8, s30;
	v5 =	vpop (erf)  }
0x3c: {  	s16 =	simm.s32 $0x2;
	s3 =	sadd.s32 s9, s30;
	[dreg:$0x7] =	wrdreg s4;
	v6 =	vpop (erf)  }
0x3d: {  	s18 =	simm.s32 $0x4;
	v8 =	vimm.f32 $0.0e+00;
	s2 =	simm.s32 $0x0;
	[dreg:$0x8] =	wrdreg s3;
	v7 =	vpop (erf)  }
.LBB2_17:
0x3e: {  	v9 =	vmov s25  }
0x3f: {  	v9 =	vadd.f32 $0.0e+00, v9;
	_ =	sdelay $0x1  }
0x40: {  	v9 =	vbroadcast v9, $0x0;
	_ =	sdelay $0x1  }
0x41: {  	(erf) = vrcp.f32 v9;
	_ =	sdelay $0x6  }
0x42: {  	v9 =	vmov s31  }
0x43: {  	s0 =	ssub.f32 $9.830400000e+04, s26;
	v9 =	vshll.u32 v9, $0x10  }
0x44: {  	v9 =	vbroadcast v9, $0x0;
	v10 =	vpop (erf)  }
0x45: {  	v11 =	vmov s24;
	v12 =	vmul.f32 s0, v10  }
0x46: {  	v11 =	vadd.f32 $0.0e+00, v11;
	v13 =	vadd.s32 $0x10000, v9  }
0x47: {  	v9 =	vsub.f32 v13, v9;
	v12 =	vsub.f32 $1.000000000e+00, v12;
	_ =	sdelay $0x1  }
0x48: {  	v11 =	vbroadcast v11, $0x0;
	v9 =	vmul.f32 v12, v9;
	_ =	sdelay $0x1  }
0x49: {  	v10 =	vmul.f32 v10, v11;
	v9 =	vmul.f32 $5.000000000e-01, v9;
	_ =	sdelay $0x1  }
0x4a: {  	v9 =	vadd.f32 v9, v10;
	v10 =	vmov s23  }
0x4b: {  	v10 =	vadd.f32 $0.0e+00, v10  }
0x4c: {  	v9 =	vmin.f32 v9, v13  }
0x4d: {  	v10 =	vbroadcast v10, $0x0;
	v9 =	vmul.f32 s0, v9;
	_ =	sdelay $0x1  }
0x4e: {  	v9 =	vadd.f32 v9, v10;
	_ =	sdelay $0x1  }
0x4f: {  	v9 =	vmul.f32 $3.178914480e-07, v9  }
0x50: {  	s10 =	simm.s32 $0x0  }
0x51: {  	s29 =	rddreg [dreg:$0x9];
	s1 =	simm.s32 $0x10080;
	s30 =	simm.s32 $0x5;
	[tilespmem:$0x10080] =	vst v9  }
0x52: {  	[hbm4b:s29+s10] =	stream.linear.scatter [tilespmem:s1], [sflag:$0x5], $0x10, $0x38;
	[tilespmem:$0x10100] =	vst v63  }
0x53: {  	_ =	swait.ge [sflag:s30], $0x10  }
0x54: {  	s2 =	rddreg [dreg:$0xb]  }
0x55: {  	s31 =	rddreg [dreg:$0xa];
	s2 =	sadd.s32 $0x1, s2  }
0x56: {  	p0 =	sne.s32 s2, s31  }
.Ltmp1:
0x57: {  	_ = 	snop;
	(pc) =	sbr.rel @!p0 .LBB2_18-.Ltmp1, $4  }
0x58: {  	s12 =	simm.s32 $0x2000;
	[sflag:s30] =	ssyncset.done $0x0  }
0x59: {  	s13 =	simm.s32 $0x6000;
	s11 =	rddreg [dreg:$0x4];
	[sflag:s30] =	ssyncadd.s32 $0xFFFFFFF0  }
0x5a: {  	s14 =	simm.s32 $0x1;
	s15 =	simm.s32 $0x3;
	s8 =	rddreg [dreg:$0x0]  }
0x5b: {  	s16 =	simm.s32 $0x2;
	s18 =	simm.s32 $0x4;
	s9 =	rddreg [dreg:$0x1]  }
.LBB2_1:
0x5c: {  	[dreg:$0xb] =	wrdreg s2;
	s0 =	simm.s32 $0x8040  }
0x5d: {  	[tilespmem:s0+$0xFFFFFFC0] =	vst v8  }
0x5e: {  	[tilespmem:s0+$0x30] =	vst v8  }
0x5f: {  	[tilespmem:s0+$0x20] =	vst v8  }
0x60: {  	[tilespmem:s0+$0x10] =	vst v8  }
0x61: {  	[tilespmem:s0+$0x0] =	vst v8  }
0x62: {  	[tilespmem:s0+$0xFFFFFFF0] =	vst v8  }
0x63: {  	s1 =	simm.s32 $0x0;
	[tilespmem:s0+$0xFFFFFFE0] =	vst v8  }
.LBB2_2:
0x64: {  	s1 =	sadd.s32 $0x80, s1;
	[tilespmem:s0+$0xFFFFFFD0] =	vst v8;
	s0 =	sadd.s32 $0x80, s0  }
0x65: {  	[tilespmem:s0+$0xFFFFFFC0] =	vst v8;
	p0 =	slt.u32 s1, $0x7F80  }
0x66: {  	[tilespmem:s0+$0x30] =	vst v8  }
.Ltmp2:
0x67: {  	[tilespmem:s0+$0x20] =	vst v8;
	(pc) =	sbr.rel @p0 .LBB2_2-.Ltmp2, $4  }
0x68: {  	[tilespmem:s0+$0x10] =	vst v8  }
0x69: {  	[tilespmem:s0+$0x0] =	vst v8  }
0x6a: {  	[tilespmem:s0+$0xFFFFFFF0] =	vst v8  }
0x6b: {  	[tilespmem:s0+$0xFFFFFFE0] =	vst v8  }
0x6c: {  	[tilespmem:s0+$0xFFFFFFD0] =	vst v8  }
0x6d: {  	[tilespmem:$0x10000] =	vst v0  }
0x6e: {  	[tilespmem:$0x10010] =	vst v1  }
0x6f: {  	[tilespmem:$0x10020] =	vst v2  }
0x70: {  	[tilespmem:$0x10030] =	vst v3  }
0x71: {  	[tilespmem:$0x10040] =	vst v4  }
0x72: {  	[tilespmem:$0x10050] =	vst v5  }
0x73: {  	[tilespmem:$0x10060] =	vst v6  }
0x74: {  	s2 =	simm.s32 $0x0;
	[tilespmem:$0x10070] =	vst v7;
	s0 =	rddreg [dreg:$0x5]  }
0x75: {  	[tilespmem:s2], [sflag:$0x1] =	stream.linear.gather [hbm4b:s0+s2], $0x2000, $0x38;
	[tilespmem:$0x10100] =	vst v63  }
0x76: {  	s1 =	simm.s32 $0x4000;
	s29 =	rddreg [dreg:$0x6]  }
0x77: {  	[tilespmem:s1], [sflag:$0x3] =	stream.linear.gather [hbm4b:s29+s2], $0x2000, $0x38;
	[tilespmem:$0x10100] =	vst v63  }
0x78: {  	s30 =	rddreg [dreg:$0x7]  }
0x79: {  	[tilespmem:s12], [sflag:$0x2] =	stream.linear.gather [hbm4b:s30+s2], $0x2000, $0x38;
	[tilespmem:$0x10100] =	vst v63  }
0x7a: {  	s4 =	simm.s32 $0x0;
	s31 =	rddreg [dreg:$0x8]  }
0x7b: {  	[tilespmem:s13], [sflag:$0x4] =	stream.linear.gather [hbm4b:s31+s2], $0x2000, $0x38;
	[tilespmem:$0x10100] =	vst v63  }
.LBB2_4:
0x7c: {  	_ =	swait.ge [sflag:s14], $0x2000  }
0x7d: {  	[sflag:s14] =	ssyncset.done $0x0  }
0x7e: {  	s0 =	simm.s32 $0x0;
	[sflag:s14] =	ssyncadd.s32 $0xFFFFE000  }
0x7f: {  	s1 =	sand.u32 $0xC00, s2;
	s0 =	sand.u32 $0x1000, s0;
	_ =	swait.ge [sflag:s15], $0x2000  }
0x80: {  	s30 =	sand.u32 $0x380, s2;
	s0 =	sor.u32 s0, s1;
	[sflag:s15] =	ssyncset.done $0x0  }
0x81: {  	s0 =	sor.u32 s30, s0;
	[sflag:s15] =	ssyncadd.s32 $0xFFFFE000  }
0x82: {  	v9 =	vld [tilespmem:s0+$0x70]  }
0x83: {  	v10 =	vld [tilespmem:s0+$0x4070]  }
0x84: {  	v11 =	vld [tilespmem:s0+$0x0]  }
0x85: {  	v12 =	vld [tilespmem:s0+$0x4000]  }
0x86: {  	v13 =	vld [tilespmem:s0+$0x10]  }
0x87: {  	v14 =	vld [tilespmem:s0+$0x4010]  }
0x88: {  	v15 =	vld [tilespmem:s0+$0x20]  }
0x89: {  	v16 =	vld [tilespmem:s0+$0x4020]  }
0x8a: {  	v9 =	vsub.f32 v9, v10;
	_ =	sdelay $0x1  }
0x8b: {  	v18 =	vld [tilespmem:s0+$0x50];
	v10 =	vsub.f32 v11, v12;
	v9 =	vmul.f32 v9, v9  }
0x8c: {  	v20 =	vld [tilespmem:s0+$0x4050];
	v13 =	vsub.f32 v13, v14  }
0x8d: {  	v22 =	vld [tilespmem:s0+$0x60];
	v15 =	vsub.f32 v15, v16;
	v10 =	vmul.f32 v10, v10;
	v17 =	vshrl.u32 v9, $0x10  }
0x8e: {  	v11 =	vld [tilespmem:s0+$0x30];
	v13 =	vmul.f32 v13, v13  }
0x8f: {  	v12 =	vld [tilespmem:s0+$0x4030];
	v15 =	vmul.f32 v15, v15;
	v19 =	vshrl.u32 v10, $0x10  }
0x90: {  	v14 =	vld [tilespmem:s0+$0x40];
	v9 =	vand.u32 $0x7FFFFF, v9;
	v21 =	vshrl.u32 v13, $0x10  }
0x91: {  	v16 =	vld [tilespmem:s0+$0x4040];
	v23 =	vshrl.u32 v15, $0x10;
	v9 =	vor.u32 $0x3F800000, v9  }
0x92: {  	v10 =	vand.u32 $0x7FFFFF, v10;
	[tilespmem:v17+s17+$0x0] =	vst.idx.add.f32.msk $0xffff, v9  }
0x93: {  	s1 =	simm.s32 $0x400;
	v9 =	vor.u32 $0x3F800000, v10;
	v10 =	vand.u32 $0x7FFFFF, v13;
	v13 =	vld [tilespmem:s0+$0x4060];
	s0 =	simm.s32 $0x80  }
0x94: {  	s3 =	simm.s32 $0x20;
	s6 =	sand.u32 $0xC00, s1;
	v15 =	vand.u32 $0x7FFFFF, v15;
	v10 =	vor.u32 $0x3F800000, v10;
	[tilespmem:v19+s17+$0x0] =	vst.idx.add.f32.msk $0xffff, v9;
	s5 =	sand.u32 $0x1000, s0  }
0x95: {  	s31 =	sand.u32 $0x380, s3;
	v9 =	vor.u32 $0x3F800000, v15;
	[tilespmem:v21+s17+$0x0] =	vst.idx.add.f32.msk $0xffff, v10;
	s5 =	sor.u32 s5, s6  }
0x96: {  	[tilespmem:v23+s17+$0x0] =	vst.idx.add.f32.msk $0xffff, v9;
	s5 =	sor.u32 s31, s5  }
0x97: {  	v9 =	vld [tilespmem:s5+$0x70]  }
0x98: {  	v10 =	vsub.f32 v11, v12;
	v11 =	vld [tilespmem:s5+$0x4070]  }
0x99: {  	v12 =	vld [tilespmem:s5+$0x0]  }
0x9a: {  	v14 =	vsub.f32 v14, v16;
	v15 =	vld [tilespmem:s5+$0x4000]  }
0x9b: {  	v16 =	vld [tilespmem:s5+$0x10]  }
0x9c: {  	v14 =	vmul.f32 v14, v14;
	v10 =	vmul.f32 v10, v10;
	v19 =	vld [tilespmem:s5+$0x4010]  }
0x9d: {  	v18 =	vsub.f32 v18, v20;
	v20 =	vld [tilespmem:s5+$0x20];
	v13 =	vsub.f32 v22, v13  }
0x9e: {  	v26 =	vld [tilespmem:s5+$0x4040];
	v17 =	vand.u32 $0x7FFFFF, v10;
	v21 =	vshrl.u32 v10, $0x10;
	v10 =	vand.u32 $0x7FFFFF, v14  }
0x9f: {  	v23 =	vshrl.u32 v14, $0x10;
	v14 =	vld [tilespmem:s5+$0x30];
	v24 =	vor.u32 $0x3F800000, v10;
	v9 =	vsub.f32 v9, v11  }
0xa0: {  	v10 =	vmul.f32 v13, v13;
	v11 =	vmul.f32 v18, v18;
	v18 =	vld [tilespmem:s5+$0x4020];
	v13 =	vsub.f32 v12, v15  }
0xa1: {  	v17 =	vor.u32 $0x3F800000, v17;
	v15 =	vld [tilespmem:s5+$0x4030];
	v16 =	vsub.f32 v16, v19;
	v22 =	vmul.f32 v9, v9  }
0xa2: {  	v19 =	vld [tilespmem:s5+$0x40];
	v9 =	vshrl.u32 v11, $0x10;
	v11 =	vand.u32 $0x7FFFFF, v11;
	v13 =	vmul.f32 v13, v13  }
0xa3: {  	v16 =	vmul.f32 v16, v16;
	v12 =	vor.u32 $0x3F800000, v11;
	v11 =	vand.u32 $0x7FFFFF, v10  }
0xa4: {  	v27 =	vld [tilespmem:s5+$0x50];
	v10 =	vshrl.u32 v10, $0x10;
	v25 =	vshrl.u32 v22, $0x10;
	v11 =	vor.u32 $0x3F800000, v11  }
0xa5: {  	v29 =	vld [tilespmem:s5+$0x4050];
	v28 =	vshrl.u32 v13, $0x10;
	v13 =	vand.u32 $0x7FFFFF, v13;
	v18 =	vsub.f32 v20, v18  }
0xa6: {  	[tilespmem:v21+s17+$0x0] =	vst.idx.add.f32.msk $0xffff, v17;
	v20 =	vand.u32 $0x7FFFFF, v22;
	v14 =	vsub.f32 v14, v15;
	v13 =	vor.u32 $0x3F800000, v13  }
0xa7: {  	v15 =	vld [tilespmem:s5+$0x60];
	v61 =	vsub.f32 v19, v26;
	v22 =	vmul.f32 v18, v18;
	v18 =	vshrl.u32 v16, $0x10  }
0xa8: {  	v19 =	vld [tilespmem:s5+$0x4060];
	v20 =	vor.u32 $0x3F800000, v20;
	v16 =	vand.u32 $0x7FFFFF, v16;
	v14 =	vmul.f32 v14, v14  }
0xa9: {  	v21 =	vmul.f32 v61, v61;
	[tilespmem:v25+s17+$0x0] =	vst.idx.add.f32.msk $0xffff, v20;
	v20 =	vor.u32 $0x3F800000, v16;
	v16 =	vshrl.u32 v22, $0x10  }
0xaa: {  	[tilespmem:v23+s17+$0x0] =	vst.idx.add.f32.msk $0xffff, v24;
	v62 =	vand.u32 $0x7FFFFF, v22;
	v63 =	vand.u32 $0x7FFFFF, v14;
	v22 =	vsub.f32 v27, v29  }
0xab: {  	[tilespmem:v28+s17+$0x0] =	vst.idx.add.f32.msk $0xffff, v13;
	v13 =	vshrl.u32 v14, $0x10;
	v17 =	vor.u32 $0x3F800000, v62;
	v14 =	vor.u32 $0x3F800000, v63  }
.LBB2_5:
0xac: {  	s0 =	sadd.s32 $0x80, s0;
	[tilespmem:v18+s17+$0x0] =	vst.idx.add.f32.msk $0xffff, v20;
	v23 =	vshrl.u32 v21, $0x10;
	v18 =	vand.u32 $0x7FFFFF, v21;
	v20 =	vmul.f32 v22, v22;
	s1 =	sadd.s32 $0x400, s1  }
0xad: {  	s3 =	sadd.s32 $0x20, s3;
	s5 =	sand.u32 $0x1000, s0;
	s6 =	sand.u32 $0xC00, s1;
	v24 =	vor.u32 $0x3F800000, v18;
	v15 =	vsub.f32 v15, v19;
	[tilespmem:v9+s17+$0x0] =	vst.idx.add.f32.msk $0xffff, v12  }
0xae: {  	p0 =	slt.u32 s0, $0x1F80;
	s5 =	sor.u32 s5, s6;
	s6 =	sand.u32 $0x380, s3;
	[tilespmem:v16+s17+$0x0] =	vst.idx.add.f32.msk $0xffff, v17;
	v9 =	vshrl.u32 v20, $0x10;
	v12 =	vand.u32 $0x7FFFFF, v20  }
0xaf: {  	s5 =	sor.u32 s6, s5;
	v12 =	vor.u32 $0x3F800000, v12;
	v15 =	vmul.f32 v15, v15;
	[tilespmem:v10+s17+$0x0] =	vst.idx.add.f32.msk $0xffff, v11  }
0xb0: {  	v16 =	vld [tilespmem:s5+$0x70]  }
0xb1: {  	v17 =	vld [tilespmem:s5+$0x4070];
	v10 =	vshrl.u32 v15, $0x10;
	v11 =	vand.u32 $0x7FFFFF, v15  }
0xb2: {  	v15 =	vld [tilespmem:s5+$0x0];
	v11 =	vor.u32 $0x3F800000, v11  }
0xb3: {  	v18 =	vld [tilespmem:s5+$0x4000]  }
0xb4: {  	v19 =	vld [tilespmem:s5+$0x10]  }
0xb5: {  	v20 =	vld [tilespmem:s5+$0x4010]  }
0xb6: {  	v21 =	vld [tilespmem:s5+$0x20];
	v16 =	vsub.f32 v16, v17  }
0xb7: {  	v17 =	vld [tilespmem:s5+$0x4020]  }
0xb8: {  	v15 =	vsub.f32 v15, v18;
	v18 =	vld [tilespmem:s5+$0x30];
	v16 =	vmul.f32 v16, v16  }
0xb9: {  	v22 =	vld [tilespmem:s5+$0x4030]  }
0xba: {  	v15 =	vmul.f32 v15, v15;
	v19 =	vsub.f32 v19, v20;
	v20 =	vld [tilespmem:s5+$0x40];
	v25 =	vshrl.u32 v16, $0x10  }
0xbb: {  	v26 =	vld [tilespmem:s5+$0x4040]  }
0xbc: {  	v27 =	vand.u32 $0x7FFFFF, v15;
	v19 =	vmul.f32 v19, v19;
	v17 =	vsub.f32 v21, v17;
	v28 =	vld [tilespmem:s5+$0x50]  }
0xbd: {  	v16 =	vand.u32 $0x7FFFFF, v16;
	v21 =	vshrl.u32 v15, $0x10;
	v27 =	vor.u32 $0x3F800000, v27;
	v29 =	vld [tilespmem:s5+$0x4050]  }
0xbe: {  	v16 =	vor.u32 $0x3F800000, v16;
	v17 =	vmul.f32 v17, v17;
	v22 =	vsub.f32 v18, v22;
	v15 =	vld [tilespmem:s5+$0x60]  }
.Ltmp3:
0xbf: {  	v18 =	vshrl.u32 v19, $0x10;
	v30 =	vand.u32 $0x7FFFFF, v19;
	[tilespmem:v25+s17+$0x0] =	vst.idx.add.f32.msk $0xffff, v16;
	(pc) =	sbr.rel @p0 .LBB2_5-.Ltmp3, $4  }
0xc0: {  	v25 =	vand.u32 $0x7FFFFF, v17;
	v31 =	vmul.f32 v22, v22;
	v22 =	vsub.f32 v20, v26;
	v19 =	vld [tilespmem:s5+$0x4060]  }
0xc1: {  	v20 =	vor.u32 $0x3F800000, v30;
	v16 =	vshrl.u32 v17, $0x10;
	v17 =	vor.u32 $0x3F800000, v25;
	[tilespmem:v13+s17+$0x0] =	vst.idx.add.f32.msk $0xffff, v14  }
0xc2: {  	[tilespmem:v21+s17+$0x0] =	vst.idx.add.f32.msk $0xffff, v27;
	v14 =	vand.u32 $0x7FFFFF, v31;
	v21 =	vmul.f32 v22, v22;
	v22 =	vsub.f32 v28, v29  }
0xc3: {  	v13 =	vshrl.u32 v31, $0x10;
	v14 =	vor.u32 $0x3F800000, v14;
	[tilespmem:v23+s17+$0x0] =	vst.idx.add.f32.msk $0xffff, v24  }
0xc4: {  	_ =	sdelay $0x1  }
0xc5: {  	v15 =	vsub.f32 v15, v19  }
0xc6: {  	v19 =	vmul.f32 v22, v22  }
0xc7: {  	[tilespmem:v18+s17+$0x0] =	vst.idx.add.f32.msk $0xffff, v20;
	v18 =	vshrl.u32 v21, $0x10;
	v15 =	vmul.f32 v15, v15  }
0xc8: {  	[tilespmem:v9+s17+$0x0] =	vst.idx.add.f32.msk $0xffff, v12;
	s0 =	sshll.u32 s4, $0xE;
	p0 =	seq.s32 s4, $0x2F;
	v9 =	vshrl.u32 v19, $0x10  }
0xc9: {  	[tilespmem:v16+s17+$0x0] =	vst.idx.add.f32.msk $0xffff, v17;
	s1 =	sadd.s32 @!p0 $0x4000, s0;
	v12 =	vshrl.u32 v15, $0x10  }
0xca: {  	v16 =	vand.u32 $0x7FFFFF, v21;
	[tilespmem:v10+s17+$0x0] =	vst.idx.add.f32.msk $0xffff, v11;
	s3 =	sand.u32 @!p0 $0x1C0000, s1  }
0xcb: {  	[tilespmem:v13+s17+$0x0] =	vst.idx.add.f32.msk $0xffff, v14;
	v10 =	vor.u32 $0x3F800000, v16;
	s1 =	sand.u32 @!p0 $0x3C000, s1;
	v11 =	vand.u32 $0x7FFFFF, v19;
	s3 =	sadd.s32 @!p0 s11, s3  }
0xcc: {  	v11 =	vor.u32 $0x3F800000, v11;
	s1 =	sor.u32 @!p0 s1, s3;
	v13 =	vand.u32 $0x7FFFFF, v15;
	[tilespmem:v18+s17+$0x0] =	vst.idx.add.f32.msk $0xffff, v10  }
0xcd: {  	s1 =	sshrl.u32 @!p0 s1, $0x3;
	v10 =	vor.u32 $0x3F800000, v13;
	[tilespmem:v9+s17+$0x0] =	vst.idx.add.f32.msk $0xffff, v11  }
0xce: {  	s5 =	simm.s32 @!p0 $0x0;
	s3 =	sadd.s32 @!p0 s8, s1;
	[tilespmem:v12+s17+$0x0] =	vst.idx.add.f32.msk $0xffff, v10  }
0xcf: {  	[tilespmem:s5], [sflag:$0x1] =	stream.linear.gather @!p0 [hbm4b:s3+s5], $0x2000, $0x38;
	[tilespmem:$0x10100] =	vst v63  }
0xd0: {  	s1 =	sadd.s32 @!p0 s9, s1;
	s3 =	simm.s32 @!p0 $0x4000  }
0xd1: {  	[tilespmem:s3], [sflag:$0x3] =	stream.linear.gather @!p0 [hbm4b:s1+s5], $0x2000, $0x38;
	[tilespmem:$0x10100] =	vst v63  }
0xd2: {  	_ =	swait.ge [sflag:s16], $0x2000  }
0xd3: {  	[sflag:s16] =	ssyncset.done $0x0  }
0xd4: {  	s28 =	simm.s32 $0x0;
	s29 =	simm.s32 $0x0;
	[sflag:s16] =	ssyncadd.s32 $0xFFFFE000  }
0xd5: {  	s30 =	sand.u32 $0xC00, s28;
	s3 =	sand.u32 $0x1000, s29;
	_ =	swait.ge [sflag:s18], $0x2000  }
0xd6: {  	s1 =	sand.u32 $0x380, s28;
	s3 =	sor.u32 s3, s30;
	[sflag:s18] =	ssyncset.done $0x0  }
0xd7: {  	s1 =	sor.u32 s1, s3;
	[sflag:s18] =	ssyncadd.s32 $0xFFFFE000  }
0xd8: {  	v9 =	vld [tilespmem:s1+$0x2070]  }
0xd9: {  	v10 =	vld [tilespmem:s1+$0x6070]  }
0xda: {  	v11 =	vld [tilespmem:s1+$0x2000]  }
0xdb: {  	v12 =	vld [tilespmem:s1+$0x6000]  }
0xdc: {  	v13 =	vld [tilespmem:s1+$0x2010]  }
0xdd: {  	v14 =	vld [tilespmem:s1+$0x6010]  }
0xde: {  	v15 =	vld [tilespmem:s1+$0x2020]  }
0xdf: {  	v16 =	vld [tilespmem:s1+$0x6020]  }
0xe0: {  	v9 =	vsub.f32 v9, v10;
	_ =	sdelay $0x1  }
0xe1: {  	v18 =	vld [tilespmem:s1+$0x2050];
	v10 =	vsub.f32 v11, v12;
	v9 =	vmul.f32 v9, v9  }
0xe2: {  	v20 =	vld [tilespmem:s1+$0x6050];
	v13 =	vsub.f32 v13, v14  }
0xe3: {  	v22 =	vld [tilespmem:s1+$0x2060];
	v15 =	vsub.f32 v15, v16;
	v10 =	vmul.f32 v10, v10;
	v17 =	vshrl.u32 v9, $0x10  }
0xe4: {  	v11 =	vld [tilespmem:s1+$0x2030];
	v13 =	vmul.f32 v13, v13  }
0xe5: {  	v12 =	vld [tilespmem:s1+$0x6030];
	v15 =	vmul.f32 v15, v15;
	v19 =	vshrl.u32 v10, $0x10  }
0xe6: {  	v14 =	vld [tilespmem:s1+$0x2040];
	v9 =	vand.u32 $0x7FFFFF, v9;
	v21 =	vshrl.u32 v13, $0x10  }
0xe7: {  	v16 =	vld [tilespmem:s1+$0x6040];
	v23 =	vshrl.u32 v15, $0x10;
	v9 =	vor.u32 $0x3F800000, v9  }
0xe8: {  	v10 =	vand.u32 $0x7FFFFF, v10;
	[tilespmem:v17+s17+$0x0] =	vst.idx.add.f32.msk $0xffff, v9  }
0xe9: {  	s3 =	simm.s32 $0x400;
	v9 =	vor.u32 $0x3F800000, v10;
	v10 =	vand.u32 $0x7FFFFF, v13;
	v13 =	vld [tilespmem:s1+$0x6060];
	s1 =	simm.s32 $0x80  }
0xea: {  	s5 =	simm.s32 $0x20;
	s7 =	sand.u32 $0xC00, s3;
	v15 =	vand.u32 $0x7FFFFF, v15;
	v10 =	vor.u32 $0x3F800000, v10;
	[tilespmem:v19+s17+$0x0] =	vst.idx.add.f32.msk $0xffff, v9;
	s6 =	sand.u32 $0x1000, s1  }
0xeb: {  	s31 =	sand.u32 $0x380, s5;
	v9 =	vor.u32 $0x3F800000, v15;
	[tilespmem:v21+s17+$0x0] =	vst.idx.add.f32.msk $0xffff, v10;
	s6 =	sor.u32 s6, s7  }
0xec: {  	[tilespmem:v23+s17+$0x0] =	vst.idx.add.f32.msk $0xffff, v9;
	s6 =	sor.u32 s31, s6  }
0xed: {  	v9 =	vld [tilespmem:s6+$0x2070]  }
0xee: {  	v10 =	vsub.f32 v11, v12;
	v11 =	vld [tilespmem:s6+$0x6070]  }
0xef: {  	v14 =	vsub.f32 v14, v16;
	v12 =	vld [tilespmem:s6+$0x2000]  }
0xf0: {  	v15 =	vld [tilespmem:s6+$0x6000]  }
0xf1: {  	v14 =	vmul.f32 v14, v14;
	v10 =	vmul.f32 v10, v10;
	v16 =	vld [tilespmem:s6+$0x2010]  }
0xf2: {  	v19 =	vld [tilespmem:s6+$0x6010]  }
0xf3: {  	v18 =	vsub.f32 v18, v20;
	v24 =	vshrl.u32 v14, $0x10;
	v17 =	vand.u32 $0x7FFFFF, v10  }
0xf4: {  	v21 =	vshrl.u32 v10, $0x10;
	v10 =	vand.u32 $0x7FFFFF, v14;
	v14 =	vld [tilespmem:s6+$0x2030];
	v9 =	vsub.f32 v9, v11  }
0xf5: {  	v13 =	vsub.f32 v22, v13;
	v23 =	vor.u32 $0x3F800000, v17;
	v17 =	vld [tilespmem:s6+$0x2020]  }
0xf6: {  	v25 =	vor.u32 $0x3F800000, v10;
	v11 =	vmul.f32 v18, v18;
	v18 =	vld [tilespmem:s6+$0x6020];
	v20 =	vmul.f32 v9, v9  }
0xf7: {  	v10 =	vmul.f32 v13, v13;
	v13 =	vsub.f32 v12, v15;
	v15 =	vld [tilespmem:s6+$0x6030];
	v16 =	vsub.f32 v16, v19  }
0xf8: {  	v26 =	vld [tilespmem:s6+$0x6040];
	v9 =	vshrl.u32 v11, $0x10;
	v11 =	vand.u32 $0x7FFFFF, v11;
	v22 =	vshrl.u32 v20, $0x10  }
0xf9: {  	v19 =	vld [tilespmem:s6+$0x2040];
	v13 =	vmul.f32 v13, v13;
	v12 =	vor.u32 $0x3F800000, v11;
	v11 =	vand.u32 $0x7FFFFF, v10  }
0xfa: {  	v27 =	vld [tilespmem:s6+$0x2050];
	v16 =	vmul.f32 v16, v16;
	v10 =	vshrl.u32 v10, $0x10;
	v11 =	vor.u32 $0x3F800000, v11  }
0xfb: {  	v29 =	vld [tilespmem:s6+$0x6050];
	v28 =	vshrl.u32 v13, $0x10;
	v17 =	vsub.f32 v17, v18;
	v18 =	vand.u32 $0x7FFFFF, v20  }
0xfc: {  	v13 =	vand.u32 $0x7FFFFF, v13;
	v14 =	vsub.f32 v14, v15;
	v15 =	vld [tilespmem:s6+$0x2060];
	v18 =	vor.u32 $0x3F800000, v18  }
0xfd: {  	v13 =	vor.u32 $0x3F800000, v13;
	v30 =	vmul.f32 v17, v17;
	v17 =	vshrl.u32 v16, $0x10;
	[tilespmem:v22+s17+$0x0] =	vst.idx.add.f32.msk $0xffff, v18  }
0xfe: {  	v16 =	vand.u32 $0x7FFFFF, v16;
	v14 =	vmul.f32 v14, v14;
	v22 =	vsub.f32 v19, v26;
	v19 =	vld [tilespmem:s6+$0x6060]  }
0xff: {  	[tilespmem:v24+s17+$0x0] =	vst.idx.add.f32.msk $0xffff, v25;
	v20 =	vor.u32 $0x3F800000, v16;
	v18 =	vand.u32 $0x7FFFFF, v30;
	v16 =	vshrl.u32 v30, $0x10  }
0x100: {  	[tilespmem:v21+s17+$0x0] =	vst.idx.add.f32.msk $0xffff, v23;
	v23 =	vand.u32 $0x7FFFFF, v14;
	v21 =	vmul.f32 v22, v22;
	v22 =	vsub.f32 v27, v29  }
0x101: {  	[tilespmem:v28+s17+$0x0] =	vst.idx.add.f32.msk $0xffff, v13;
	v13 =	vshrl.u32 v14, $0x10;
	v18 =	vor.u32 $0x3F800000, v18;
	v14 =	vor.u32 $0x3F800000, v23  }
.LBB2_7:
0x102: {  	s1 =	sadd.s32 $0x80, s1;
	[tilespmem:v17+s17+$0x0] =	vst.idx.add.f32.msk $0xffff, v20;
	v23 =	vshrl.u32 v21, $0x10;
	v17 =	vand.u32 $0x7FFFFF, v21;
	v20 =	vmul.f32 v22, v22;
	s3 =	sadd.s32 $0x400, s3  }
0x103: {  	s5 =	sadd.s32 $0x20, s5;
	s6 =	sand.u32 $0x1000, s1;
	s7 =	sand.u32 $0xC00, s3;
	v24 =	vor.u32 $0x3F800000, v17;
	v15 =	vsub.f32 v15, v19;
	[tilespmem:v9+s17+$0x0] =	vst.idx.add.f32.msk $0xffff, v12  }
0x104: {  	p1 =	slt.u32 s1, $0x1F80;
	s6 =	sor.u32 s6, s7;
	s7 =	sand.u32 $0x380, s5;
	[tilespmem:v16+s17+$0x0] =	vst.idx.add.f32.msk $0xffff, v18;
	v9 =	vshrl.u32 v20, $0x10;
	v12 =	vand.u32 $0x7FFFFF, v20  }
0x105: {  	s6 =	sor.u32 s7, s6;
	v12 =	vor.u32 $0x3F800000, v12;
	v15 =	vmul.f32 v15, v15;
	[tilespmem:v10+s17+$0x0] =	vst.idx.add.f32.msk $0xffff, v11  }
0x106: {  	v16 =	vld [tilespmem:s6+$0x2070]  }
0x107: {  	v17 =	vld [tilespmem:s6+$0x6070];
	v10 =	vshrl.u32 v15, $0x10;
	v11 =	vand.u32 $0x7FFFFF, v15  }
0x108: {  	v15 =	vld [tilespmem:s6+$0x2000];
	v11 =	vor.u32 $0x3F800000, v11  }
0x109: {  	v18 =	vld [tilespmem:s6+$0x6000]  }
0x10a: {  	v19 =	vld [tilespmem:s6+$0x2010]  }
0x10b: {  	v20 =	vld [tilespmem:s6+$0x6010]  }
0x10c: {  	v21 =	vld [tilespmem:s6+$0x2020];
	v16 =	vsub.f32 v16, v17  }
0x10d: {  	v17 =	vld [tilespmem:s6+$0x6020]  }
0x10e: {  	v15 =	vsub.f32 v15, v18;
	v18 =	vld [tilespmem:s6+$0x2030];
	v16 =	vmul.f32 v16, v16  }
0x10f: {  	v22 =	vld [tilespmem:s6+$0x6030]  }
0x110: {  	v15 =	vmul.f32 v15, v15;
	v19 =	vsub.f32 v19, v20;
	v20 =	vld [tilespmem:s6+$0x2040];
	v25 =	vshrl.u32 v16, $0x10  }
0x111: {  	v26 =	vld [tilespmem:s6+$0x6040]  }
0x112: {  	v27 =	vand.u32 $0x7FFFFF, v15;
	v19 =	vmul.f32 v19, v19;
	v17 =	vsub.f32 v21, v17;
	v28 =	vld [tilespmem:s6+$0x2050]  }
0x113: {  	v16 =	vand.u32 $0x7FFFFF, v16;
	v21 =	vshrl.u32 v15, $0x10;
	v27 =	vor.u32 $0x3F800000, v27;
	v29 =	vld [tilespmem:s6+$0x6050]  }
0x114: {  	v16 =	vor.u32 $0x3F800000, v16;
	v30 =	vmul.f32 v17, v17;
	v18 =	vsub.f32 v18, v22;
	v15 =	vld [tilespmem:s6+$0x2060]  }
.Ltmp4:
0x115: {  	v17 =	vshrl.u32 v19, $0x10;
	v22 =	vand.u32 $0x7FFFFF, v19;
	[tilespmem:v25+s17+$0x0] =	vst.idx.add.f32.msk $0xffff, v16;
	(pc) =	sbr.rel @p1 .LBB2_7-.Ltmp4, $4  }
0x116: {  	v25 =	vand.u32 $0x7FFFFF, v30;
	v31 =	vmul.f32 v18, v18;
	v26 =	vsub.f32 v20, v26;
	v19 =	vld [tilespmem:s6+$0x6060]  }
0x117: {  	v20 =	vor.u32 $0x3F800000, v22;
	v16 =	vshrl.u32 v30, $0x10;
	v18 =	vor.u32 $0x3F800000, v25;
	[tilespmem:v13+s17+$0x0] =	vst.idx.add.f32.msk $0xffff, v14  }
0x118: {  	[tilespmem:v21+s17+$0x0] =	vst.idx.add.f32.msk $0xffff, v27;
	v14 =	vand.u32 $0x7FFFFF, v31;
	v21 =	vmul.f32 v26, v26;
	v22 =	vsub.f32 v28, v29  }
0x119: {  	v13 =	vshrl.u32 v31, $0x10;
	v14 =	vor.u32 $0x3F800000, v14;
	[tilespmem:v23+s17+$0x0] =	vst.idx.add.f32.msk $0xffff, v24  }
0x11a: {  	_ =	sdelay $0x1  }
0x11b: {  	v15 =	vsub.f32 v15, v19  }
0x11c: {  	v59 =	vmul.f32 v22, v22  }
0x11d: {  	[tilespmem:v17+s17+$0x0] =	vst.idx.add.f32.msk $0xffff, v20;
	v60 =	vshrl.u32 v21, $0x10;
	v15 =	vmul.f32 v15, v15  }
0x11e: {  	[tilespmem:v9+s17+$0x0] =	vst.idx.add.f32.msk $0xffff, v12;
	v9 =	vshrl.u32 v59, $0x10  }
0x11f: {  	[tilespmem:v16+s17+$0x0] =	vst.idx.add.f32.msk $0xffff, v18;
	v61 =	vshrl.u32 v15, $0x10  }
.Ltmp5:
0x120: {  	v62 =	vand.u32 $0x7FFFFF, v21;
	[tilespmem:v10+s17+$0x0] =	vst.idx.add.f32.msk $0xffff, v11;
	(pc) =	sbr.rel @p0 .LBB2_10-.Ltmp5, $4  }
0x121: {  	[tilespmem:v13+s17+$0x0] =	vst.idx.add.f32.msk $0xffff, v14;
	v10 =	vor.u32 $0x3F800000, v62;
	v11 =	vand.u32 $0x7FFFFF, v59  }
0x122: {  	v11 =	vor.u32 $0x3F800000, v11;
	v63 =	vand.u32 $0x7FFFFF, v15;
	[tilespmem:v60+s17+$0x0] =	vst.idx.add.f32.msk $0xffff, v10  }
0x123: {  	v10 =	vor.u32 $0x3F800000, v63;
	[tilespmem:v9+s17+$0x0] =	vst.idx.add.f32.msk $0xffff, v11  }
0x124: {  	[tilespmem:v61+s17+$0x0] =	vst.idx.add.f32.msk $0xffff, v10  }
0x125: {  	s0 =	sadd.s32 $0x6000, s0  }
0x126: {  	s1 =	sand.u32 $0x1C0000, s0  }
0x127: {  	s0 =	sand.u32 $0x3E000, s0;
	s1 =	sadd.s32 s11, s1  }
0x128: {  	s0 =	sor.u32 s0, s1  }
.Ltmp6:
0x129: {  	s0 =	sshrl.u32 s0, $0x3;
	(pc) =	sbr.rel .LBB2_4-.Ltmp6, $4  }
0x12a: {  	s31 =	sadd.s32 s8, s0  }
0x12b: {  	[tilespmem:s12], [sflag:$0x2] =	stream.linear.gather [hbm4b:s31+s10], $0x2000, $0x38;
	[tilespmem:$0x10100] =	vst v63  }
0x12c: {  	s4 =	sadd.s32 $0x1, s4;
	s0 =	sadd.s32 s9, s0  }
0x12d: {  	[tilespmem:s13], [sflag:$0x4] =	stream.linear.gather [hbm4b:s0+s10], $0x2000, $0x38;
	[tilespmem:$0x10100] =	vst v63  }
.LBB2_10:
0x12e: {  	v9 =	vld [tilespmem:$0x10000]  }
0x12f: {  	v10 =	vld [tilespmem:$0x10010]  }
0x130: {  	v11 =	vld [tilespmem:$0x10020]  }
.Ltmp7:
0x131: {  	v12 =	vld [tilespmem:$0x10030];
	(pc) =	sbr.rel .LBB2_11-.Ltmp7, $4  }
0x132: {  	v13 =	vld [tilespmem:$0x10040];
	s25 =	simm.f32 $1.000000000e+00;
	s20 =	simm.f32 $0.0e+00;
	s12 =	simm.s32 $0x0  }
0x133: {  	v14 =	vld [tilespmem:$0x10050];
	s19 =	simm.s32 $0x7FF0;
	s29 =	simm.s32 $0xFFF0;
	s6 =	simm.s32 $0x7FF  }
0x134: {  	v15 =	vld [tilespmem:$0x10060];
	s24 =	simm.f32 $0.0e+00;
	s23 =	simm.f32 $0.0e+00;
	s26 =	simm.f32 $0.0e+00  }
0x135: {  	v16 =	vld [tilespmem:$0x10070];
	s31 =	simm.s32 $0x0;
	s28 =	simm.f32 $0.0e+00;
	s7 =	simm.s32 $0x0  }
.LBB2_12:
0x136: {  	s31 =	smov.u32 @p0 s31;
	s26 =	smov.u32 @p0 s26;
	s23 =	smov.u32 @p0 s23  }
0x137: {  	s25 =	smov.u32 @p0 s25;
	s24 =	smov.u32 @p0 s24;
	s12 =	smov.u32 @p0 s12  }
.LBB2_16:
0x138: {  	s7 =	sadd.s32 $0x1, s7  }
0x139: {  	p0 =	sne.s32 s7, $0x80  }
.Ltmp8:
0x13a: {  	_ = 	snop;
	(pc) =	sbr.rel @!p0 .LBB2_17-.Ltmp8, $3  }
0x13b: {  	_ =	sdelay $0x1  }
0x13c: {  	s19 =	sadd.s32 $0xFFFFFF00, s19;
	s29 =	sadd.s32 $0xFFFFFF00, s29  }
0x13d: {  	s6 =	sadd.s32 $0xFFFFFFF0, s6;
	s20 =	smov.u32 s0;
	s28 =	sadd.f32 s1, s28  }
.LBB2_11:
0x13e: {  	s0 =	sxor.u32 $0x7F, s7  }
0x13f: {  	s1 =	sshll.u32 s0, $0x8  }
0x140: {  	s2 =	sor.u32 $0x8000, s1  }
0x141: {  	s8 =	sor.u32 $0x8010, s1;
	v17 =	vld [tilespmem:s2+$0x0]  }
0x142: {  	s10 =	sor.u32 $0x8020, s1;
	v18 =	vld [tilespmem:s8+$0x0]  }
0x143: {  	s3 =	sshll.u32 s0, $0x1;
	s11 =	sor.u32 $0x8030, s1;
	v21 =	vld [tilespmem:s10+$0x0]  }
0x144: {  	s9 =	smax.u32 s3, $0x1;
	v24 =	vld [tilespmem:s11+$0x0]  }
0x145: {  	s13 =	sor.u32 $0x8040, s1;
	v20 =	vmov s9  }
0x146: {  	s18 =	sshll.u32 s0, $0x4;
	v26 =	vld [tilespmem:s13+$0x0];
	v20 =	vshll.u32 v20, $0x17;
	v19 =	vmul.f32 v9, v17  }
0x147: {  	s21 =	sor.u32 $0x8, s18;
	v20 =	vbroadcast v20, $0x0;
	v23 =	vmul.f32 v10, v18  }
0x148: {  	s2 =	sshrl.u32 s21, $0x3;
	v53 =	vmul.f32 v11, v21;
	v22 =	vsub.f32 v17, v19;
	v19 =	vadd.f32 $0.0e+00, v19  }
0x149: {  	s5 =	sor.u32 $0xA, s18;
	v35 =	vmov s2;
	v54 =	vmul.f32 v12, v24;
	v17 =	vmul.f32 v17, v20  }
0x14a: {  	s14 =	sor.u32 $0x8050, s1;
	s8 =	sshll.u32 s5, $0x4;
	s5 =	sshrl.u32 s5, $0x3;
	v25 =	vsub.f32 v18, v23;
	v22 =	vmul.f32 $1.175494350e-38, v22;
	v19 =	vadd.f32 v23, v19  }
0x14b: {  	p0 =	seq.s32 s3, $0x0;
	s15 =	sor.u32 $0x8060, s1;
	v28 =	vld [tilespmem:s14+$0x0];
	v41 =	vmov s5;
	v56 =	vmul.f32 v13, v26;
	v18 =	vmul.f32 v18, v20  }
0x14c: {  	s16 =	sor.u32 $0x8070, s1;
	v29 =	vld [tilespmem:s15+$0x0];
	v25 =	vmul.f32 $1.175494350e-38, v25;
	v17 =	vpsel p0, v22, v17;
	v19 =	vadd.f32 v53, v19  }
0x14d: {  	v61 =	vld [tilespmem:s16+$0x0];
	v57 =	vmul.f32 v24, v20;
	v27 =	vsub.f32 v21, v53;
	v17 =	vadd.f32 $0.0e+00, v17  }
0x14e: {  	v21 =	vmul.f32 v21, v20;
	v18 =	vpsel p0, v25, v18;
	v19 =	vadd.f32 v54, v19  }
0x14f: {  	v55 =	vmul.f32 $1.175494350e-38, v27;
	v17 =	vadd.f32 v18, v17;
	v18 =	vsub.f32 v24, v54  }
0x150: {  	s22 =	sshll.u32 s21, $0x4;
	v59 =	vmul.f32 v14, v28;
	v60 =	vmul.f32 v26, v20;
	v58 =	vsub.f32 v26, v56  }
0x151: {  	s30 =	sor.u32 $0x9, s18;
	s3 =	sor.u32 $0x8000, s22;
	v21 =	vpsel p0, v55, v21;
	v19 =	vadd.f32 v56, v19;
	v18 =	vmul.f32 $1.175494350e-38, v18  }
0x152: {  	s4 =	sshll.u32 s30, $0x4;
	v30 =	vld [tilespmem:s3+$0x0];
	v63 =	vmul.f32 v15, v29;
	v31 =	vmul.f32 v16, v61;
	v17 =	vadd.f32 v21, v17  }
0x153: {  	s4 =	sor.u32 $0x8000, s4;
	v24 =	vmul.f32 $1.175494350e-38, v58;
	v19 =	vadd.f32 v59, v19;
	v18 =	vpsel p0, v18, v57  }
0x154: {  	s10 =	sor.u32 $0xB, s18;
	s9 =	sor.u32 $0x8000, s8;
	v34 =	vld [tilespmem:s4+$0x0];
	v32 =	vmul.f32 v29, v20;
	v62 =	vsub.f32 v28, v59;
	v17 =	vadd.f32 v18, v17  }
0x155: {  	s11 =	sshll.u32 s10, $0x4;
	v37 =	vld [tilespmem:s9+$0x0];
	v28 =	vmul.f32 v28, v20;
	v18 =	vpsel p0, v24, v60;
	v19 =	vadd.f32 v63, v19  }
0x156: {  	s2 =	sor.u32 $0x8000, s11;
	v23 =	vmul.f32 $1.175494350e-38, v62;
	v17 =	vadd.f32 v18, v17;
	v18 =	vsub.f32 v29, v63  }
0x157: {  	s13 =	sor.u32 $0xC, s18;
	v39 =	vld [tilespmem:s2+$0x0];
	v33 =	vsub.f32 v61, v31;
	v36 =	vmul.f32 v30, v9;
	v19 =	vadd.f32 v31, v19  }
0x158: {  	s14 =	sshll.u32 s13, $0x4;
	v20 =	vmul.f32 v61, v20;
	v23 =	vpsel p0, v23, v28;
	v18 =	vmul.f32 $1.175494350e-38, v18  }
0x159: {  	s15 =	sor.u32 $0xD, s18;
	s2 =	sor.u32 $0x8000, s14;
	v40 =	vmul.f32 v34, v10;
	v17 =	vadd.f32 v23, v17;
	v19 =	vadd.f32 v36, v19  }
0x15a: {  	s16 =	sshll.u32 s15, $0x4;
	v43 =	vld [tilespmem:s2+$0x0];
	v44 =	vmul.f32 v37, v11;
	v21 =	vmul.f32 $1.175494350e-38, v33;
	v18 =	vpsel p0, v18, v32  }
0x15b: {  	s1 =	sor.u32 $0xE, s18;
	s3 =	sshrl.u32 s30, $0x3;
	s2 =	sor.u32 $0x8000, s16;
	v19 =	vadd.f32 v40, v19;
	v17 =	vadd.f32 v18, v17;
	v18 =	vshll.u32 v35, $0x17  }
0x15c: {  	s18 =	sshll.u32 s1, $0x4;
	v38 =	vmov s3;
	v47 =	vld [tilespmem:s2+$0x0];
	v48 =	vmul.f32 v39, v12;
	v18 =	vbroadcast v18, $0x0  }
0x15d: {  	s0 =	sshllo.u32 s0, $0x4;
	s2 =	sor.u32 $0x8000, s18;
	v20 =	vpsel p0, v21, v20;
	v23 =	vshll.u32 v38, $0x17;
	v19 =	vadd.f32 v44, v19  }
0x15e: {  	s21 =	sshll.u32 s0, $0x4;
	v50 =	vld [tilespmem:s2+$0x0];
	v42 =	vbroadcast v23, $0x0;
	v17 =	vadd.f32 v20, v17;
	v18 =	vmul.f32 v30, v18  }
0x15f: {  	v45 =	vshll.u32 v41, $0x17;
	s2 =	sor.u32 $0x8000, s21;
	v51 =	vmul.f32 v43, v13;
	v19 =	vadd.f32 v48, v19  }
0x160: {  	s4 =	sshrl.u32 s10, $0x3;
	v46 =	vbroadcast v45, $0x0;
	v53 =	vld [tilespmem:s2+$0x0];
	v17 =	vadd.f32 v17, v18;
	v18 =	vmul.f32 v34, v42  }
0x161: {  	v49 =	vmov s4;
	s3 =	sshrl.u32 s13, $0x3;
	v54 =	vmul.f32 v47, v14;
	v19 =	vadd.f32 v51, v19  }
0x162: {  	v52 =	vmov s3;
	v17 =	vadd.f32 v17, v18;
	v18 =	vmul.f32 v37, v46  }
0x163: {  	s22 =	sshrl.u32 s15, $0x3;
	v25 =	vshll.u32 v49, $0x17;
	v57 =	vmul.f32 v50, v15;
	v19 =	vadd.f32 v54, v19  }
0x164: {  	v56 =	vmov s22;
	v17 =	vadd.f32 v17, v18;
	v18 =	vbroadcast v25, $0x0  }
0x165: {  	v60 =	vmul.f32 v53, v16;
	v25 =	vshll.u32 v52, $0x17;
	v19 =	vadd.f32 v57, v19  }
0x166: {  	s1 =	sshrl.u32 s1, $0x3;
	v55 =	vbroadcast v25, $0x0;
	v25 =	vshll.u32 v56, $0x17;
	v18 =	vmul.f32 v39, v18  }
0x167: {  	v59 =	vmov s1;
	v58 =	vbroadcast v25, $0x0  }
0x168: {  	s0 =	sshrl.u32 s0, $0x3;
	v19 =	vadd.f32 v60, v19;
	v17 =	vadd.f32 v17, v18;
	v18 =	vmul.f32 v43, v55  }
0x169: {  	v62 =	vmov s0;
	v61 =	vshll.u32 v59, $0x17  }
0x16a: {  	v21 =	vbroadcast v61, $0x0;
	(xrf2) =	vadd.scan.msk.f32 $0xffff, v19;
	v17 =	vadd.f32 v17, v18;
	v18 =	vmul.f32 v47, v58  }
0x16b: {  	v22 =	vshll.u32 v62, $0x17  }
0x16c: {  	v63 =	vbroadcast v22, $0x0;
	v17 =	vadd.f32 v17, v18;
	v18 =	vmul.f32 v50, v21;
	_ =	sdelay $0x1  }
0x16d: {  	v17 =	vadd.f32 v17, v18;
	v18 =	vmul.f32 v53, v63;
	_ =	sdelay $0x1  }
0x16e: {  	v17 =	vadd.f32 v17, v18;
	_ =	sdelay $0x3  }
0x16f: {  	(xrf2) =	vadd.scan.msk.f32 $0xffff, v17;
	v17, _, _ =	vpop (xrf2)  }
0x170: {  	(v2sf) =	vpush v17, $0xF;
	_ =	sdelay $0x8  }
0x171: {  	v17, _, _ =	vpop (xrf2)  }
0x172: {  	(v2sf) =	vpush v17, $0xF;
	_ =	sdelay $0x4  }
0x173: {  	s30 =	spop (v2sf)  }
0x174: {  	s0 =	sadd.f32 s30, s20  }
0x175: {  	p0 =	sne.s32 s12, $0x0  }
0x176: {  	p1 =	sge.f32 @!p0 s0, $9.830400000e+04;
	_ =	sdelay $0x1  }
0x177: {  	p1 =	por p0, !p1  }
.Ltmp9:
0x178: {  	_ = 	snop;
	(pc) =	sbr.rel @p1 .LBB2_12-.Ltmp9, $2  }
0x179: {  	_ =	sdelay $0x2  }
0x17a: {  	s1 =	spop (v2sf)  }
0x17b: {  	s14 =	sadd.s32 $0x0, s29  }
0x17c: {  	s15 =	sand.u32 $0x70, s19;
	v17 =	vld [tilespmem:s14+$0x0]  }
0x17d: {  	v18 =	vld [tilespmem:s15+$0x10000];
	_ =	sdelay $0x4  }
0x17e: {  	v18 =	vmul.f32 v18, v17;
	_ =	sdelay $0x1  }
0x17f: {  	(xrf2) =	vadd.scan.msk.f32 $0xffff, v18;
	_ =	sdelay $0x9  }
0x180: {  	v19, _, _ =	vpop (xrf2)  }
0x181: {  	(v2sf) =	vpush v19, $0xF  }
0x182: {  	[dreg:$0x11] =	wrdreg s1;
	s1 =	sadd.s32 $0xFFFFFFF0, s19;
	s16 =	sadd.s32 $0xFFFFFFF0, s29  }
0x183: {  	s2 =	sand.u32 $0x70, s1;
	v22 =	vld [tilespmem:s16+$0x0]  }
0x184: {  	v19 =	vld [tilespmem:s2+$0x10000];
	_ =	sdelay $0x4  }
0x185: {  	v19 =	vmul.f32 v19, v22;
	_ =	sdelay $0x1  }
0x186: {  	(xrf2) =	vadd.scan.msk.f32 $0xffff, v19;
	_ =	sdelay $0x4  }
0x187: {  	s18 =	spop (v2sf)  }
0x188: {  	s8 =	sadd.f32 s18, s20;
	_ =	sdelay $0x1  }
0x189: {  	p0 =	sge.f32 s8, $9.830400000e+04  }
0x18a: {  	p1 =	por $0x1, $0x1  }
0x18b: {  	[dreg:$0x10] =	wrdreg s0;
	v20, _, _ =	vpop (xrf2);
	p0 =	por !p1, !p0  }
0x18c: {  	s21 =	sadd.s32 $0xFFFFFFE0, s29;
	s0 =	sadd.s32 $0xFFFFFFF0, s1;
	(v2sf) =	vpush v20, $0xF;
	p2 =	por !p0, !p0  }
0x18d: {  	v27 =	vld [tilespmem:s21+$0x0];
	s3 =	sand.u32 $0x70, s0;
	v29 =	vlaneseq.u32 @p2  }
0x18e: {  	v21 =	vld [tilespmem:s3+$0x10000];
	v20 =	vmul.u32 @p2 $0xFFFFFFFF, v29;
	_ =	sdelay $0x1  }
0x18f: {  	v20 =	vadd.s32 @p2 $0xF, v20  }
0x190: {  	v23 =	vperm.xlane @p2 v18, v20;
	_ =	sdelay $0x1  }
0x191: {  	v25 =	vmul.f32 v21, v27;
	(xrf2) =	vadd.scan.msk.f32 @p2 $0xffff, v23;
	_ =	sdelay $0x1  }
0x192: {  	(xrf2) =	vadd.scan.msk.f32 $0xffff, v25;
	_ =	sdelay $0x5  }
0x193: {  	[dreg:$0xf] =	wrdreg s7;
	s22 =	sshrl.u32 s6, $0x3;
	s30 =	spop (v2sf)  }
0x194: {  	s4 =	smax.u32 s22, $0x1;
	s7 =	sadd.f32 s30, s8  }
0x195: {  	s12 =	simm.s32 $0x0;
	v21 =	vmov s4;
	v23, _, _ =	vpop @p2 (xrf2)  }
0x196: {  	v21 =	vshll.u32 v21, $0x17;
	s12 =	simm.s32 @p2 $0x1;
	p4 =	sge.f32 s7, $9.830400000e+04;
	v30 =	vperm.xlane @p2 v23, v20  }
0x197: {  	v24 =	vsub.f32 v17, v18;
	v21 =	vbroadcast v21, $0x0;
	p0 =	por p2, p2;
	p3 =	seq.s32 s12, $0x0;
	v23, _, _ =	vpop (xrf2)  }
0x198: {  	s10 =	sadd.s32 $0xFFFFFFF0, s0;
	p1 =	por !p3, !p4;
	(v2sf) =	vpush v23, $0xF;
	v26 =	vadd.f32 @p0 s20, v30  }
0x199: {  	s9 =	sand.u32 $0x70, s10;
	v24 =	vmul.f32 $1.175494350e-38, v24;
	v17 =	vmul.f32 v17, v21;
	p4 =	por !p1, !p1  }
0x19a: {  	s5 =	sadd.s32 $0xFFFFFFD0, s29;
	p5 =	seq.s32 s22, $0x0;
	v28 =	vld [tilespmem:s9+$0x10000];
	v21 =	vor.u32 @p2 $0x80000000, v29;
	vm0 =	vge.f32 @p0 v26, $9.830400000e+04;
	v26 =	vlaneseq.u32 @p4  }
0x19b: {  	v32 =	vpsel p5, v24, v17;
	v23 =	vld [tilespmem:s5+$0x0];
	v17 =	vnsel @p0 vm0, $0x7FFFFFFF, v21;
	v21 =	vmul.u32 @p4 $0xFFFFFFFF, v26  }
0x19c: {  	v24 =	vperm.xlane @p2 v32, v20;
	(xrf0) =	vmax.scan.msk.u32 @p0 $0xffff, v17  }
0x19d: {  	v21 =	vadd.s32 @p4 $0xF, v21  }
0x19e: {  	(xrf2) =	vadd.scan.msk.f32 @p2 $0xffff, v24;
	v24 =	vperm.xlane @p4 v19, v21;
	_ =	sdelay $0x1  }
0x19f: {  	(xrf2) =	vadd.scan.msk.f32 $0xffff, v32;
	v17 =	vmul.f32 v28, v23  }
0x1a0: {  	(xrf2) =	vadd.scan.msk.f32 @p4 $0xffff, v24  }
0x1a1: {  	(xrf2) =	vadd.scan.msk.f32 $0xffff, v17;
	v24, _, _ =	vpop @p2 (xrf0)  }
0x1a2: {  	s11 =	sadd.s32 $0xFFFFFFFF, s6;
	(v2sf) =	vpush @p0 v24, $0xF  }
0x1a3: {  	s13 =	sshrl.u32 s11, $0x3  }
0x1a4: {  	s14 =	smax.u32 s13, $0x1  }
0x1a5: {  	v24 =	vmov s14  }
0x1a6: {  	v24 =	vshll.u32 v24, $0x17;
	s5 =	spop (v2sf)  }
0x1a7: {  	v24 =	vbroadcast v24, $0x0;
	s9 =	sadd.f32 s5, s7  }
0x1a8: {  	v33, _, _ =	vpop @p2 (xrf2)  }
0x1a9: {  	s3 =	simm.s32 @!p2 $0x0;
	s12 =	simm.s32 @p4 $0x1;
	v28 =	vsub.f32 v22, v19;
	v31, _, _ =	vpop (xrf2);
	p6 =	sge.f32 s9, $9.830400000e+04  }
0x1aa: {  	s3 =	simm.s32 @p2 $0x1;
	p2 =	seq.s32 s12, $0x0;
	v34, _, _ =	vpop @p4 (xrf2)  }
0x1ab: {  	v28 =	vmul.f32 $1.175494350e-38, v28;
	(v2sf) =	vpush v31, $0xF;
	v22 =	vmul.f32 v22, v24;
	p1 =	por !p2, !p6;
	v24, _, _ =	vpop (xrf2)  }
0x1ac: {  	p5 =	seq.s32 s13, $0x0;
	[smem:$0x7FB] =	sst s3;
	p6 =	por !p1, !p1;
	(v2sf) =	vpush v24, $0xF  }
0x1ad: {  	s18 =	sld [smem:$0x7FB];
	v31 =	vpsel p5, v28, v22;
	v22 =	vlaneseq.u32 @p6  }
0x1ae: {  	s15 =	sadd.s32 $0xFFFFFFC0, s29;
	s21 =	sadd.s32 $0xFFFFFFF0, s10;
	s4 =	simm.s32 @!p4 $0x0;
	v24 =	vperm.xlane @p4 v31, v21;
	v28 =	vmul.u32 @p6 $0xFFFFFFFF, v22  }
0x1af: {  	s16 =	sand.u32 $0x70, s21;
	s4 =	simm.s32 @p4 $0x1;
	v34 =	vperm.xlane @p4 v34, v21;
	s2 =	simm.s32 @!p6 $0x0  }
0x1b0: {  	p2 =	seq.s32 s18, $0x1;
	p1 =	por p4, p4;
	s2 =	simm.s32 @p6 $0x1;
	(xrf2) =	vadd.scan.msk.f32 @p4 $0xffff, v24;
	v24 =	vadd.s32 @p6 $0xF, v28  }
0x1b1: {  	v37 =	vld [tilespmem:s16+$0x10000];
	p5 =	por p0, p0;
	v35 =	vadd.f32 @p1 s8, v34;
	[smem:$0x7F8] =	sst s2;
	v36 =	vperm.xlane @p6 v25, v24;
	s2 =	spop @p2 (v2sf)  }
0x1b2: {  	[smem:$0x7FD] =	sst s4;
	(xrf2) =	vadd.scan.msk.f32 $0xffff, v31;
	v28 =	vld [tilespmem:s15+$0x0];
	s4 =	sxor.u32 @p5 $0x80000000, s2  }
0x1b3: {  	s22 =	sadd.s32 $0xFFFFFFFF, s11;
	v38 =	vor.u32 @p4 $0x80000000, v26;
	vm0 =	vge.f32 @p1 v35, $9.830400000e+04;
	(xrf2) =	vadd.scan.msk.f32 @p6 $0xffff, v36;
	v36 =	vmov @p5 s4  }
0x1b4: {  	s30 =	sshrl.u32 s22, $0x3;
	v35 =	vnsel @p1 vm0, $0x7FFFFFFF, v38;
	vm0 =	veq.s32 @p5 v36, v29  }
0x1b5: {  	[dreg:$0xd] =	wrdreg s6;
	s6 =	smax.u32 s30, $0x1;
	(xrf0) =	vmax.scan.msk.u32 @p1 $0xffff, v35;
	v29 =	vnsel @p5 vm0, $0x0, v30  }
0x1b6: {  	(xrf2) =	vadd.scan.msk.f32 @p5 $0xffff, v29;
	v29 =	vmov s6  }
0x1b7: {  	v30 =	vnsel @p5 vm0, $0x0, v18;
	v18 =	vmul.f32 v37, v28;
	v29 =	vshll.u32 v29, $0x17  }
0x1b8: {  	s3 =	simm.s32 @!p1 $0x0;
	(xrf2) =	vadd.scan.msk.f32 @p5 $0xffff, v30;
	v30 =	vsub.f32 v27, v25;
	v29 =	vbroadcast v29, $0x0  }
0x1b9: {  	s3 =	simm.s32 @p1 $0x1;
	(xrf2) =	vadd.scan.msk.f32 $0xffff, v18  }
0x1ba: {  	[smem:$0x7F5] =	sst s3;
	s3 =	spop (v2sf);
	v30 =	vmul.f32 $1.175494350e-38, v30;
	v27 =	vmul.f32 v27, v29  }
0x1bb: {  	p2 =	seq.s32 s30, $0x0;
	v36, _, _ =	vpop @p4 (xrf0);
	s11 =	spop (v2sf)  }
0x1bc: {  	v35, _, _ =	vpop @p4 (xrf2);
	s11 =	sadd.f32 s11, s9;
	v29 =	vpsel p2, v30, v27  }
0x1bd: {  	s13 =	sld [smem:$0x7FB];
	v58, _, _ =	vpop (xrf2);
	v27 =	vperm.xlane @p6 v29, v24  }
0x1be: {  	s12 =	simm.s32 @p6 $0x1;
	(v2sf) =	vpush @p1 v36, $0xF;
	v37, _, _ =	vpop @p6 (xrf2);
	p1 =	sge.f32 s11, $9.830400000e+04  }
0x1bf: {  	p2 =	seq.s32 s12, $0x0;
	v30 =	vperm.xlane @p6 v37, v24  }
0x1c0: {  	p3 =	por p6, p6;
	p1 =	por !p2, !p1;
	p2 =	seq.s32 s13, $0x1  }
0x1c1: {  	v33 =	vperm.xlane @p0 v33, v20;
	p0 =	por p3, p3;
	(v2sf) =	vpush v58, $0xF;
	v20 =	vadd.f32 @p3 s7, v30;
	(xrf2) =	vadd.scan.msk.f32 @p6 $0xffff, v27;
	p3 =	por p5, p5;
	v27, _, _ =	vpop @p2 (xrf2)  }
0x1c2: {  	v32 =	vnsel @p5 vm0, $0x0, v32;
	v37 =	vor.u32 @p6 $0x80000000, v22;
	p6 =	por !p1, !p1;
	(v2sf) =	vpush @p3 v27, $0xF;
	v27, _, _ =	vpop @p2 (xrf2)  }
0x1c3: {  	vm1 =	vge.f32 @p0 v20, $9.830400000e+04;
	v20 =	vlaneseq.u32 @p6;
	(v2sf) =	vpush @p3 v27, $0xF;
	v27, _, _ =	vpop (xrf2)  }
0x1c4: {  	(xrf2) =	vadd.scan.msk.f32 @p3 $0xffff, v32;
	v32 =	vnsel @p0 vm1, $0x7FFFFFFF, v37;
	v36 =	vmul.u32 @p6 $0xFFFFFFFF, v20;
	(v2sf) =	vpush v27, $0xF  }
0x1c5: {  	[dreg:$0xc] =	wrdreg s19;
	(xrf0) =	vmax.scan.msk.u32 @p0 $0xffff, v32  }
0x1c6: {  	[dreg:$0xe] =	wrdreg s28;
	v36 =	vadd.s32 @p6 $0xF, v36  }
0x1c7: {  	v33 =	vnsel @p5 vm0, $0x0, v33;
	s13 =	sld [smem:$0x7F8];
	s5 =	simm.s32 @!p3 $0x0;
	(xrf2) =	vadd.scan.msk.f32 $0xffff, v29;
	v27 =	vperm.xlane @p6 v17, v36  }
0x1c8: {  	s15 =	sadd.s32 $0xFFFFFFB0, s29;
	s18 =	sld [smem:$0x7F5];
	s5 =	simm.s32 @p3 $0x1;
	(xrf2) =	vadd.scan.msk.f32 @p3 $0xffff, v33  }
0x1c9: {  	s2 =	sadd.s32 @p5 s19, s2;
	[smem:$0x7F6] =	sst s5;
	s5 =	simm.s32 @!p0 $0x0  }
0x1ca: {  	s19 =	sld [smem:$0x7F8];
	p1 =	seq.s32 s13, $0x1;
	s5 =	simm.s32 @p0 $0x1  }
0x1cb: {  	s2 =	sadd.s32 @p5 $0x80000000, s2;
	[smem:$0x7F7] =	sst s5;
	s5 =	sadd.s32 $0xFFFFFFFF, s22;
	(xrf2) =	vadd.scan.msk.f32 @p6 $0xffff, v27;
	v27, _, _ =	vpop @p1 (xrf0)  }
0x1cc: {  	s31 =	smov.u32 @p5 s2;
	s6 =	sshrl.u32 s5, $0x3;
	(v2sf) =	vpush @p0 v27, $0xF;
	v27 =	vld [tilespmem:s15+$0x0];
	s15 =	sld [smem:$0x7FB]  }
0x1cd: {  	p3 =	seq.s32 s18, $0x1;
	s30 =	sld [smem:$0x7F6];
	s14 =	smax.u32 s6, $0x1  }
0x1ce: {  	s22 =	sadd.s32 $0xFFFFFFF0, s21;
	p3 =	por p3, p3;
	v59 =	vmov s14;
	s14 =	spop @p4 (v2sf)  }
0x1cf: {  	s16 =	sand.u32 $0x70, s22;
	v32 =	vshll.u32 v59, $0x17;
	s13 =	sxor.u32 @p3 $0x80000000, s14;
	v33, _, _ =	vpop @p1 (xrf2);
	p1 =	seq.s32 s15, $0x1  }
0x1d0: {  	v60 =	vld [tilespmem:s16+$0x10000];
	s16 =	sadd.s32 $0xFFFFFFFF, s5;
	p4 =	seq.s32 s6, $0x0;
	s4 =	spop (v2sf);
	v32 =	vbroadcast v32, $0x0;
	v40 =	vmov @p3 s13;
	v37, _, _ =	vpop @p1 (xrf2)  }
0x1d1: {  	s18 =	sshrl.u32 s16, $0x3;
	vm0 =	veq.s32 @p3 v40, v26;
	p0 =	seq.s32 s30, $0x1;
	v41, _, _ =	vpop (xrf2);
	s6 =	spop @p1 (v2sf)  }
0x1d2: {  	v39 =	vsub.f32 v23, v17;
	s30 =	smax.u32 s18, $0x1;
	v23 =	vmul.f32 v23, v32;
	v32 =	vnsel @p3 vm0, $0x0, v34;
	v34, _, _ =	vpop @p1 (xrf2);
	s15 =	spop @p1 (v2sf);
	p1 =	por p3, p3  }
0x1d3: {  	v61 =	vmov s30;
	s30 =	sld [smem:$0x7F5];
	s13 =	spop (v2sf);
	s5 =	simm.s32 @!p1 $0x0  }
0x1d4: {  	s12 =	simm.s32 @p6 $0x1;
	s13 =	sadd.f32 s13, s11;
	s5 =	simm.s32 @p1 $0x1  }
0x1d5: {  	p2 =	por p6, p6;
	s2 =	sadd.s32 @p3 s1, s14;
	(v2sf) =	vpush v41, $0xF;
	[smem:$0x7F9] =	sst s5  }
0x1d6: {  	s1 =	simm.s32 @!p2 $0x0;
	v26 =	vmul.f32 $1.175494350e-38, v39;
	(v2sf) =	vpush @p0 v34, $0xF;
	p0 =	seq.s32 s30, $0x1;
	s5 =	sld [smem:$0x7F6]  }
0x1d7: {  	s14 =	sld [smem:$0x7F7];
	s1 =	simm.s32 @p2 $0x1;
	v21 =	vperm.xlane @p0 v35, v21;
	p0 =	sge.f32 s13, $9.830400000e+04  }
0x1d8: {  	[smem:$0x7FC] =	sst s1;
	v19 =	vnsel @p3 vm0, $0x0, v19;
	(xrf2) =	vadd.scan.msk.f32 @p3 $0xffff, v32;
	v23 =	vpsel p4, v26, v23;
	p4 =	seq.s32 s12, $0x0  }
0x1d9: {  	s1 =	sadd.f32 s3, s28;
	(xrf2) =	vadd.scan.msk.f32 @p3 $0xffff, v19;
	v19 =	vmul.f32 v60, v27;
	p5 =	por !p4, !p0;
	p4 =	seq.s32 s5, $0x1  }
0x1da: {  	s2 =	sadd.s32 @p3 $0x80000000, s2;
	v32 =	vperm.xlane @p6 v23, v36;
	v26, _, _ =	vpop @p6 (xrf2);
	s3 =	sadd.f32 @p4 s6, s20  }
0x1db: {  	s31 =	smov.u32 @p3 s2;
	(xrf2) =	vadd.scan.msk.f32 $0xffff, v19;
	v26 =	vperm.xlane @p6 v26, v36;
	s6 =	sld [smem:$0x7FD]  }
0x1dc: {  	v31 =	vnsel @p3 vm0, $0x0, v31;
	(xrf2) =	vadd.scan.msk.f32 @p6 $0xffff, v32;
	p0 =	por !p5, !p5;
	p5 =	por p4, p4;
	s20 =	sld [smem:$0x7F9]  }
0x1dd: {  	v34 =	vadd.f32 @p2 s9, v26;
	(xrf2) =	vadd.scan.msk.f32 @p1 $0xffff, v31;
	p1 =	por p4, p4;
	p4 =	seq.s32 s14, $0x1;
	s2 =	ssub.f32 @p5 s3, s15  }
0x1de: {  	v62 =	vsub.f32 v28, v18;
	v32 =	vshll.u32 v61, $0x17;
	s5 =	simm.s32 @!p1 $0x0;
	v33 =	vperm.xlane @p4 v33, v24;
	p4 =	por p4, p4;
	s3 =	sadd.f32 s4, s1  }
0x1df: {  	v31 =	vor.u32 @p6 $0x80000000, v20;
	v32 =	vbroadcast v32, $0x0;
	vm1 =	vge.f32 @p2 v34, $9.830400000e+04;
	s25 =	smov.u32 @p5 s15;
	s12 =	simm.s32 @p0 $0x1;
	s15 =	sld [smem:$0x7FB]  }
0x1e0: {  	v31 =	vnsel @p2 vm1, $0x7FFFFFFF, v31;
	(v2sf) =	vpush @p1 v37, $0xF;
	s5 =	simm.s32 @p1 $0x1;
	p1 =	seq.s32 s19, $0x1;
	s19 =	sld [smem:$0x7FC]  }
0x1e1: {  	v34 =	vnsel @p3 vm0, $0x0, v21;
	v21 =	vmul.f32 $1.175494350e-38, v62;
	v28 =	vmul.f32 v28, v32;
	(xrf0) =	vmax.scan.msk.u32 @p2 $0xffff, v31;
	[smem:$0x7FA] =	sst s5;
	p2 =	seq.s32 s6, $0x1;
	s6 =	spop @p1 (v2sf)  }
0x1e2: {  	p1 =	seq.s32 s18, $0x0;
	s5 =	simm.s32 $0xFFFFFE40;
	s18 =	sadd.s32 $0xFFFFFFA0, s29  }
0x1e3: {  	v31, _, _ =	vpop @p2 (xrf2);
	v21 =	vpsel p1, v21, v28;
	p1 =	seq.s32 s20, $0x1;
	s14 =	sxor.u32 @p4 $0x80000000, s6;
	s30 =	sld [smem:$0x7FA]  }
0x1e4: {  	v24 =	vlaneseq.u32 @p0;
	s0 =	sadd.s32 @p4 s0, s6;
	s20 =	sadd.s32 $0xFFFFFFF0, s22;
	(v2sf) =	vpush @p1 v31, $0xF;
	v31, _, _ =	vpop @p2 (xrf2);
	p2 =	por p1, p1  }
0x1e5: {  	v35 =	vmul.u32 @p0 $0xFFFFFFFF, v24;
	v32 =	vmov @p4 s14;
	s4 =	sadd.s32 @p4 $0x80000000, s0;
	p3 =	seq.s32 s15, $0x1;
	s14 =	spop (v2sf)  }
0x1e6: {  	v28 =	vsub.f32 v27, v19;
	(v2sf) =	vpush @p1 v31, $0xF;
	v63, _, _ =	vpop (xrf2);
	(xrf2) =	vadd.scan.msk.f32 $0xffff, v23;
	p5 =	por p3, p3;
	p1 =	seq.s32 s30, $0x1;
	s30 =	sld [smem:$0x7FD]  }
0x1e7: {  	vm0 =	veq.s32 @p4 v32, v22;
	v32 =	vor.u32 @p0 $0x80000000, v24;
	v22 =	vadd.s32 @p0 $0xF, v35;
	s31 =	smov.u32 @p4 s4;
	s0 =	sadd.f32 s14, s3;
	v38, _, _ =	vpop @p6 (xrf2);
	(xrf2) =	vadd.scan.msk.f32 @p2 $0xffff, v34;
	p2 =	por p6, p6  }
0x1e8: {  	v31 =	vnsel @p4 vm0, $0x0, v30;
	v37 =	vperm.xlane @p0 v18, v22;
	v35 =	vnsel @p4 vm0, $0x0, v25;
	v25, _, _ =	vpop @p6 (xrf0);
	s6 =	spop @p3 (v2sf);
	p3 =	seq.s32 s19, $0x1;
	p6 =	por p0, p0  }
0x1e9: {  	(v2sf) =	vpush v63, $0xF;
	v30 =	vnsel @p4 vm0, $0x0, v33;
	v33 =	vnsel @p4 vm0, $0x0, v29;
	s26 =	smov.u32 @p1 s2;
	s19 =	sadd.f32 @p1 s6, s28;
	p1 =	seq.s32 s30, $0x1  }
0x1ea: {  	v34 =	vperm.xlane @p0 v21, v22;
	v29 =	vperm.xlane @p3 v38, v36;
	s2 =	sand.u32 $0x70, s20;
	(v2sf) =	vpush @p3 v25, $0xF;
	v25 =	vld [tilespmem:s18+$0x0];
	(xrf2) =	vadd.scan.msk.f32 @p0 $0xffff, v37;
	s15 =	smov.u32 s0;
	p0 =	por p1, p1;
	v36, _, _ =	vpop @p1 (xrf2)  }
.LBB2_14:
0x1eb: {  	s4 =	simm.s32 @!p0 $0x0  }
0x1ec: {  	p1 =	por p5, p5;
	s14 =	sld [smem:$0x7F8];
	s4 =	simm.s32 @p0 $0x1  }
0x1ed: {  	p5 =	por p0, p0;
	[smem:$0x7FB] =	sst s4;
	s4 =	simm.s32 @!p2 $0x0  }
0x1ee: {  	v37 =	vld [tilespmem:s2+$0x10000];
	s2 =	smov.u32 s5;
	s5 =	sadd.s32 $0xFFFFFFC0, s5;
	s4 =	simm.s32 @p2 $0x1  }
0x1ef: {  	p0 =	sne.s32 s5, $0xFFFFFC00;
	[smem:$0x7F8] =	sst s4;
	s4 =	simm.s32 @!p6 $0x0  }
0x1f0: {  	p3 =	seq.s32 s14, $0x1;
	s14 =	sld [smem:$0x7FA];
	s4 =	simm.s32 @p6 $0x1  }
0x1f1: {  	s16 =	sadd.s32 $0xFFFFFFFF, s16;
	[smem:$0x7F3] =	sst s4;
	s4 =	simm.s32 @!p0 $0x0  }
0x1f2: {  	s18 =	sld [smem:$0x7F9];
	s30 =	sshrl.u32 s16, $0x3;
	s4 =	simm.s32 @p0 $0x1  }
0x1f3: {  	p0 =	seq.s32 s14, $0x1;
	[smem:$0x7F4] =	sst s4;
	s4 =	spop @p1 (v2sf)  }
0x1f4: {  	s2 =	sshra.s32 s2, $0x2;
	s24 =	smov.u32 @p0 s4;
	s4 =	ssub.f32 @p0 s19, s4  }
0x1f5: {  	(xrf2) =	vadd.scan.msk.f32 @p4 $0xffff, v31;
	v31, _, _ =	vpop (xrf2);
	p1 =	seq.s32 s18, $0x1;
	s6 =	spop @p5 (v2sf);
	s19 =	sld [smem:$0x7FC]  }
0x1f6: {  	(v2sf) =	vpush v31, $0xF;
	s18 =	smax.u32 s30, $0x1;
	p2 =	por p1, p1;
	s6 =	sadd.f32 @p1 s6, s8  }
0x1f7: {  	s8 =	smov.u32 s7;
	s7 =	smov.u32 s9;
	s14 =	spop @p5 (v2sf)  }
0x1f8: {  	v31, _, _ =	vpop @p5 (xrf2);
	s9 =	smov.u32 s11;
	s11 =	smov.u32 s13;
	p5 =	por p4, p4  }
0x1f9: {  	v37 =	vmul.f32 v37, v25;
	(v2sf) =	vpush @p1 v31, $0xF;
	s23 =	smov.u32 @p0 s4;
	s28 =	spop (v2sf);
	s4 =	ssub.f32 @p1 s6, s14  }
0x1fa: {  	(xrf2) =	vadd.scan.msk.f32 @p4 $0xffff, v35;
	v35, _, _ =	vpop @p6 (xrf2);
	s25 =	smov.u32 @p1 s14;
	s14 =	simm.s32 @!p2 $0x0;
	s13 =	sadd.f32 s28, s13  }
0x1fb: {  	(xrf2) =	vadd.scan.msk.f32 $0xffff, v37;
	v38 =	vperm.xlane @p6 v35, v22;
	p1 =	seq.s32 s19, $0x1;
	s19 =	sld [smem:$0x7F8];
	s14 =	simm.s32 @p2 $0x1  }
0x1fc: {  	(xrf2) =	vadd.scan.msk.f32 @p6 $0xffff, v34;
	p4 =	por p1, p1;
	p1 =	por p6, p6;
	[smem:$0x7FA] =	sst s14  }
0x1fd: {  	s26 =	smov.u32 @p2 s4;
	v39 =	vadd.f32 @p1 s9, v38;
	s14 =	simm.s32 @!p3 $0x0;
	p6 =	sge.f32 s13, $9.830400000e+04  }
0x1fe: {  	v60 =	vmov s18;
	(v2sf) =	vpush @p2 v36, $0xF;
	p2 =	seq.s32 s12, $0x0;
	s14 =	simm.s32 @p3 $0x1;
	p0 =	seq.s32 s19, $0x1  }
0x1ff: {  	v35, _, _ =	vpop @p3 (xrf2);
	v61 =	vshll.u32 v60, $0x17;
	s4 =	simm.s32 @!p5 $0x0;
	[smem:$0x7FD] =	sst s14;
	vm0 =	vge.f32 @p1 v39, $9.830400000e+04;
	s6 =	spop @p0 (v2sf)  }
0x200: {  	(v2sf) =	vpush @p5 v35, $0xF;
	v35 =	vbroadcast v61, $0x0;
	p2 =	por !p2, !p6;
	v32 =	vnsel @p1 vm0, $0x7FFFFFFF, v32;
	s14 =	sxor.u32 @p4 $0x80000000, s6;
	s6 =	sadd.s32 @p4 s10, s6  }
0x201: {  	p6 =	seq.s32 s30, $0x0;
	s30 =	sld [smem:$0x7FB];
	(xrf0) =	vmax.scan.msk.u32 @p1 $0xffff, v32;
	s6 =	sadd.s32 @p4 $0x80000000, s6  }
0x202: {  	v62 =	vmul.f32 $1.175494350e-38, v28;
	v27 =	vmul.f32 v27, v35;
	s4 =	simm.s32 @p5 $0x1;
	s31 =	smov.u32 @p4 s6;
	s6 =	sld [smem:$0x7F3]  }
0x203: {  	s18 =	sadd.s32 s2, s29;
	(xrf2) =	vadd.scan.msk.f32 @p5 $0xffff, v33;
	[smem:$0x7F9] =	sst s4  }
0x204: {  	v34, _, _ =	vpop @p3 (xrf2);
	p0 =	por !p2, !p2;
	v27 =	vpsel p6, v62, v27;
	v32 =	vmov @p4 s14;
	s14 =	sld [smem:$0x7FD];
	p6 =	seq.s32 s30, $0x1  }
0x205: {  	v63, _, _ =	vpop (xrf2);
	vm0 =	veq.s32 @p4 v32, v20;
	v20 =	vmov v24;
	v24 =	vlaneseq.u32 @p0;
	s30 =	sld [smem:$0x7F4];
	p3 =	seq.s32 s6, $0x1;
	s28 =	spop (v2sf)  }
0x206: {  	(v2sf) =	vpush @p5 v34, $0xF;
	s10 =	smov.u32 s21;
	v34 =	vmul.u32 @p0 $0xFFFFFFFF, v24;
	v33 =	vnsel @p4 vm0, $0x0, v23;
	v23, _, _ =	vpop @p3 (xrf2);
	p2 =	por p3, p3;
	s0 =	sadd.f32 s28, s0  }
0x207: {  	(v2sf) =	vpush v63, $0xF;
	v39 =	vnsel @p4 vm0, $0x0, v29;
	v29 =	vperm.xlane @p1 v23, v22;
	v22, _, _ =	vpop @p3 (xrf0);
	p3 =	seq.s32 s14, $0x1;
	s14 =	simm.s32 @!p1 $0x0;
	s28 =	sld [smem:$0x7FA]  }
0x208: {  	v35 =	vnsel @p4 vm0, $0x0, v17;
	v17 =	vmovc v18;
	v18 =	vmovc v19;
	v36 =	vadd.s32 @p0 $0xF, v34;
	s4 =	spop @p6 (v2sf);
	s14 =	simm.s32 @p1 $0x1;
	(v2sf) =	vpush @p1 v22, $0xF;
	p1 =	seq.s32 s30, $0x1  }
.Ltmp10:
0x209: {  	v31 =	vsub.f32 v25, v37;
	(xrf2) =	vadd.scan.msk.f32 $0xffff, v21;
	s21 =	smov.u32 s22;
	s22 =	smov.u32 s20;
	v19 =	vmov v37;
	v37 =	vperm.xlane @p0 v18, v36;
	(pc) =	sbr.rel @p1 .LBB2_14-.Ltmp10, $4  }
0x20a: {  	s20 =	sadd.s32 $0xFFFFFFF0, s20;
	s12 =	simm.s32 @p0 $0x1;
	(xrf2) =	vadd.scan.msk.f32 @p5 $0xffff, v30;
	p5 =	por p6, p6  }
0x20b: {  	v32 =	vor.u32 @p0 $0x80000000, v24;
	v34 =	vperm.xlane @p0 v27, v36;
	p6 =	por p0, p0;
	(xrf2) =	vadd.scan.msk.f32 @p0 $0xffff, v37;
	[smem:$0x7FC] =	sst s14;
	p0 =	seq.s32 s28, $0x1  }
0x20c: {  	v28 =	vmovc v31;
	s2 =	sand.u32 $0x70, s20;
	v31 =	vnsel @p4 vm0, $0x0, v26;
	v26 =	vmovc v38;
	v30 =	vmov v39;
	v23 =	vmov v21;
	s19 =	sadd.f32 @p0 s4, s1;
	p0 =	por p3, p3  }
0x20d: {  	v21 =	vmov v27;
	v27 =	vmov v25;
	v25 =	vld [tilespmem:s18+$0x0];
	v22 =	vmov v36;
	v36, _, _ =	vpop @p3 (xrf2);
	s1 =	smov.u32 s3;
	s3 =	smov.u32 s15;
	s15 =	smov.u32 s0  }
0x20e: {  	_ = 	snop  }
0x20f: {  	v37 =	vld [tilespmem:s2+$0x10000];
	_ =	sdelay $0x1  }
0x210: {  	(xrf2) =	vadd.scan.msk.f32 @p4 $0xffff, v31;
	s5 =	sld [smem:$0x7F9]  }
0x211: {  	(xrf2) =	vadd.scan.msk.f32 @p4 $0xffff, v35  }
0x212: {  	v55, _, _ =	vpop (xrf2)  }
0x213: {  	p3 =	por p0, p0;
	v31 =	vmul.f32 v37, v25;
	(v2sf) =	vpush v55, $0xF;
	v35, _, _ =	vpop @p0 (xrf2);
	p0 =	seq.s32 s5, $0x1  }
0x214: {  	(v2sf) =	vpush @p0 v35, $0xF;
	p0 =	por p0, p0  }
0x215: {  	(xrf2) =	vadd.scan.msk.f32 $0xffff, v31;
	(v2sf) =	vpush @p0 v36, $0xF  }
0x216: {  	s6 =	sld [smem:$0x7F8]  }
0x217: {  	s2 =	simm.s32 @!p6 $0x0  }
0x218: {  	s2 =	simm.s32 @p6 $0x1  }
0x219: {  	[smem:$0x7EC] =	sst s2;
	p1 =	seq.s32 s6, $0x1;
	v35, _, _ =	vpop @p6 (xrf2);
	s2 =	simm.s32 @!p0 $0x0  }
0x21a: {  	p6 =	por p4, p4;
	s2 =	simm.s32 @p0 $0x1;
	v37, _, _ =	vpop @p1 (xrf2)  }
0x21b: {  	[smem:$0x7E5] =	sst s2;
	s2 =	simm.s32 @!p6 $0x0;
	(v2sf) =	vpush @p6 v37, $0xF;
	v36, _, _ =	vpop @p1 (xrf2)  }
0x21c: {  	s14 =	sld [smem:$0x7EC];
	s2 =	simm.s32 @p6 $0x1;
	(v2sf) =	vpush @p6 v36, $0xF  }
0x21d: {  	[smem:$0x7E6] =	sst s2;
	s2 =	spop @p5 (v2sf)  }
0x21e: {  	p4 =	por p3, p3;
	[dreg:$0x17] =	wrdreg s2;
	s2 =	spop @p3 (v2sf)  }
0x21f: {  	[dreg:$0x19] =	wrdreg s2;
	s2 =	spop @p4 (v2sf);
	v56, _, _ =	vpop (xrf2)  }
0x220: {  	s18 =	spop (v2sf);
	(v2sf) =	vpush v56, $0xF  }
0x221: {  	s6 =	sadd.f32 s18, s13;
	s18 =	spop @p2 (v2sf)  }
0x222: {  	p3 =	seq.s32 s14, $0x1;
	[dreg:$0x13] =	wrdreg s2;
	s4 =	spop (v2sf)  }
0x223: {  	p6 =	por p3, p3;
	[dreg:$0x12] =	wrdreg s4;
	s4 =	spop @p4 (v2sf)  }
0x224: {  	[dreg:$0x18] =	wrdreg s4;
	s2 =	spop @p4 (v2sf);
	s4 =	simm.s32 @!p6 $0x0  }
0x225: {  	[dreg:$0x14] =	wrdreg s2;
	s2 =	sadd.s32 $0xFFFFFFFF, s16;
	s4 =	simm.s32 @p6 $0x1  }
0x226: {  	[smem:$0x7E0] =	sst s4;
	s4 =	sshrl.u32 s2, $0x3  }
0x227: {  	s30 =	smax.u32 s4, $0x1  }
0x228: {  	v57 =	vmov s30;
	s30 =	sld [smem:$0x7FC]  }
0x229: {  	v35 =	vperm.xlane @p3 v35, v22  }
0x22a: {  	p5 =	sge.f32 s6, $9.830400000e+04;
	s5 =	spop @p1 (v2sf)  }
0x22b: {  	p0 =	seq.s32 s12, $0x0;
	v36 =	vadd.f32 @p6 s11, v35;
	s14 =	spop @p1 (v2sf);
	p1 =	seq.s32 s30, $0x1  }
0x22c: {  	p2 =	por !p0, !p5;
	p5 =	por p1, p1  }
0x22d: {  	vm0 =	vge.f32 @p6 v36, $9.830400000e+04;
	[dreg:$0x15] =	wrdreg s14;
	s14 =	simm.s32 @!p5 $0x0  }
0x22e: {  	v32 =	vnsel @p6 vm0, $0x7FFFFFFF, v32;
	[dreg:$0x16] =	wrdreg s5;
	s14 =	simm.s32 @p5 $0x1  }
0x22f: {  	(xrf0) =	vmax.scan.msk.u32 @p6 $0xffff, v32;
	p4 =	por !p2, !p2;
	s16 =	spop (v2sf);
	[smem:$0x7E4] =	sst s14  }
0x230: {  	v32 =	vlaneseq.u32 @p4;
	v36 =	vshll.u32 v57, $0x17;
	s5 =	sadd.f32 s16, s6;
	s14 =	smov.u32 s6;
	s6 =	sxor.u32 @p5 $0x80000000, s18  }
0x231: {  	v37 =	vmul.u32 @p4 $0xFFFFFFFF, v32;
	v58 =	vbroadcast v36, $0x0;
	v36 =	vmov @p5 s6;
	s6 =	sld [smem:$0x7E6];
	_ =	sdelay $0x2  }
0x232: {  	(xrf2) =	vadd.scan.msk.f32 @p3 $0xffff, v34;
	p0 =	seq.s32 s6, $0x1  }
0x233: {  	(xrf2) =	vadd.scan.msk.f32 @p0 $0xffff, v33;
	v33 =	vadd.s32 @p4 $0xF, v37;
	v37, _, _ =	vpop @p3 (xrf0)  }
0x234: {  	(v2sf) =	vpush @p6 v37, $0xF  }
0x235: {  	v28 =	vmul.f32 $1.175494350e-38, v28  }
0x236: {  	s12 =	simm.s32 @p4 $0x1;
	v27 =	vmul.f32 v27, v58;
	p2 =	sge.f32 s5, $9.830400000e+04;
	(xrf2) =	vadd.scan.msk.f32 $0xffff, v21;
	v34 =	vperm.xlane @p4 v19, v33  }
0x237: {  	vm0 =	veq.s32 @p5 v36, v20;
	p6 =	seq.s32 s12, $0x0;
	(xrf2) =	vadd.scan.msk.f32 @p0 $0xffff, v30;
	p0 =	seq.s32 s4, $0x0  }
0x238: {  	v26 =	vnsel @p5 vm0, $0x0, v26;
	p1 =	por !p6, !p2;
	p2 =	por p4, p4;
	s4 =	simm.s32 @!p4 $0x0;
	v20 =	vpsel p0, v28, v27;
	(xrf2) =	vadd.scan.msk.f32 @p4 $0xffff, v34  }
0x239: {  	v17 =	vnsel @p5 vm0, $0x0, v17;
	s4 =	simm.s32 @p4 $0x1;
	p4 =	por !p1, !p1;
	v27 =	vperm.xlane @p2 v20, v33;
	(xrf2) =	vadd.scan.msk.f32 @p5 $0xffff, v26  }
0x23a: {  	v26 =	vlaneseq.u32 @p4;
	(xrf2) =	vadd.scan.msk.f32 @p5 $0xffff, v17  }
0x23b: {  	s16 =	sld [smem:$0x7F8];
	v23 =	vnsel @p5 vm0, $0x0, v23;
	p6 =	por p5, p5;
	v17 =	vmul.u32 @p4 $0xFFFFFFFF, v26;
	(xrf2) =	vadd.scan.msk.f32 @p2 $0xffff, v27  }
0x23c: {  	(xrf2) =	vadd.scan.msk.f32 @p6 $0xffff, v23;
	v23 =	vnsel @p5 vm0, $0x0, v29  }
0x23d: {  	v17 =	vadd.s32 @p4 $0xF, v17  }
0x23e: {  	[dreg:$0x1b] =	wrdreg s18;
	v28, _, _ =	vpop @p3 (xrf2);
	p1 =	seq.s32 s16, $0x1;
	(xrf2) =	vadd.scan.msk.f32 $0xffff, v20;
	v27 =	vperm.xlane @p4 v31, v17  }
0x23f: {  	s30 =	sld [smem:$0x7E0];
	(xrf2) =	vadd.scan.msk.f32 @p6 $0xffff, v23;
	v23, _, _ =	vpop @p1 (xrf2)  }
0x240: {  	s18 =	sld [smem:$0x7F3];
	(xrf2) =	vadd.scan.msk.f32 @p4 $0xffff, v27;
	v59, _, _ =	vpop (xrf2)  }
0x241: {  	v29, _, _ =	vpop @p1 (xrf2)  }
0x242: {  	[smem:$0x7EF] =	sst s4;
	v30, _, _ =	vpop @p2 (xrf2)  }
0x243: {  	p5 =	seq.s32 s18, $0x1;
	v30 =	vperm.xlane @p2 v30, v33;
	s4 =	spop @p3 (v2sf);
	p3 =	seq.s32 s30, $0x1  }
0x244: {  	p1 =	por p2, p2;
	v34, _, _ =	vpop @p5 (xrf2);
	p0 =	por p3, p3  }
0x245: {  	v36, _, _ =	vpop @p5 (xrf2);
	v37 =	vadd.f32 @p1 s13, v30;
	[dreg:$0x1d] =	wrdreg s4;
	s5 =	simm.s32 @!p0 $0x0;
	s4 =	sxor.u32 @p0 $0x80000000, s4  }
0x246: {  	v38, _, _ =	vpop @p2 (xrf2);
	s5 =	simm.s32 @p0 $0x1;
	v40 =	vmov @p0 s4  }
0x247: {  	v41 =	vor.u32 @p2 $0x80000000, v32;
	v39, _, _ =	vpop @p5 (xrf2);
	vm1 =	vge.f32 @p1 v37, $9.830400000e+04;
	[smem:$0x7E7] =	sst s5  }
0x248: {  	v60, _, _ =	vpop (xrf2);
	vm0 =	veq.s32 @p0 v40, v24;
	v24 =	vnsel @p1 vm1, $0x7FFFFFFF, v41;
	s5 =	sld [smem:$0x7E6]  }
0x249: {  	(xrf0) =	vmax.scan.msk.u32 @p1 $0xffff, v24;
	v24 =	vnsel @p0 vm0, $0x0, v35;
	v40, _, _ =	vpop @p5 (xrf2)  }
0x24a: {  	[dreg:$0x1a] =	wrdreg s14;
	v18 =	vnsel @p0 vm0, $0x0, v18;
	(xrf2) =	vadd.scan.msk.f32 @p0 $0xffff, v24;
	v35, _, _ =	vpop @p4 (xrf2)  }
0x24b: {  	s6 =	sld [smem:$0x7EF];
	(v2sf) =	vpush v59, $0xF;
	(xrf2) =	vadd.scan.msk.f32 @p0 $0xffff, v18;
	p0 =	seq.s32 s5, $0x1;
	v24 =	vperm.xlane @p4 v35, v17  }
0x24c: {  	p3 =	por p4, p4;
	s4 =	simm.s32 @!p1 $0x0;
	(v2sf) =	vpush @p0 v29, $0xF;
	p2 =	por p0, p0  }
0x24d: {  	s16 =	sld [smem:$0x7EC];
	s4 =	simm.s32 @p1 $0x1;
	(v2sf) =	vpush @p2 v23, $0xF;
	v23 =	vor.u32 @p4 $0x80000000, v26;
	v18 =	vadd.f32 @p3 s14, v24  }
0x24e: {  	s2 =	sadd.s32 $0xFFFFFFFF, s2;
	[smem:$0x7E1] =	sst s4;
	s4 =	simm.s32 @!p2 $0x0  }
0x24f: {  	s18 =	sld [smem:$0x7E7];
	p0 =	seq.s32 s6, $0x1;
	s4 =	simm.s32 @p2 $0x1;
	(v2sf) =	vpush @p6 v34, $0xF;
	vm1 =	vge.f32 @p3 v18, $9.830400000e+04  }
0x250: {  	s2 =	sshrl.u32 s2, $0x3;
	[smem:$0x7E8] =	sst s4;
	s4 =	simm.s32 @!p6 $0x0;
	(v2sf) =	vpush @p6 v36, $0xF;
	v18 =	vnsel @p3 vm1, $0x7FFFFFFF, v23;
	v23, _, _ =	vpop @p0 (xrf0)  }
0x251: {  	p2 =	por p3, p3;
	s14 =	smax.u32 s2, $0x1;
	s4 =	simm.s32 @p6 $0x1;
	(xrf0) =	vmax.scan.msk.u32 @p3 $0xffff, v18;
	(v2sf) =	vpush @p1 v23, $0xF  }
0x252: {  	[smem:$0x7E9] =	sst s4;
	s4 =	simm.s32 @!p3 $0x0;
	p0 =	por p6, p6;
	(v2sf) =	vpush v60, $0xF  }
0x253: {  	s4 =	simm.s32 @p3 $0x1;
	v18 =	vmov s14;
	p3 =	seq.s32 s16, $0x1;
	(v2sf) =	vpush @p6 v40, $0xF;
	p6 =	seq.s32 s18, $0x1  }
0x254: {  	v18 =	vshll.u32 v18, $0x17;
	v23, _, _ =	vpop @p3 (xrf2);
	(v2sf) =	vpush @p0 v39, $0xF;
	p1 =	por p6, p6  }
0x255: {  	v61 =	vsub.f32 v25, v31;
	[smem:$0x7E2] =	sst s4;
	s4 =	simm.s32 @!p0 $0x0;
	v18 =	vbroadcast v18, $0x0;
	(v2sf) =	vpush @p1 v23, $0xF  }
0x256: {  	s5 =	sld [smem:$0x7E0];
	s4 =	simm.s32 @p0 $0x1;
	v23, _, _ =	vpop @p3 (xrf2)  }
0x257: {  	v62 =	vmul.f32 $1.175494350e-38, v61;
	[smem:$0x7EA] =	sst s4;
	v18 =	vmul.f32 v25, v18;
	(v2sf) =	vpush @p1 v23, $0xF;
	v23, _, _ =	vpop @p4 (xrf0)  }
0x258: {  	s4 =	sld [smem:$0x7F8];
	(v2sf) =	vpush @p2 v23, $0xF;
	p2 =	seq.s32 s2, $0x0  }
0x259: {  	v18 =	vpsel p2, v62, v18  }
0x25a: {  	s6 =	sld [smem:$0x7E1];
	v23 =	vperm.xlane @p4 v18, v17  }
0x25b: {  	s30 =	spop (v2sf);
	p0 =	seq.s32 s5, $0x1;
	p2 =	seq.s32 s4, $0x1  }
0x25c: {  	s14 =	sld [smem:$0x7EF];
	v21 =	vnsel @p6 vm0, $0x0, v21;
	v22 =	vperm.xlane @p0 v28, v22;
	s18 =	spop @p2 (v2sf);
	(xrf2) =	vadd.scan.msk.f32 @p4 $0xffff, v23  }
0x25d: {  	p0 =	por p6, p6;
	s2 =	simm.s32 @!p1 $0x0;
	s4 =	spop @p2 (v2sf);
	(xrf2) =	vadd.scan.msk.f32 @p1 $0xffff, v21  }
0x25e: {  	s2 =	simm.s32 @p1 $0x1;
	s28 =	spop @p5 (v2sf);
	v21 =	vnsel @p0 vm0, $0x0, v22;
	(xrf2) =	vadd.scan.msk.f32 $0xffff, v18  }
0x25f: {  	s5 =	spop @p5 (v2sf);
	p0 =	seq.s32 s6, $0x1;
	(xrf2) =	vadd.scan.msk.f32 @p1 $0xffff, v21;
	p1 =	seq.s32 s14, $0x1  }
0x260: {  	[smem:$0x7ED] =	sst s2;
	p2 =	por p0, p0;
	s2 =	spop @p1 (v2sf)  }
0x261: {  	[dreg:$0x1c] =	wrdreg s30;
	s6 =	sxor.u32 @p2 $0x80000000, s2;
	s16 =	spop (v2sf)  }
0x262: {  	s30 =	sld [smem:$0x7E2];
	v21 =	vmov @p2 s6;
	s6 =	spop @p5 (v2sf)  }
0x263: {  	s14 =	spop @p5 (v2sf)  }
0x264: {  	p6 =	por p4, p4;
	[smem:$0x7EB] =	sst s6;
	s6 =	spop @p3 (v2sf)  }
0x265: {  	p1 =	seq.s32 s30, $0x1;
	[dreg:$0x1f] =	wrdreg s6;
	s6 =	simm.s32 @!p6 $0x0  }
0x266: {  	[dreg:$0x1e] =	wrdreg s16;
	vm0 =	veq.s32 @p2 v21, v32;
	s16 =	spop @p3 (v2sf);
	s6 =	simm.s32 @p6 $0x1  }
0x267: {  	p4 =	por p1, p1;
	v21 =	vnsel @p2 vm0, $0x0, v30;
	[smem:$0x7F1] =	sst s6;
	s6 =	spop @p6 (v2sf)  }
0x268: {  	(xrf2) =	vadd.scan.msk.f32 @p2 $0xffff, v21;
	v21 =	vperm.xlane @p0 v38, v33;
	p0 =	por p2, p2;
	s30 =	sxor.u32 @p4 $0x80000000, s6  }
0x269: {  	v23 =	vmov @p4 s30;
	s30 =	simm.s32 @!p0 $0x0  }
0x26a: {  	s30 =	simm.s32 @p0 $0x1  }
0x26b: {  	[smem:$0x7F0] =	sst s30  }
0x26c: {  	s30 =	sld [smem:$0x7F9];
	_ =	sdelay $0x2  }
0x26d: {  	v22, _, _ =	vpop @p6 (xrf2);
	p6 =	seq.s32 s30, $0x1;
	s30 =	rddreg [dreg:$0x19]  }
0x26e: {  	s8 =	sadd.f32 @p6 s30, s8  }
0x26f: {  	v19 =	vnsel @p2 vm0, $0x0, v19;
	s30 =	sld [smem:$0x7ED]  }
0x270: {  	v20 =	vnsel @p2 vm0, $0x0, v20;
	(xrf2) =	vadd.scan.msk.f32 @p2 $0xffff, v19  }
0x271: {  	v25, _, _ =	vpop @p3 (xrf2);
	v19 =	vnsel @p2 vm0, $0x0, v21;
	(xrf2) =	vadd.scan.msk.f32 @p0 $0xffff, v20  }
0x272: {  	(xrf2) =	vadd.scan.msk.f32 @p0 $0xffff, v19;
	p0 =	seq.s32 s30, $0x1  }
0x273: {  	v17 =	vperm.xlane @p1 v22, v17;
	p1 =	por p0, p0  }
0x274: {  	s30 =	simm.s32 @!p1 $0x0  }
0x275: {  	s30 =	simm.s32 @p1 $0x1  }
0x276: {  	[smem:$0x7EE] =	sst s30  }
0x277: {  	v63, _, _ =	vpop (xrf2);
	s30 =	sld [smem:$0x7FA]  }
0x278: {  	(v2sf) =	vpush v63, $0xF;
	v20, _, _ =	vpop @p3 (xrf2);
	vm0 =	veq.s32 @p4 v23, v26  }
0x279: {  	v21 =	vnsel @p4 vm0, $0x0, v24;
	(v2sf) =	vpush @p0 v20, $0xF  }
0x27a: {  	v19 =	vnsel @p4 vm0, $0x0, v31;
	(xrf2) =	vadd.scan.msk.f32 @p4 $0xffff, v21;
	(v2sf) =	vpush @p1 v25, $0xF;
	p1 =	por p4, p4;
	p3 =	seq.s32 s30, $0x1;
	s30 =	rddreg [dreg:$0x17]  }
0x27b: {  	(xrf2) =	vadd.scan.msk.f32 @p4 $0xffff, v19;
	[smem:$0x7E3] =	sst s0;
	s0 =	simm.s32 @!p1 $0x0  }
0x27c: {  	s0 =	simm.s32 @p1 $0x1  }
0x27d: {  	[smem:$0x7F2] =	sst s0  }
0x27e: {  	s0 =	sld [smem:$0x7E3]  }
0x27f: {  	s19 =	ssub.f32 @p3 s19, s30  }
0x280: {  	s24 =	smov.u32 @p3 s30;
	s30 =	rddreg [dreg:$0x1b]  }
0x281: {  	[smem:$0x7E3] =	sst s0  }
0x282: {  	s0 =	sld [smem:$0x7E4];
	_ =	sdelay $0x2  }
0x283: {  	p0 =	seq.s32 s0, $0x1;
	s0 =	sld [smem:$0x7E3]  }
0x284: {  	s23 =	smov.u32 @p3 s19;
	s19 =	rddreg [dreg:$0x13]  }
0x285: {  	s10 =	sadd.s32 @p0 s10, s30;
	s30 =	sld [smem:$0x7E5]  }
0x286: {  	s8 =	ssub.f32 @p6 s8, s19  }
0x287: {  	s25 =	smov.u32 @p6 s19;
	s19 =	sld [smem:$0x7F0];
	s10 =	sadd.s32 @p0 $0x80000000, s10  }
0x288: {  	v18 =	vnsel @p4 vm0, $0x0, v18;
	s31 =	smov.u32 @p0 s10;
	s10 =	sld [smem:$0x7E7]  }
0x289: {  	v17 =	vnsel @p4 vm0, $0x0, v17;
	(xrf2) =	vadd.scan.msk.f32 @p1 $0xffff, v18;
	p5 =	seq.s32 s30, $0x1;
	s30 =	rddreg [dreg:$0x18]  }
0x28a: {  	(xrf2) =	vadd.scan.msk.f32 @p1 $0xffff, v17;
	p1 =	seq.s32 s19, $0x1;
	s19 =	sld [smem:$0x7E8]  }
0x28b: {  	s1 =	sadd.f32 @p5 s30, s1  }
0x28c: {  	s30 =	sld [smem:$0x7EF]  }
0x28d: {  	s26 =	smov.u32 @p5 s8;
	s8 =	rddreg [dreg:$0x14]  }
0x28e: {  	s1 =	ssub.f32 @p5 s1, s8  }
0x28f: {  	s24 =	smov.u32 @p5 s8;
	s8 =	rddreg [dreg:$0x16]  }
0x290: {  	p6 =	seq.s32 s19, $0x1;
	s19 =	sld [smem:$0x7F0]  }
0x291: {  	p0 =	seq.s32 s30, $0x1;
	s30 =	sld [smem:$0x7E6]  }
0x292: {  	s3 =	sadd.f32 @p6 s18, s3  }
0x293: {  	p3 =	por p5, p5;
	s18 =	sld [smem:$0x7EF]  }
0x294: {  	s23 =	smov.u32 @p3 s1;
	s1 =	rddreg [dreg:$0x1d];
	p3 =	seq.s32 s10, $0x1  }
0x295: {  	s1 =	sadd.s32 @p3 s21, s1;
	s21 =	sld [smem:$0x7E9]  }
0x296: {  	p5 =	seq.s32 s30, $0x1;
	s30 =	sld [smem:$0x7F1]  }
0x297: {  	s7 =	sadd.f32 @p5 s8, s7  }
0x298: {  	v17, _, _ =	vpop @p0 (xrf2);
	s1 =	sadd.s32 @p3 $0x80000000, s1;
	s8 =	rddreg [dreg:$0x15]  }
0x299: {  	(v2sf) =	vpush @p1 v17, $0xF;
	v17, _, _ =	vpop @p0 (xrf2);
	s31 =	smov.u32 @p3 s1;
	s1 =	ssub.f32 @p6 s3, s4  }
0x29a: {  	v18, _, _ =	vpop @p0 (xrf2);
	s7 =	ssub.f32 @p5 s7, s8  }
0x29b: {  	(v2sf) =	vpush @p1 v17, $0xF;
	v17, _, _ =	vpop @p0 (xrf2);
	p0 =	por p6, p6;
	s25 =	smov.u32 @p5 s8;
	s8 =	sld [smem:$0x7EA]  }
0x29c: {  	s23 =	smov.u32 @p0 s1;
	s1 =	sadd.s32 @p2 s22, s2;
	s22 =	rddreg [dreg:$0x1e]  }
0x29d: {  	p3 =	seq.s32 s30, $0x1;
	s30 =	sld [smem:$0x7F2]  }
0x29e: {  	s1 =	sadd.s32 @p2 $0x80000000, s1;
	s26 =	smov.u32 @p6 s7;
	s7 =	sld [smem:$0x7F2]  }
0x29f: {  	p6 =	seq.s32 s21, $0x1;
	s31 =	smov.u32 @p2 s1;
	s1 =	sld [smem:$0x7EB]  }
0x2a0: {  	s3 =	sadd.f32 @p6 s28, s9  }
0x2a1: {  	s21 =	sld [smem:$0x7F1]  }
0x2a2: {  	s2 =	ssub.f32 @p6 s3, s5  }
0x2a3: {  	(v2sf) =	vpush @p1 v17, $0xF;
	p5 =	por p1, p1;
	p1 =	seq.s32 s8, $0x1;
	s3 =	sld [smem:$0x7EC]  }
0x2a4: {  	s1 =	sadd.f32 @p1 s1, s15  }
0x2a5: {  	s10 =	spop (v2sf);
	s24 =	smov.u32 @p0 s4;
	s15 =	sld [smem:$0x7ED]  }
0x2a6: {  	v17, _, _ =	vpop @p3 (xrf2);
	s25 =	smov.u32 @p6 s5;
	s9 =	rddreg [dreg:$0x12];
	p6 =	seq.s32 s3, $0x1  }
0x2a7: {  	(v2sf) =	vpush @p5 v18, $0xF;
	v18, _, _ =	vpop @p3 (xrf2);
	p0 =	seq.s32 s7, $0x1;
	s5 =	rddreg [dreg:$0x1f];
	s3 =	spop @p6 (v2sf)  }
0x2a8: {  	(v2sf) =	vpush @p0 v17, $0xF;
	v17, _, _ =	vpop @p3 (xrf2);
	s1 =	ssub.f32 @p1 s1, s14;
	s4 =	spop @p6 (v2sf);
	p6 =	seq.s32 s15, $0x1  }
0x2a9: {  	(v2sf) =	vpush @p0 v18, $0xF;
	v18, _, _ =	vpop @p3 (xrf2);
	s5 =	sadd.f32 @p6 s5, s11  }
0x2aa: {  	s8 =	rddreg [dreg:$0x1a];
	(v2sf) =	vpush @p0 v18, $0xF  }
0x2ab: {  	p0 =	por p0, p0;
	s23 =	smov.u32 @p1 s1;
	s1 =	ssub.f32 @p6 s5, s16  }
0x2ac: {  	(v2sf) =	vpush @p0 v17, $0xF;
	s25 =	smov.u32 @p6 s16;
	s16 =	sld [smem:$0x7EE]  }
0x2ad: {  	s28 =	rddreg [dreg:$0xe]  }
0x2ae: {  	s0 =	sadd.f32 s9, s0;
	s24 =	smov.u32 @p1 s14  }
0x2af: {  	s26 =	smov.u32 @p1 s2;
	s2 =	sadd.s32 @p4 s20, s6;
	p2 =	seq.s32 s16, $0x1  }
0x2b0: {  	p3 =	seq.s32 s18, $0x1;
	s2 =	sadd.s32 @p4 $0x80000000, s2;
	s3 =	sadd.f32 @p2 s3, s0  }
0x2b1: {  	s20 =	rddreg [dreg:$0x1c];
	s31 =	smov.u32 @p4 s2;
	p1 =	seq.s32 s19, $0x1  }
0x2b2: {  	s2 =	spop @p3 (v2sf);
	s26 =	smov.u32 @p2 s1;
	s1 =	ssub.f32 @p2 s3, s4  }
0x2b3: {  	s2 =	sadd.f32 @p1 s2, s13  }
0x2b4: {  	s0 =	sadd.f32 s20, s0;
	s23 =	smov.u32 @p2 s1;
	s1 =	spop @p3 (v2sf)  }
0x2b5: {  	s2 =	ssub.f32 @p1 s2, s1;
	s25 =	smov.u32 @p1 s1;
	s1 =	spop @p3 (v2sf)  }
0x2b6: {  	s19 =	rddreg [dreg:$0xc];
	p1 =	seq.s32 s21, $0x1;
	s3 =	spop @p3 (v2sf)  }
0x2b7: {  	s24 =	smov.u32 @p2 s4;
	s1 =	sadd.f32 @p5 s1, s0;
	s4 =	spop @p1 (v2sf)  }
0x2b8: {  	s0 =	sadd.f32 s22, s0;
	s5 =	spop @p1 (v2sf)  }
0x2b9: {  	s1 =	ssub.f32 @p5 s1, s3;
	s6 =	spop @p1 (v2sf)  }
0x2ba: {  	s0 =	sadd.f32 @p0 s6, s0  }
0x2bb: {  	s12 =	simm.s32 @p1 $0x1;
	s7 =	spop @p1 (v2sf);
	s6 =	rddreg [dreg:$0xd]  }
0x2bc: {  	p1 =	seq.s32 s30, $0x1;
	s23 =	smov.u32 @p5 s1;
	s1 =	rddreg [dreg:$0x11]  }
.Ltmp11:
0x2bd: {  	s4 =	sadd.f32 @p1 s4, s8;
	(pc) =	sbr.rel .LBB2_16-.Ltmp11, $4  }
0x2be: {  	s0 =	ssub.f32 @p0 s0, s7  }
0x2bf: {  	s26 =	smov.u32 @p5 s2;
	s24 =	smov.u32 @p5 s3;
	s2 =	ssub.f32 @p1 s4, s5  }
0x2c0: {  	s25 =	smov.u32 @p1 s5;
	s24 =	smov.u32 @p0 s7;
	s7 =	rddreg [dreg:$0xf]  }
0x2c1: {  	s23 =	smov.u32 @p0 s0;
	s0 =	rddreg [dreg:$0x10];
	s26 =	smov.u32 @p0 s2  }
.LBB2_18:
0x2c2: {  	_ =	sfence.sel $0x180000  }
0x2c3: {  	[bflag:$0x0] =	sbarrier.arrive $0xFFFF  }
0x2c4: {  	_ =	strace $0x90000047  }
0x2c5: {  	s0 =	stileid.u32;
	[bflag:$0x2] =	sbarrier.arrive $0xFFFF  }
0x2c6: {  	p0 =	sne.s32 s0, $0x0;
	s0 =	rddreg [dreg:$0x3]  }
0x2c7: {  	s0 =	sadd.s32 @!p0 $0x100000, s0  }
0x2c8: {  	[sflag:s0] =	ssyncadd.tile.s32 @!p0 $0x1;
	_ =	shalt  }
.Lfunc_end2:
_tile_overlayer_lowered:
.L_overlay_start_2:
0x2c9: {  	(tag) =	ssettag $0x2  }
0x2ca: {  	s0 =	rddreg [dreg:$0x0];
	s2 =	stileid.u32  }
0x2cb: {  	s1 =	rddreg [dreg:$0x1];
	p0 =	sne.s32 s2, $0x0  }
0x2cc: {  	s3 =	rddreg [dreg:$0x2];
	[bflag:$0x3] =	sbarrier.arrive $0xFFFF;
	s2 =	simm.s32 @!p0 $0x1C05  }
0x2cd: {  	[timem:s3], [sflag:s2] =	dma.local @!p0 [hbm:s0], s1  }
0x2ce: {  	s0 =	simm.s32 @!p0 $0x5  }
0x2cf: {  	_ =	swait.ge @!p0 [sflag:s0], s1  }
0x2d0: {  	s1 =	ssub.s32 @!p0 $0x0, s1;
	[sflag:s0] =	ssyncset.done @!p0 $0x0  }
0x2d1: {  	[sflag:s0] =	ssyncadd.s32 @!p0 s1  }
0x2d2: {  	[bflag:$0x3] =	sbarrier.arrive $0xFFFF  }
0x2d3: {  	_ =	shalt  }

</sc_bundles>
